<compile_context>
chip_gen: v7x
topology: tpu7x:2x2x1
jax: 0.10.2.dev20260603
libtpu: 0.0.44.dev20260713+nightly
codegen_flags: <defaults>
</compile_context>

<pallas_src>
import functools

import jax
import jax.numpy as jnp
from jax import lax
from jax.experimental import pallas as pl
from jax.experimental.pallas import tpu as pltpu
from jax.experimental.pallas import tpu_sc as plsc

N = 10000
NP = 10240
E = 320000
D = 128
DH = D // 2
NC = 2
NS = 16
NW = NC * NS
NPT = NP // NS
DEGW = 16

EPAD = 327680

EPT_DEG = EPAD // NW
KDEG = 128
NCH_DEG = EPT_DEG // KDEG

K = 128
EPT_AGG = EPAD // NS
NCH_AGG = EPT_AGG // K

_mesh = plsc.VectorSubcoreMesh(core_axis_name="c", subcore_axis_name="s")


@functools.partial(
    pl.kernel,
    mesh=_mesh,
    out_type=(
        jax.ShapeDtypeStruct((NP, DEGW), jnp.float32),
        jax.ShapeDtypeStruct((NP, DEGW), jnp.float32),
    ),
    scratch_types=[
        pltpu.VMEM((4, KDEG), jnp.int32),
        pltpu.VMEM((KDEG, DEGW), jnp.float32),
        pltpu.VMEM((NPT, DEGW), jnp.float32),
        pltpu.VMEM_SHARED((NP, DEGW), jnp.float32),
        pltpu.SemaphoreType.DMA,
        pltpu.SemaphoreType.DMA,
        pltpu.SemaphoreType.DMA,
        pltpu.SemaphoreType.DMA,
    ],
    compiler_params=pltpu.CompilerParams(use_tc_tiling_on_sc=False),
)
def _deg_kernel(dst_hbm, d0_hbm, d1_hbm, idx_v, ones_v, zero_v, deg_sh,
                isem0, isem1, isem2, isem3):
    c = lax.axis_index("c")
    s = lax.axis_index("s")
    wid = c * NS + s
    isems = [isem0, isem1, isem2, isem3]
    ebase = wid * EPT_DEG

    def idx_fetch(j, b):
        pltpu.async_copy(dst_hbm.at[pl.ds(ebase + j * KDEG, KDEG)],
                         idx_v.at[b], isems[b])

    def idx_wait(b):
        pltpu.make_async_copy(dst_hbm.at[pl.ds(0, KDEG)], idx_v.at[b],
                              isems[b]).wait()

    def fill_ones(i, _):
        ones_v[i, :] = jnp.full((DEGW,), 1.0, jnp.float32)
        return 0

    lax.fori_loop(0, KDEG, fill_ones, 0)

    def fill_zero(i, _):
        zero_v[i, :] = jnp.zeros((DEGW,), jnp.float32)
        return 0

    lax.fori_loop(0, NPT, fill_zero, 0)

    idx_fetch(0, 0)
    idx_fetch(1, 1)
    idx_fetch(2, 2)
    idx_fetch(3, 3)
    pltpu.sync_copy(zero_v, deg_sh.at[pl.ds(s * NPT, NPT)])
    plsc.subcore_barrier()

    def body(jo, _):
        for b in range(4):
            j = 4 * jo + b
            idx_wait(b)
            pltpu.sync_copy(ones_v, deg_sh.at[idx_v.at[b]], add=True)

            @pl.when(j + 4 < NCH_DEG)
            def _():
                idx_fetch(j + 4, b)

        return 0

    lax.fori_loop(0, NCH_DEG // 4, body, 0)
    plsc.subcore_barrier()

    @pl.when(c == 0)
    def _():
        pltpu.sync_copy(deg_sh.at[pl.ds(s * NPT, NPT)],
                        d0_hbm.at[pl.ds(s * NPT, NPT)])

    @pl.when(c == 1)
    def _():
        pltpu.sync_copy(deg_sh.at[pl.ds(s * NPT, NPT)],
                        d1_hbm.at[pl.ds(s * NPT, NPT)])


@functools.partial(
    pl.kernel,
    mesh=_mesh,
    out_type=jax.ShapeDtypeStruct((2 * NP, DH), jnp.float32),
    scratch_types=[
        pltpu.VMEM((5, K), jnp.int32),
        pltpu.VMEM((5, K), jnp.int32),
        pltpu.VMEM((5, K, DH), jnp.float32),
        pltpu.VMEM_SHARED((NP, DH), jnp.float32),
        pltpu.SemaphoreType.DMA,
        pltpu.SemaphoreType.DMA,
        pltpu.SemaphoreType.DMA,
        pltpu.SemaphoreType.DMA,
        pltpu.SemaphoreType.DMA,
        pltpu.SemaphoreType.DMA,
        pltpu.SemaphoreType.DMA,
        pltpu.SemaphoreType.DMA,
        pltpu.SemaphoreType.DMA,
        pltpu.SemaphoreType.DMA,
    ],
    compiler_params=pltpu.CompilerParams(use_tc_tiling_on_sc=False),
)
def _agg_kernel(g_hbm, srcb_hbm, dst_hbm, p_hbm,
                sidx_v, didx_v, rows_v, acc_sh,
                gsem0, gsem1, gsem2, gsem3, gsem4,
                isem0, isem1, isem2, isem3, isem4):
    c = lax.axis_index("c")
    s = lax.axis_index("s")
    gsems = [gsem0, gsem1, gsem2, gsem3, gsem4]
    isems = [isem0, isem1, isem2, isem3, isem4]
    ebase = s * EPT_AGG

    def idx_fetch(j, b):
        base = ebase + j * K
        pltpu.async_copy(srcb_hbm.at[c, pl.ds(base, K)], sidx_v.at[b],
                         isems[b])
        pltpu.async_copy(dst_hbm.at[pl.ds(base, K)], didx_v.at[b], isems[b])

    def idx_wait(b):
        pltpu.make_async_copy(srcb_hbm.at[c, pl.ds(0, K)], sidx_v.at[b],
                              isems[b]).wait()
        pltpu.make_async_copy(dst_hbm.at[pl.ds(0, K)], didx_v.at[b],
                              isems[b]).wait()

    def gather_start(b):
        pltpu.async_copy(g_hbm.at[sidx_v.at[b]], rows_v.at[b], gsems[b])

    def gather_wait(b):
        pltpu.make_async_copy(g_hbm.at[sidx_v.at[b]], rows_v.at[b],
                              gsems[b]).wait()

    pltpu.sync_copy(g_hbm.at[pl.ds(c * NP + s * NPT, NPT)],
                    acc_sh.at[pl.ds(s * NPT, NPT)])
    plsc.subcore_barrier()

    idx_fetch(0, 0)
    idx_fetch(1, 1)
    idx_fetch(2, 2)
    idx_fetch(3, 3)
    idx_wait(0)
    gather_start(0)
    idx_wait(1)
    gather_start(1)
    idx_wait(2)
    gather_start(2)
    idx_fetch(4, 4)

    def body(jo, _):
        for b in range(5):
            j = 5 * jo + b
            b3 = (b + 3) % 5
            gather_wait(b)

            @pl.when(j + 3 < NCH_AGG)
            def _():
                idx_wait(b3)
                gather_start(b3)

            pltpu.sync_copy(rows_v.at[b], acc_sh.at[didx_v.at[b]], add=True)

            @pl.when(j + 5 < NCH_AGG)
            def _():
                idx_fetch(j + 5, b)

        return 0

    lax.fori_loop(0, NCH_AGG // 5, body, 0)
    plsc.subcore_barrier()
    pltpu.sync_copy(acc_sh.at[pl.ds(s * NPT, NPT)],
                    p_hbm.at[pl.ds(c * NP + s * NPT, NPT)])


SBLK = 640
FBLK = 1000


def _scale_body(x_ref, w_ref, d0_ref, d1_ref, g_ref):
    deg = 1.0 + d0_ref[:, 0:1] + d1_ref[:, 0:1]
    dis = lax.rsqrt(deg)
    h = jnp.dot(x_ref[...], w_ref[...], preferred_element_type=jnp.float32)
    g = h * dis
    g_ref[0] = g[:, :DH]
    g_ref[1] = g[:, DH:]


_scale_call = pl.pallas_call(
    _scale_body,
    grid=(NP // SBLK,),
    in_specs=[
        pl.BlockSpec((SBLK, D), lambda i: (i, 0)),
        pl.BlockSpec((D, D), lambda i: (0, 0)),
        pl.BlockSpec((SBLK, DEGW), lambda i: (i, 0)),
        pl.BlockSpec((SBLK, DEGW), lambda i: (i, 0)),
    ],
    out_specs=pl.BlockSpec((2, SBLK, DH), lambda i: (0, i, 0)),
    out_shape=jax.ShapeDtypeStruct((2, NP, DH), jnp.float32),
)


def _final_body(p0_ref, p1_ref, d0_ref, d1_ref, b_ref, o_ref):
    deg = 1.0 + d0_ref[:, 0:1] + d1_ref[:, 0:1]
    dis = lax.rsqrt(deg)
    p = jnp.concatenate([p0_ref[...], p1_ref[...]], axis=1)
    z = dis * p + b_ref[...]
    m = jnp.max(z, axis=1, keepdims=True)
    e = jnp.exp(z - m)
    ssum = jnp.sum(e, axis=1, keepdims=True)
    o_ref[...] = z - m - jnp.log(ssum)


_final_call = pl.pallas_call(
    _final_body,
    grid=(N // FBLK,),
    in_specs=[
        pl.BlockSpec((FBLK, DH), lambda i: (i, 0)),
        pl.BlockSpec((FBLK, DH), lambda i: (i, 0)),
        pl.BlockSpec((FBLK, DEGW), lambda i: (i, 0)),
        pl.BlockSpec((FBLK, DEGW), lambda i: (i, 0)),
        pl.BlockSpec((1, D), lambda i: (0, 0)),
    ],
    out_specs=pl.BlockSpec((FBLK, D), lambda i: (i, 0)),
    out_shape=jax.ShapeDtypeStruct((N, D), jnp.float32),
)


def kernel(x, edge_index, W, b):
    pad_idx = N + jnp.arange(EPAD - E, dtype=jnp.int32) % (NP - N)
    src = jnp.concatenate([edge_index[0].astype(jnp.int32), pad_idx])
    dst = jnp.concatenate([edge_index[1].astype(jnp.int32), pad_idx])
    srcb = jnp.stack([src, src + NP])
    x_p = jnp.pad(x, ((0, NP - N), (0, 0)))
    d0, d1 = _deg_kernel(dst)
    g2 = _scale_call(x_p, W, d0, d1)
    g_cat = g2.reshape(2 * NP, DH)
    p_cat = _agg_kernel(g_cat, srcb, dst)
    return _final_call(p_cat[:NP], p_cat[NP:], d0, d1, b.reshape(1, D))

# --- scband reference (transcript-rebuilt; emitter-appended) ---
"""Pipeline reference for scband-gcn-1-83631603187959 (READ-ONLY COPY).

The authoritative reference and input builder live on the scoring server;
editing this copy changes nothing except your own understanding.
"""

import jax, jax.numpy as jnp
import numpy as np

N_NODES = 10000
N_EDGES = 320000
D_IN = 128
D_OUT = 128

def setup_inputs(seed: int = 0) -> dict:
    key = jax.random.key(seed)
    k1, k2, k3, k4 = jax.random.split(key, 4)
    x = jax.random.normal(k1, (N_NODES, D_IN), dtype=jnp.float32)
    edge_index = jax.random.randint(k2, (2, N_EDGES), 0, N_NODES, dtype=jnp.int64)
    # GCNConv linear weight (lin has no bias in PyG; bias added after aggregation)
    W = jax.random.normal(k3, (D_IN, D_OUT), dtype=jnp.float32) * (1.0 / np.sqrt(D_IN))
    b = jnp.zeros((D_OUT,), dtype=jnp.float32)
    return {"x": x, "edge_index": edge_index, "W": W, "b": b}

def reference(x, edge_index, W, b):
    N = x.shape[0]
    # PyG GCNConv: add self-loops, symmetric normalization D^-1/2 (A+I) D^-1/2
    loop = jnp.arange(N, dtype=edge_index.dtype)
    src = jnp.concatenate([edge_index[0], loop])
    dst = jnp.concatenate([edge_index[1], loop])
    # linear transform first (as in PyG GCNConv forward)
    h = x @ W
    # degree computed on dst (col) with unit edge weights
    deg = jnp.zeros((N,), dtype=x.dtype).at[dst].add(1.0)
    deg_inv_sqrt = jnp.where(deg > 0, deg ** -0.5, 0.0)
    norm = deg_inv_sqrt[src] * deg_inv_sqrt[dst]
    # gather messages from src, scale, scatter-add to dst
    msgs = h[src] * norm[:, None]
    out = jnp.zeros((N, h.shape[1]), dtype=x.dtype).at[dst].add(msgs)
    out = out + b
    return jax.nn.log_softmax(out, axis=1)

if __name__ == "__main__":
    import jax
    _d = setup_inputs()
    print(jax.jit(kernel)(*tuple(_d.values())))

</pallas_src>

<mosaic_0001>
#map = affine_map<(d0, d1) -> (0)>
#map1 = affine_map<(d0, d1) -> (0, 0)>
module attributes {stable_mosaic.version = 14 : i64} {
  func.func @_deg_kernel(%arg0: i32, %arg1: i32, %arg2: memref<327680xi32, #tpu.memory_space<hbm>>, %arg3: memref<10240x16xf32, #tpu.memory_space<hbm>>, %arg4: memref<10240x16xf32, #tpu.memory_space<hbm>>, %arg5: memref<4x128xi32, #tpu.memory_space<vmem>>, %arg6: memref<128x16xf32, #tpu.memory_space<vmem>>, %arg7: memref<640x16xf32, #tpu.memory_space<vmem>>, %arg8: memref<10240x16xf32, #tpu.memory_space<vmem_shared>>, %arg9: memref<!tpu.dma_semaphore, #tpu.memory_space<semaphore_mem>>, %arg10: memref<!tpu.dma_semaphore, #tpu.memory_space<semaphore_mem>>, %arg11: memref<!tpu.dma_semaphore, #tpu.memory_space<semaphore_mem>>, %arg12: memref<!tpu.dma_semaphore, #tpu.memory_space<semaphore_mem>>) attributes {dimension_semantics = [#tpu.dimension_semantics<core_parallel>, #tpu.dimension_semantics<subcore_parallel>], iteration_bounds = array<i64: 2, 16>, scalar_prefetch = 0 : i64, scratch_operands = 8 : i64, tpu.core_type = #tpu.core_type<sc_vector_subcore>, window_params = [{transform_indices = #map}, {transform_indices = #map1}, {transform_indices = #map1}]} {
    %mul3A = arith.constant 16 : i32
    %mul3A_0 = arith.muli %arg0, %mul3A : i32
    %add3A = arith.addi %mul3A_0, %arg1 : i32
    %mul3A_1 = arith.constant 10240 : i32
    %mul3A_2 = arith.muli %add3A, %mul3A_1 : i32
    %scan3A = arith.constant 0 : i32
    %scan3A_3 = arith.constant 0 : i32
    %scan3A_4 = arith.constant 128 : i32
    %scan3A_5 = arith.addi %scan3A_3, %scan3A_4 : i32
    %scan3A_6 = arith.constant 1 : i32
    %scan3A_7 = scf.for %scan3A_76 = %scan3A_3 to %scan3A_5 step %scan3A_6 iter_args(%scan3A_77 = %scan3A) -> (i32)  : i32 {
      %broadcast_in_dim3A = arith.constant 1.000000e+00 : f32
      %broadcast_in_dim3A_78 = vector.broadcast %broadcast_in_dim3A : f32 to vector<16xf32>
      %swap3A = arith.index_cast %scan3A_76 : i32 to index
      %swap3A_79 = arith.constant 0 : index
      %swap3A_80 = tpu.vector_load %arg6[%swap3A, %swap3A_79] {strides = array<i32>} : memref<128x16xf32, #tpu.memory_space<vmem>>, vector<1x16xf32>,
      %swap3A_81 = vector.shape_cast %swap3A_80 : vector<1x16xf32> to vector<16xf32>
      %swap3A_82 = vector.shape_cast %broadcast_in_dim3A_78 : vector<16xf32> to vector<1x16xf32>
      tpu.vector_store %arg6[%swap3A, %swap3A_79], %swap3A_82 {strides = array<i32>} : memref<128x16xf32, #tpu.memory_space<vmem>>, vector<1x16xf32>,
      %scan3A_83 = arith.constant 0 : i32
      scf.yield %scan3A_83 : i32
    }
    %scan3A_8 = arith.constant 128 : i32
    %scan3A_9 = arith.constant 0 : i32
    %scan3A_10 = arith.constant 0 : i32
    %scan3A_11 = arith.constant 640 : i32
    %scan3A_12 = arith.addi %scan3A_10, %scan3A_11 : i32
    %scan3A_13 = arith.constant 1 : i32
    %scan3A_14 = scf.for %scan3A_76 = %scan3A_10 to %scan3A_12 step %scan3A_13 iter_args(%scan3A_77 = %scan3A_9) -> (i32)  : i32 {
      %broadcast_in_dim3A = arith.constant 0.000000e+00 : f32
      %broadcast_in_dim3A_78 = vector.broadcast %broadcast_in_dim3A : f32 to vector<16xf32>
      %swap3A = arith.index_cast %scan3A_76 : i32 to index
      %swap3A_79 = arith.constant 0 : index
      %swap3A_80 = tpu.vector_load %arg7[%swap3A, %swap3A_79] {strides = array<i32>} : memref<640x16xf32, #tpu.memory_space<vmem>>, vector<1x16xf32>,
      %swap3A_81 = vector.shape_cast %swap3A_80 : vector<1x16xf32> to vector<16xf32>
      %swap3A_82 = vector.shape_cast %broadcast_in_dim3A_78 : vector<16xf32> to vector<1x16xf32>
      tpu.vector_store %arg7[%swap3A, %swap3A_79], %swap3A_82 {strides = array<i32>} : memref<640x16xf32, #tpu.memory_space<vmem>>, vector<1x16xf32>,
      %scan3A_83 = arith.constant 0 : i32
      scf.yield %scan3A_83 : i32
    }
    %scan3A_15 = arith.constant 640 : i32
    %add3A_16 = arith.constant 0 : i32
    %add3A_17 = arith.addi %mul3A_2, %add3A_16 : i32
    %dma_start3A = arith.constant 0 : i32
    %dma_start3A_18 = arith.constant 0 : i32
    %dma_start3A_19 = tpu.memref_slice %arg5[%dma_start3A, %dma_start3A_18] : memref<4x128xi32, #tpu.memory_space<vmem>> -> memref<1x128xi32, #tpu.memory_space<vmem>>
    %dma_start3A_20 = tpu.memref_squeeze %dma_start3A_19 : memref<1x128xi32, #tpu.memory_space<vmem>> -> memref<128xi32, #tpu.memory_space<vmem>>
    %dma_start3A_21 = tpu.memref_slice %arg2[%add3A_17] : memref<327680xi32, #tpu.memory_space<hbm>> -> memref<128xi32, #tpu.memory_space<hbm>>
    %dma_start3A_22 = arith.constant 0 : i32
    %dma_start3A_23 = tpu.memref_slice %arg5[%dma_start3A, %dma_start3A_22] : memref<4x128xi32, #tpu.memory_space<vmem>> -> memref<1x128xi32, #tpu.memory_space<vmem>>
    %dma_start3A_24 = tpu.memref_squeeze %dma_start3A_23 : memref<1x128xi32, #tpu.memory_space<vmem>> -> memref<128xi32, #tpu.memory_space<vmem>>
    %dma_start3A_25 = tpu.memref_slice %arg2[%add3A_17] : memref<327680xi32, #tpu.memory_space<hbm>> -> memref<128xi32, #tpu.memory_space<hbm>>
    tpu.enqueue_dma source(%dma_start3A_25 : memref<128xi32, #tpu.memory_space<hbm>>) target(%dma_start3A_24 : memref<128xi32, #tpu.memory_space<vmem>>) target_semaphore(%arg9 : memref<!tpu.dma_semaphore, #tpu.memory_space<semaphore_mem>>)
    %add3A_26 = arith.constant 128 : i32
    %add3A_27 = arith.addi %mul3A_2, %add3A_26 : i32
    %dma_start3A_28 = arith.constant 1 : i32
    %dma_start3A_29 = arith.constant 0 : i32
    %dma_start3A_30 = tpu.memref_slice %arg5[%dma_start3A_28, %dma_start3A_29] : memref<4x128xi32, #tpu.memory_space<vmem>> -> memref<1x128xi32, #tpu.memory_space<vmem>>
    %dma_start3A_31 = tpu.memref_squeeze %dma_start3A_30 : memref<1x128xi32, #tpu.memory_space<vmem>> -> memref<128xi32, #tpu.memory_space<vmem>>
    %dma_start3A_32 = tpu.memref_slice %arg2[%add3A_27] : memref<327680xi32, #tpu.memory_space<hbm>> -> memref<128xi32, #tpu.memory_space<hbm>>
    %dma_start3A_33 = arith.constant 0 : i32
    %dma_start3A_34 = tpu.memref_slice %arg5[%dma_start3A_28, %dma_start3A_33] : memref<4x128xi32, #tpu.memory_space<vmem>> -> memref<1x128xi32, #tpu.memory_space<vmem>>
    %dma_start3A_35 = tpu.memref_squeeze %dma_start3A_34 : memref<1x128xi32, #tpu.memory_space<vmem>> -> memref<128xi32, #tpu.memory_space<vmem>>
    %dma_start3A_36 = tpu.memref_slice %arg2[%add3A_27] : memref<327680xi32, #tpu.memory_space<hbm>> -> memref<128xi32, #tpu.memory_space<hbm>>
    tpu.enqueue_dma source(%dma_start3A_36 : memref<128xi32, #tpu.memory_space<hbm>>) target(%dma_start3A_35 : memref<128xi32, #tpu.memory_space<vmem>>) target_semaphore(%arg10 : memref<!tpu.dma_semaphore, #tpu.memory_space<semaphore_mem>>)
    %add3A_37 = arith.constant 256 : i32
    %add3A_38 = arith.addi %mul3A_2, %add3A_37 : i32
    %dma_start3A_39 = arith.constant 2 : i32
    %dma_start3A_40 = arith.constant 0 : i32
    %dma_start3A_41 = tpu.memref_slice %arg5[%dma_start3A_39, %dma_start3A_40] : memref<4x128xi32, #tpu.memory_space<vmem>> -> memref<1x128xi32, #tpu.memory_space<vmem>>
    %dma_start3A_42 = tpu.memref_squeeze %dma_start3A_41 : memref<1x128xi32, #tpu.memory_space<vmem>> -> memref<128xi32, #tpu.memory_space<vmem>>
    %dma_start3A_43 = tpu.memref_slice %arg2[%add3A_38] : memref<327680xi32, #tpu.memory_space<hbm>> -> memref<128xi32, #tpu.memory_space<hbm>>
    %dma_start3A_44 = arith.constant 0 : i32
    %dma_start3A_45 = tpu.memref_slice %arg5[%dma_start3A_39, %dma_start3A_44] : memref<4x128xi32, #tpu.memory_space<vmem>> -> memref<1x128xi32, #tpu.memory_space<vmem>>
    %dma_start3A_46 = tpu.memref_squeeze %dma_start3A_45 : memref<1x128xi32, #tpu.memory_space<vmem>> -> memref<128xi32, #tpu.memory_space<vmem>>
    %dma_start3A_47 = tpu.memref_slice %arg2[%add3A_38] : memref<327680xi32, #tpu.memory_space<hbm>> -> memref<128xi32, #tpu.memory_space<hbm>>
    tpu.enqueue_dma source(%dma_start3A_47 : memref<128xi32, #tpu.memory_space<hbm>>) target(%dma_start3A_46 : memref<128xi32, #tpu.memory_space<vmem>>) target_semaphore(%arg11 : memref<!tpu.dma_semaphore, #tpu.memory_space<semaphore_mem>>)
    %add3A_48 = arith.constant 384 : i32
    %add3A_49 = arith.addi %mul3A_2, %add3A_48 : i32
    %dma_start3A_50 = arith.constant 3 : i32
    %dma_start3A_51 = arith.constant 0 : i32
    %dma_start3A_52 = tpu.memref_slice %arg5[%dma_start3A_50, %dma_start3A_51] : memref<4x128xi32, #tpu.memory_space<vmem>> -> memref<1x128xi32, #tpu.memory_space<vmem>>
    %dma_start3A_53 = tpu.memref_squeeze %dma_start3A_52 : memref<1x128xi32, #tpu.memory_space<vmem>> -> memref<128xi32, #tpu.memory_space<vmem>>
    %dma_start3A_54 = tpu.memref_slice %arg2[%add3A_49] : memref<327680xi32, #tpu.memory_space<hbm>> -> memref<128xi32, #tpu.memory_space<hbm>>
    %dma_start3A_55 = arith.constant 0 : i32
    %dma_start3A_56 = tpu.memref_slice %arg5[%dma_start3A_50, %dma_start3A_55] : memref<4x128xi32, #tpu.memory_space<vmem>> -> memref<1x128xi32, #tpu.memory_space<vmem>>
    %dma_start3A_57 = tpu.memref_squeeze %dma_start3A_56 : memref<1x128xi32, #tpu.memory_space<vmem>> -> memref<128xi32, #tpu.memory_space<vmem>>
    %dma_start3A_58 = tpu.memref_slice %arg2[%add3A_49] : memref<327680xi32, #tpu.memory_space<hbm>> -> memref<128xi32, #tpu.memory_space<hbm>>
    tpu.enqueue_dma source(%dma_start3A_58 : memref<128xi32, #tpu.memory_space<hbm>>) target(%dma_start3A_57 : memref<128xi32, #tpu.memory_space<vmem>>) target_semaphore(%arg12 : memref<!tpu.dma_semaphore, #tpu.memory_space<semaphore_mem>>)
    %mul3A_59 = arith.constant 640 : i32
    %mul3A_60 = arith.muli %arg1, %mul3A_59 : i32
    "tpu.region"() ({
      %run_scoped3A = tpu.sem_alloc : memref<!tpu.dma_semaphore, #tpu.memory_space<semaphore_mem>>
      %dma_start3A_76 = arith.constant 0 : i32
      %dma_start3A_77 = tpu.memref_slice %arg8[%mul3A_60, %dma_start3A_76] : memref<10240x16xf32, #tpu.memory_space<vmem_shared>> -> memref<640x16xf32, #tpu.memory_space<vmem_shared>>
      %dma_start3A_78 = arith.constant 0 : i32
      %dma_start3A_79 = tpu.memref_slice %arg8[%mul3A_60, %dma_start3A_78] : memref<10240x16xf32, #tpu.memory_space<vmem_shared>> -> memref<640x16xf32, #tpu.memory_space<vmem_shared>>
      tpu.enqueue_dma source(%arg7 : memref<640x16xf32, #tpu.memory_space<vmem>>) target(%dma_start3A_79 : memref<640x16xf32, #tpu.memory_space<vmem_shared>>) target_semaphore(%run_scoped3A : memref<!tpu.dma_semaphore, #tpu.memory_space<semaphore_mem>>)
      %dma_wait3A = arith.constant 0 : i32
      %dma_wait3A_80 = tpu.memref_slice %arg8[%mul3A_60, %dma_wait3A] : memref<10240x16xf32, #tpu.memory_space<vmem_shared>> -> memref<640x16xf32, #tpu.memory_space<vmem_shared>>
      %dma_wait3A_81 = arith.constant 0 : i32
      %dma_wait3A_82 = tpu.memref_slice %arg8[%mul3A_60, %dma_wait3A_81] : memref<10240x16xf32, #tpu.memory_space<vmem_shared>> -> memref<640x16xf32, #tpu.memory_space<vmem_shared>>
      tpu.wait_dma2 semaphore(%run_scoped3A : memref<!tpu.dma_semaphore, #tpu.memory_space<semaphore_mem>>) src(%arg7 : memref<640x16xf32, #tpu.memory_space<vmem>>) dst(%dma_wait3A_82 : memref<640x16xf32, #tpu.memory_space<vmem_shared>>)
      tpu.yield
    }) : () -> ()
    %barrier3A = arith.constant 0 : index
    tpu.barrier barrier_id(%barrier3A)
    %scan3A_61 = arith.constant 0 : i32
    %scan3A_62 = arith.constant 0 : i32
    %scan3A_63 = arith.constant 20 : i32
    %scan3A_64 = arith.addi %scan3A_62, %scan3A_63 : i32
    %scan3A_65 = arith.constant 1 : i32
    %scan3A_66 = scf.for %scan3A_76 = %scan3A_62 to %scan3A_64 step %scan3A_65 iter_args(%scan3A_77 = %scan3A_61) -> (i32)  : i32 {
      %mul3A_78 = arith.constant 4 : i32
      %mul3A_79 = arith.muli %mul3A_78, %scan3A_76 : i32
      %add3A_80 = arith.constant 0 : i32
      %add3A_81 = arith.addi %mul3A_79, %add3A_80 : i32
      %dma_wait3A = arith.constant 0 : i32
      %dma_wait3A_82 = arith.constant 0 : i32
      %dma_wait3A_83 = tpu.memref_slice %arg5[%dma_wait3A, %dma_wait3A_82] : memref<4x128xi32, #tpu.memory_space<vmem>> -> memref<1x128xi32, #tpu.memory_space<vmem>>
      %dma_wait3A_84 = tpu.memref_squeeze %dma_wait3A_83 : memref<1x128xi32, #tpu.memory_space<vmem>> -> memref<128xi32, #tpu.memory_space<vmem>>
      %dma_wait3A_85 = arith.constant 0 : i32
      %dma_wait3A_86 = tpu.memref_slice %arg2[%dma_wait3A_85] : memref<327680xi32, #tpu.memory_space<hbm>> -> memref<128xi32, #tpu.memory_space<hbm>>
      %dma_wait3A_87 = arith.constant 0 : i32
      %dma_wait3A_88 = tpu.memref_slice %arg5[%dma_wait3A, %dma_wait3A_87] : memref<4x128xi32, #tpu.memory_space<vmem>> -> memref<1x128xi32, #tpu.memory_space<vmem>>
      %dma_wait3A_89 = tpu.memref_squeeze %dma_wait3A_88 : memref<1x128xi32, #tpu.memory_space<vmem>> -> memref<128xi32, #tpu.memory_space<vmem>>
      %dma_wait3A_90 = arith.constant 0 : i32
      %dma_wait3A_91 = tpu.memref_slice %arg2[%dma_wait3A_90] : memref<327680xi32, #tpu.memory_space<hbm>> -> memref<128xi32, #tpu.memory_space<hbm>>
      tpu.wait_dma2 semaphore(%arg9 : memref<!tpu.dma_semaphore, #tpu.memory_space<semaphore_mem>>) src(%dma_wait3A_91 : memref<128xi32, #tpu.memory_space<hbm>>) dst(%dma_wait3A_89 : memref<128xi32, #tpu.memory_space<vmem>>)
      %run_scoped3A = arith.constant 0 : i32
      "tpu.region"() ({
        %run_scoped3A_168 = tpu.sem_alloc : memref<!tpu.dma_semaphore, #tpu.memory_space<semaphore_mem>>
        %dma_start3A_169 = arith.constant 0 : i32
        %dma_start3A_170 = tpu.memref_slice %arg5[%run_scoped3A, %dma_start3A_169] : memref<4x128xi32, #tpu.memory_space<vmem>> -> memref<1x128xi32, #tpu.memory_space<vmem>>
        %dma_start3A_171 = tpu.memref_squeeze %dma_start3A_170 : memref<1x128xi32, #tpu.memory_space<vmem>> -> memref<128xi32, #tpu.memory_space<vmem>>
        %dma_start3A_172 = arith.constant 0 : i32
        %dma_start3A_173 = arith.constant 0 : i32
        %dma_start3A_174 = tpu.memref_slice %arg8[%dma_start3A_172, %dma_start3A_173] : memref<10240x16xf32, #tpu.memory_space<vmem_shared>> -> memref<10240x16xf32, #tpu.memory_space<vmem_shared>>
        tpu.enqueue_indirect_dma source(%arg6 : memref<128x16xf32, #tpu.memory_space<vmem>>) target(%dma_start3A_174 : memref<10240x16xf32, #tpu.memory_space<vmem_shared>>) offsets(%dma_start3A_171 : memref<128xi32, #tpu.memory_space<vmem>>) semaphore(%run_scoped3A_168 : memref<!tpu.dma_semaphore, #tpu.memory_space<semaphore_mem>>) {add = true}
        %dma_wait3A_175 = arith.constant 0 : i32
        %dma_wait3A_176 = tpu.memref_slice %arg5[%run_scoped3A, %dma_wait3A_175] : memref<4x128xi32, #tpu.memory_space<vmem>> -> memref<1x128xi32, #tpu.memory_space<vmem>>
        %dma_wait3A_177 = tpu.memref_squeeze %dma_wait3A_176 : memref<1x128xi32, #tpu.memory_space<vmem>> -> memref<128xi32, #tpu.memory_space<vmem>>
        %dma_wait3A_178 = arith.constant 0 : i32
        %dma_wait3A_179 = arith.constant 0 : i32
        %dma_wait3A_180 = tpu.memref_slice %arg8[%dma_wait3A_178, %dma_wait3A_179] : memref<10240x16xf32, #tpu.memory_space<vmem_shared>> -> memref<10240x16xf32, #tpu.memory_space<vmem_shared>>
        tpu.wait_indirect_dma semaphore(%run_scoped3A_168 : memref<!tpu.dma_semaphore, #tpu.memory_space<semaphore_mem>>) src(%arg6 : memref<128x16xf32, #tpu.memory_space<vmem>>) dst(%dma_wait3A_180 : memref<10240x16xf32, #tpu.memory_space<vmem_shared>>)
        tpu.yield
      }) : () -> ()
      %add3A_92 = arith.constant 4 : i32
      %add3A_93 = arith.addi %add3A_81, %add3A_92 : i32
      %lt3A = arith.constant 80 : i32
      %lt3A_94 = arith.cmpi slt, %add3A_93, %lt3A : i32
      %convert_element_type3A_95 = arith.extui %lt3A_94 : i1 to i32
      %cond3A_96 = arith.constant 0 : i32
      %cond3A_97 = arith.cmpi ne, %convert_element_type3A_95, %cond3A_96 : i32
      scf.if %cond3A_97 {
        %add3A_168 = arith.constant 4 : i32
        %add3A_169 = arith.addi %add3A_81, %add3A_168 : i32
        %mul3A_170 = arith.constant 128 : i32
        %mul3A_171 = arith.muli %add3A_169, %mul3A_170 : i32
        %add3A_172 = arith.addi %mul3A_2, %mul3A_171 : i32
        %dma_start3A_173 = arith.constant 0 : i32
        %dma_start3A_174 = arith.constant 0 : i32
        %dma_start3A_175 = tpu.memref_slice %arg5[%dma_start3A_173, %dma_start3A_174] : memref<4x128xi32, #tpu.memory_space<vmem>> -> memref<1x128xi32, #tpu.memory_space<vmem>>
        %dma_start3A_176 = tpu.memref_squeeze %dma_start3A_175 : memref<1x128xi32, #tpu.memory_space<vmem>> -> memref<128xi32, #tpu.memory_space<vmem>>
        %dma_start3A_177 = tpu.memref_slice %arg2[%add3A_172] : memref<327680xi32, #tpu.memory_space<hbm>> -> memref<128xi32, #tpu.memory_space<hbm>>
        %dma_start3A_178 = arith.constant 0 : i32
        %dma_start3A_179 = tpu.memref_slice %arg5[%dma_start3A_173, %dma_start3A_178] : memref<4x128xi32, #tpu.memory_space<vmem>> -> memref<1x128xi32, #tpu.memory_space<vmem>>
        %dma_start3A_180 = tpu.memref_squeeze %dma_start3A_179 : memref<1x128xi32, #tpu.memory_space<vmem>> -> memref<128xi32, #tpu.memory_space<vmem>>
        %dma_start3A_181 = tpu.memref_slice %arg2[%add3A_172] : memref<327680xi32, #tpu.memory_space<hbm>> -> memref<128xi32, #tpu.memory_space<hbm>>
        tpu.enqueue_dma source(%dma_start3A_181 : memref<128xi32, #tpu.memory_space<hbm>>) target(%dma_start3A_180 : memref<128xi32, #tpu.memory_space<vmem>>) target_semaphore(%arg9 : memref<!tpu.dma_semaphore, #tpu.memory_space<semaphore_mem>>)
      } else {
      }
      %mul3A_98 = arith.constant 4 : i32
      %mul3A_99 = arith.muli %mul3A_98, %scan3A_76 : i32
      %add3A_100 = arith.constant 1 : i32
      %add3A_101 = arith.addi %mul3A_99, %add3A_100 : i32
      %dma_wait3A_102 = arith.constant 1 : i32
      %dma_wait3A_103 = arith.constant 0 : i32
      %dma_wait3A_104 = tpu.memref_slice %arg5[%dma_wait3A_102, %dma_wait3A_103] : memref<4x128xi32, #tpu.memory_space<vmem>> -> memref<1x128xi32, #tpu.memory_space<vmem>>
      %dma_wait3A_105 = tpu.memref_squeeze %dma_wait3A_104 : memref<1x128xi32, #tpu.memory_space<vmem>> -> memref<128xi32, #tpu.memory_space<vmem>>
      %dma_wait3A_106 = arith.constant 0 : i32
      %dma_wait3A_107 = tpu.memref_slice %arg2[%dma_wait3A_106] : memref<327680xi32, #tpu.memory_space<hbm>> -> memref<128xi32, #tpu.memory_space<hbm>>
      %dma_wait3A_108 = arith.constant 0 : i32
      %dma_wait3A_109 = tpu.memref_slice %arg5[%dma_wait3A_102, %dma_wait3A_108] : memref<4x128xi32, #tpu.memory_space<vmem>> -> memref<1x128xi32, #tpu.memory_space<vmem>>
      %dma_wait3A_110 = tpu.memref_squeeze %dma_wait3A_109 : memref<1x128xi32, #tpu.memory_space<vmem>> -> memref<128xi32, #tpu.memory_space<vmem>>
      %dma_wait3A_111 = arith.constant 0 : i32
      %dma_wait3A_112 = tpu.memref_slice %arg2[%dma_wait3A_111] : memref<327680xi32, #tpu.memory_space<hbm>> -> memref<128xi32, #tpu.memory_space<hbm>>
      tpu.wait_dma2 semaphore(%arg10 : memref<!tpu.dma_semaphore, #tpu.memory_space<semaphore_mem>>) src(%dma_wait3A_112 : memref<128xi32, #tpu.memory_space<hbm>>) dst(%dma_wait3A_110 : memref<128xi32, #tpu.memory_space<vmem>>)
      %run_scoped3A_113 = arith.constant 1 : i32
      "tpu.region"() ({
        %run_scoped3A_168 = tpu.sem_alloc : memref<!tpu.dma_semaphore, #tpu.memory_space<semaphore_mem>>
        %dma_start3A_169 = arith.constant 0 : i32
        %dma_start3A_170 = tpu.memref_slice %arg5[%run_scoped3A_113, %dma_start3A_169] : memref<4x128xi32, #tpu.memory_space<vmem>> -> memref<1x128xi32, #tpu.memory_space<vmem>>
        %dma_start3A_171 = tpu.memref_squeeze %dma_start3A_170 : memref<1x128xi32, #tpu.memory_space<vmem>> -> memref<128xi32, #tpu.memory_space<vmem>>
        %dma_start3A_172 = arith.constant 0 : i32
        %dma_start3A_173 = arith.constant 0 : i32
        %dma_start3A_174 = tpu.memref_slice %arg8[%dma_start3A_172, %dma_start3A_173] : memref<10240x16xf32, #tpu.memory_space<vmem_shared>> -> memref<10240x16xf32, #tpu.memory_space<vmem_shared>>
        tpu.enqueue_indirect_dma source(%arg6 : memref<128x16xf32, #tpu.memory_space<vmem>>) target(%dma_start3A_174 : memref<10240x16xf32, #tpu.memory_space<vmem_shared>>) offsets(%dma_start3A_171 : memref<128xi32, #tpu.memory_space<vmem>>) semaphore(%run_scoped3A_168 : memref<!tpu.dma_semaphore, #tpu.memory_space<semaphore_mem>>) {add = true}
        %dma_wait3A_175 = arith.constant 0 : i32
        %dma_wait3A_176 = tpu.memref_slice %arg5[%run_scoped3A_113, %dma_wait3A_175] : memref<4x128xi32, #tpu.memory_space<vmem>> -> memref<1x128xi32, #tpu.memory_space<vmem>>
        %dma_wait3A_177 = tpu.memref_squeeze %dma_wait3A_176 : memref<1x128xi32, #tpu.memory_space<vmem>> -> memref<128xi32, #tpu.memory_space<vmem>>
        %dma_wait3A_178 = arith.constant 0 : i32
        %dma_wait3A_179 = arith.constant 0 : i32
        %dma_wait3A_180 = tpu.memref_slice %arg8[%dma_wait3A_178, %dma_wait3A_179] : memref<10240x16xf32, #tpu.memory_space<vmem_shared>> -> memref<10240x16xf32, #tpu.memory_space<vmem_shared>>
        tpu.wait_indirect_dma semaphore(%run_scoped3A_168 : memref<!tpu.dma_semaphore, #tpu.memory_space<semaphore_mem>>) src(%arg6 : memref<128x16xf32, #tpu.memory_space<vmem>>) dst(%dma_wait3A_180 : memref<10240x16xf32, #tpu.memory_space<vmem_shared>>)
        tpu.yield
      }) : () -> ()
      %add3A_114 = arith.constant 4 : i32
      %add3A_115 = arith.addi %add3A_101, %add3A_114 : i32
      %lt3A_116 = arith.constant 80 : i32
      %lt3A_117 = arith.cmpi slt, %add3A_115, %lt3A_116 : i32
      %convert_element_type3A_118 = arith.extui %lt3A_117 : i1 to i32
      %cond3A_119 = arith.constant 0 : i32
      %cond3A_120 = arith.cmpi ne, %convert_element_type3A_118, %cond3A_119 : i32
      scf.if %cond3A_120 {
        %add3A_168 = arith.constant 4 : i32
        %add3A_169 = arith.addi %add3A_101, %add3A_168 : i32
        %mul3A_170 = arith.constant 128 : i32
        %mul3A_171 = arith.muli %add3A_169, %mul3A_170 : i32
        %add3A_172 = arith.addi %mul3A_2, %mul3A_171 : i32
        %dma_start3A_173 = arith.constant 1 : i32
        %dma_start3A_174 = arith.constant 0 : i32
        %dma_start3A_175 = tpu.memref_slice %arg5[%dma_start3A_173, %dma_start3A_174] : memref<4x128xi32, #tpu.memory_space<vmem>> -> memref<1x128xi32, #tpu.memory_space<vmem>>
        %dma_start3A_176 = tpu.memref_squeeze %dma_start3A_175 : memref<1x128xi32, #tpu.memory_space<vmem>> -> memref<128xi32, #tpu.memory_space<vmem>>
        %dma_start3A_177 = tpu.memref_slice %arg2[%add3A_172] : memref<327680xi32, #tpu.memory_space<hbm>> -> memref<128xi32, #tpu.memory_space<hbm>>
        %dma_start3A_178 = arith.constant 0 : i32
        %dma_start3A_179 = tpu.memref_slice %arg5[%dma_start3A_173, %dma_start3A_178] : memref<4x128xi32, #tpu.memory_space<vmem>> -> memref<1x128xi32, #tpu.memory_space<vmem>>
        %dma_start3A_180 = tpu.memref_squeeze %dma_start3A_179 : memref<1x128xi32, #tpu.memory_space<vmem>> -> memref<128xi32, #tpu.memory_space<vmem>>
        %dma_start3A_181 = tpu.memref_slice %arg2[%add3A_172] : memref<327680xi32, #tpu.memory_space<hbm>> -> memref<128xi32, #tpu.memory_space<hbm>>
        tpu.enqueue_dma source(%dma_start3A_181 : memref<128xi32, #tpu.memory_space<hbm>>) target(%dma_start3A_180 : memref<128xi32, #tpu.memory_space<vmem>>) target_semaphore(%arg10 : memref<!tpu.dma_semaphore, #tpu.memory_space<semaphore_mem>>)
      } else {
      }
      %mul3A_121 = arith.constant 4 : i32
      %mul3A_122 = arith.muli %mul3A_121, %scan3A_76 : i32
      %add3A_123 = arith.constant 2 : i32
      %add3A_124 = arith.addi %mul3A_122, %add3A_123 : i32
      %dma_wait3A_125 = arith.constant 2 : i32
      %dma_wait3A_126 = arith.constant 0 : i32
      %dma_wait3A_127 = tpu.memref_slice %arg5[%dma_wait3A_125, %dma_wait3A_126] : memref<4x128xi32, #tpu.memory_space<vmem>> -> memref<1x128xi32, #tpu.memory_space<vmem>>
      %dma_wait3A_128 = tpu.memref_squeeze %dma_wait3A_127 : memref<1x128xi32, #tpu.memory_space<vmem>> -> memref<128xi32, #tpu.memory_space<vmem>>
      %dma_wait3A_129 = arith.constant 0 : i32
      %dma_wait3A_130 = tpu.memref_slice %arg2[%dma_wait3A_129] : memref<327680xi32, #tpu.memory_space<hbm>> -> memref<128xi32, #tpu.memory_space<hbm>>
      %dma_wait3A_131 = arith.constant 0 : i32
      %dma_wait3A_132 = tpu.memref_slice %arg5[%dma_wait3A_125, %dma_wait3A_131] : memref<4x128xi32, #tpu.memory_space<vmem>> -> memref<1x128xi32, #tpu.memory_space<vmem>>
      %dma_wait3A_133 = tpu.memref_squeeze %dma_wait3A_132 : memref<1x128xi32, #tpu.memory_space<vmem>> -> memref<128xi32, #tpu.memory_space<vmem>>
      %dma_wait3A_134 = arith.constant 0 : i32
      %dma_wait3A_135 = tpu.memref_slice %arg2[%dma_wait3A_134] : memref<327680xi32, #tpu.memory_space<hbm>> -> memref<128xi32, #tpu.memory_space<hbm>>
      tpu.wait_dma2 semaphore(%arg11 : memref<!tpu.dma_semaphore, #tpu.memory_space<semaphore_mem>>) src(%dma_wait3A_135 : memref<128xi32, #tpu.memory_space<hbm>>) dst(%dma_wait3A_133 : memref<128xi32, #tpu.memory_space<vmem>>)
      %run_scoped3A_136 = arith.constant 2 : i32
      "tpu.region"() ({
        %run_scoped3A_168 = tpu.sem_alloc : memref<!tpu.dma_semaphore, #tpu.memory_space<semaphore_mem>>
        %dma_start3A_169 = arith.constant 0 : i32
        %dma_start3A_170 = tpu.memref_slice %arg5[%run_scoped3A_136, %dma_start3A_169] : memref<4x128xi32, #tpu.memory_space<vmem>> -> memref<1x128xi32, #tpu.memory_space<vmem>>
        %dma_start3A_171 = tpu.memref_squeeze %dma_start3A_170 : memref<1x128xi32, #tpu.memory_space<vmem>> -> memref<128xi32, #tpu.memory_space<vmem>>
        %dma_start3A_172 = arith.constant 0 : i32
        %dma_start3A_173 = arith.constant 0 : i32
        %dma_start3A_174 = tpu.memref_slice %arg8[%dma_start3A_172, %dma_start3A_173] : memref<10240x16xf32, #tpu.memory_space<vmem_shared>> -> memref<10240x16xf32, #tpu.memory_space<vmem_shared>>
        tpu.enqueue_indirect_dma source(%arg6 : memref<128x16xf32, #tpu.memory_space<vmem>>) target(%dma_start3A_174 : memref<10240x16xf32, #tpu.memory_space<vmem_shared>>) offsets(%dma_start3A_171 : memref<128xi32, #tpu.memory_space<vmem>>) semaphore(%run_scoped3A_168 : memref<!tpu.dma_semaphore, #tpu.memory_space<semaphore_mem>>) {add = true}
        %dma_wait3A_175 = arith.constant 0 : i32
        %dma_wait3A_176 = tpu.memref_slice %arg5[%run_scoped3A_136, %dma_wait3A_175] : memref<4x128xi32, #tpu.memory_space<vmem>> -> memref<1x128xi32, #tpu.memory_space<vmem>>
        %dma_wait3A_177 = tpu.memref_squeeze %dma_wait3A_176 : memref<1x128xi32, #tpu.memory_space<vmem>> -> memref<128xi32, #tpu.memory_space<vmem>>
        %dma_wait3A_178 = arith.constant 0 : i32
        %dma_wait3A_179 = arith.constant 0 : i32
        %dma_wait3A_180 = tpu.memref_slice %arg8[%dma_wait3A_178, %dma_wait3A_179] : memref<10240x16xf32, #tpu.memory_space<vmem_shared>> -> memref<10240x16xf32, #tpu.memory_space<vmem_shared>>
        tpu.wait_indirect_dma semaphore(%run_scoped3A_168 : memref<!tpu.dma_semaphore, #tpu.memory_space<semaphore_mem>>) src(%arg6 : memref<128x16xf32, #tpu.memory_space<vmem>>) dst(%dma_wait3A_180 : memref<10240x16xf32, #tpu.memory_space<vmem_shared>>)
        tpu.yield
      }) : () -> ()
      %add3A_137 = arith.constant 4 : i32
      %add3A_138 = arith.addi %add3A_124, %add3A_137 : i32
      %lt3A_139 = arith.constant 80 : i32
      %lt3A_140 = arith.cmpi slt, %add3A_138, %lt3A_139 : i32
      %convert_element_type3A_141 = arith.extui %lt3A_140 : i1 to i32
      %cond3A_142 = arith.constant 0 : i32
      %cond3A_143 = arith.cmpi ne, %convert_element_type3A_141, %cond3A_142 : i32
      scf.if %cond3A_143 {
        %add3A_168 = arith.constant 4 : i32
        %add3A_169 = arith.addi %add3A_124, %add3A_168 : i32
        %mul3A_170 = arith.constant 128 : i32
        %mul3A_171 = arith.muli %add3A_169, %mul3A_170 : i32
        %add3A_172 = arith.addi %mul3A_2, %mul3A_171 : i32
        %dma_start3A_173 = arith.constant 2 : i32
        %dma_start3A_174 = arith.constant 0 : i32
        %dma_start3A_175 = tpu.memref_slice %arg5[%dma_start3A_173, %dma_start3A_174] : memref<4x128xi32, #tpu.memory_space<vmem>> -> memref<1x128xi32, #tpu.memory_space<vmem>>
        %dma_start3A_176 = tpu.memref_squeeze %dma_start3A_175 : memref<1x128xi32, #tpu.memory_space<vmem>> -> memref<128xi32, #tpu.memory_space<vmem>>
        %dma_start3A_177 = tpu.memref_slice %arg2[%add3A_172] : memref<327680xi32, #tpu.memory_space<hbm>> -> memref<128xi32, #tpu.memory_space<hbm>>
        %dma_start3A_178 = arith.constant 0 : i32
        %dma_start3A_179 = tpu.memref_slice %arg5[%dma_start3A_173, %dma_start3A_178] : memref<4x128xi32, #tpu.memory_space<vmem>> -> memref<1x128xi32, #tpu.memory_space<vmem>>
        %dma_start3A_180 = tpu.memref_squeeze %dma_start3A_179 : memref<1x128xi32, #tpu.memory_space<vmem>> -> memref<128xi32, #tpu.memory_space<vmem>>
        %dma_start3A_181 = tpu.memref_slice %arg2[%add3A_172] : memref<327680xi32, #tpu.memory_space<hbm>> -> memref<128xi32, #tpu.memory_space<hbm>>
        tpu.enqueue_dma source(%dma_start3A_181 : memref<128xi32, #tpu.memory_space<hbm>>) target(%dma_start3A_180 : memref<128xi32, #tpu.memory_space<vmem>>) target_semaphore(%arg11 : memref<!tpu.dma_semaphore, #tpu.memory_space<semaphore_mem>>)
      } else {
      }
      %mul3A_144 = arith.constant 4 : i32
      %mul3A_145 = arith.muli %mul3A_144, %scan3A_76 : i32
      %add3A_146 = arith.constant 3 : i32
      %add3A_147 = arith.addi %mul3A_145, %add3A_146 : i32
      %dma_wait3A_148 = arith.constant 3 : i32
      %dma_wait3A_149 = arith.constant 0 : i32
      %dma_wait3A_150 = tpu.memref_slice %arg5[%dma_wait3A_148, %dma_wait3A_149] : memref<4x128xi32, #tpu.memory_space<vmem>> -> memref<1x128xi32, #tpu.memory_space<vmem>>
      %dma_wait3A_151 = tpu.memref_squeeze %dma_wait3A_150 : memref<1x128xi32, #tpu.memory_space<vmem>> -> memref<128xi32, #tpu.memory_space<vmem>>
      %dma_wait3A_152 = arith.constant 0 : i32
      %dma_wait3A_153 = tpu.memref_slice %arg2[%dma_wait3A_152] : memref<327680xi32, #tpu.memory_space<hbm>> -> memref<128xi32, #tpu.memory_space<hbm>>
      %dma_wait3A_154 = arith.constant 0 : i32
      %dma_wait3A_155 = tpu.memref_slice %arg5[%dma_wait3A_148, %dma_wait3A_154] : memref<4x128xi32, #tpu.memory_space<vmem>> -> memref<1x128xi32, #tpu.memory_space<vmem>>
      %dma_wait3A_156 = tpu.memref_squeeze %dma_wait3A_155 : memref<1x128xi32, #tpu.memory_space<vmem>> -> memref<128xi32, #tpu.memory_space<vmem>>
      %dma_wait3A_157 = arith.constant 0 : i32
      %dma_wait3A_158 = tpu.memref_slice %arg2[%dma_wait3A_157] : memref<327680xi32, #tpu.memory_space<hbm>> -> memref<128xi32, #tpu.memory_space<hbm>>
      tpu.wait_dma2 semaphore(%arg12 : memref<!tpu.dma_semaphore, #tpu.memory_space<semaphore_mem>>) src(%dma_wait3A_158 : memref<128xi32, #tpu.memory_space<hbm>>) dst(%dma_wait3A_156 : memref<128xi32, #tpu.memory_space<vmem>>)
      %run_scoped3A_159 = arith.constant 3 : i32
      "tpu.region"() ({
        %run_scoped3A_168 = tpu.sem_alloc : memref<!tpu.dma_semaphore, #tpu.memory_space<semaphore_mem>>
        %dma_start3A_169 = arith.constant 0 : i32
        %dma_start3A_170 = tpu.memref_slice %arg5[%run_scoped3A_159, %dma_start3A_169] : memref<4x128xi32, #tpu.memory_space<vmem>> -> memref<1x128xi32, #tpu.memory_space<vmem>>
        %dma_start3A_171 = tpu.memref_squeeze %dma_start3A_170 : memref<1x128xi32, #tpu.memory_space<vmem>> -> memref<128xi32, #tpu.memory_space<vmem>>
        %dma_start3A_172 = arith.constant 0 : i32
        %dma_start3A_173 = arith.constant 0 : i32
        %dma_start3A_174 = tpu.memref_slice %arg8[%dma_start3A_172, %dma_start3A_173] : memref<10240x16xf32, #tpu.memory_space<vmem_shared>> -> memref<10240x16xf32, #tpu.memory_space<vmem_shared>>
        tpu.enqueue_indirect_dma source(%arg6 : memref<128x16xf32, #tpu.memory_space<vmem>>) target(%dma_start3A_174 : memref<10240x16xf32, #tpu.memory_space<vmem_shared>>) offsets(%dma_start3A_171 : memref<128xi32, #tpu.memory_space<vmem>>) semaphore(%run_scoped3A_168 : memref<!tpu.dma_semaphore, #tpu.memory_space<semaphore_mem>>) {add = true}
        %dma_wait3A_175 = arith.constant 0 : i32
        %dma_wait3A_176 = tpu.memref_slice %arg5[%run_scoped3A_159, %dma_wait3A_175] : memref<4x128xi32, #tpu.memory_space<vmem>> -> memref<1x128xi32, #tpu.memory_space<vmem>>
        %dma_wait3A_177 = tpu.memref_squeeze %dma_wait3A_176 : memref<1x128xi32, #tpu.memory_space<vmem>> -> memref<128xi32, #tpu.memory_space<vmem>>
        %dma_wait3A_178 = arith.constant 0 : i32
        %dma_wait3A_179 = arith.constant 0 : i32
        %dma_wait3A_180 = tpu.memref_slice %arg8[%dma_wait3A_178, %dma_wait3A_179] : memref<10240x16xf32, #tpu.memory_space<vmem_shared>> -> memref<10240x16xf32, #tpu.memory_space<vmem_shared>>
        tpu.wait_indirect_dma semaphore(%run_scoped3A_168 : memref<!tpu.dma_semaphore, #tpu.memory_space<semaphore_mem>>) src(%arg6 : memref<128x16xf32, #tpu.memory_space<vmem>>) dst(%dma_wait3A_180 : memref<10240x16xf32, #tpu.memory_space<vmem_shared>>)
        tpu.yield
      }) : () -> ()
      %add3A_160 = arith.constant 4 : i32
      %add3A_161 = arith.addi %add3A_147, %add3A_160 : i32
      %lt3A_162 = arith.constant 80 : i32
      %lt3A_163 = arith.cmpi slt, %add3A_161, %lt3A_162 : i32
      %convert_element_type3A_164 = arith.extui %lt3A_163 : i1 to i32
      %cond3A_165 = arith.constant 0 : i32
      %cond3A_166 = arith.cmpi ne, %convert_element_type3A_164, %cond3A_165 : i32
      scf.if %cond3A_166 {
        %add3A_168 = arith.constant 4 : i32
        %add3A_169 = arith.addi %add3A_147, %add3A_168 : i32
        %mul3A_170 = arith.constant 128 : i32
        %mul3A_171 = arith.muli %add3A_169, %mul3A_170 : i32
        %add3A_172 = arith.addi %mul3A_2, %mul3A_171 : i32
        %dma_start3A_173 = arith.constant 3 : i32
        %dma_start3A_174 = arith.constant 0 : i32
        %dma_start3A_175 = tpu.memref_slice %arg5[%dma_start3A_173, %dma_start3A_174] : memref<4x128xi32, #tpu.memory_space<vmem>> -> memref<1x128xi32, #tpu.memory_space<vmem>>
        %dma_start3A_176 = tpu.memref_squeeze %dma_start3A_175 : memref<1x128xi32, #tpu.memory_space<vmem>> -> memref<128xi32, #tpu.memory_space<vmem>>
        %dma_start3A_177 = tpu.memref_slice %arg2[%add3A_172] : memref<327680xi32, #tpu.memory_space<hbm>> -> memref<128xi32, #tpu.memory_space<hbm>>
        %dma_start3A_178 = arith.constant 0 : i32
        %dma_start3A_179 = tpu.memref_slice %arg5[%dma_start3A_173, %dma_start3A_178] : memref<4x128xi32, #tpu.memory_space<vmem>> -> memref<1x128xi32, #tpu.memory_space<vmem>>
        %dma_start3A_180 = tpu.memref_squeeze %dma_start3A_179 : memref<1x128xi32, #tpu.memory_space<vmem>> -> memref<128xi32, #tpu.memory_space<vmem>>
        %dma_start3A_181 = tpu.memref_slice %arg2[%add3A_172] : memref<327680xi32, #tpu.memory_space<hbm>> -> memref<128xi32, #tpu.memory_space<hbm>>
        tpu.enqueue_dma source(%dma_start3A_181 : memref<128xi32, #tpu.memory_space<hbm>>) target(%dma_start3A_180 : memref<128xi32, #tpu.memory_space<vmem>>) target_semaphore(%arg12 : memref<!tpu.dma_semaphore, #tpu.memory_space<semaphore_mem>>)
      } else {
      }
      %scan3A_167 = arith.constant 0 : i32
      scf.yield %scan3A_167 : i32
    }
    %scan3A_67 = arith.constant 20 : i32
    %barrier3A_68 = arith.constant 0 : index
    tpu.barrier barrier_id(%barrier3A_68)
    %eq3A = arith.constant 0 : i32
    %eq3A_69 = arith.cmpi eq, %arg0, %eq3A : i32
    %convert_element_type3A = arith.extui %eq3A_69 : i1 to i32
    %cond3A = arith.constant 0 : i32
    %cond3A_70 = arith.cmpi ne, %convert_element_type3A, %cond3A : i32
    scf.if %cond3A_70 {
      %mul3A_76 = arith.constant 640 : i32
      %mul3A_77 = arith.muli %arg1, %mul3A_76 : i32
      %mul3A_78 = arith.constant 640 : i32
      %mul3A_79 = arith.muli %arg1, %mul3A_78 : i32
      "tpu.region"() ({
        %run_scoped3A = tpu.sem_alloc : memref<!tpu.dma_semaphore, #tpu.memory_space<semaphore_mem>>
        %dma_start3A_80 = arith.constant 0 : i32
        %dma_start3A_81 = tpu.memref_slice %arg3[%mul3A_79, %dma_start3A_80] : memref<10240x16xf32, #tpu.memory_space<hbm>> -> memref<640x16xf32, #tpu.memory_space<hbm>>
        %dma_start3A_82 = arith.constant 0 : i32
        %dma_start3A_83 = tpu.memref_slice %arg8[%mul3A_77, %dma_start3A_82] : memref<10240x16xf32, #tpu.memory_space<vmem_shared>> -> memref<640x16xf32, #tpu.memory_space<vmem_shared>>
        tpu.enqueue_dma source(%dma_start3A_83 : memref<640x16xf32, #tpu.memory_space<vmem_shared>>) target(%dma_start3A_81 : memref<640x16xf32, #tpu.memory_space<hbm>>) target_semaphore(%run_scoped3A : memref<!tpu.dma_semaphore, #tpu.memory_space<semaphore_mem>>)
        %dma_wait3A = arith.constant 0 : i32
        %dma_wait3A_84 = tpu.memref_slice %arg3[%mul3A_79, %dma_wait3A] : memref<10240x16xf32, #tpu.memory_space<hbm>> -> memref<640x16xf32, #tpu.memory_space<hbm>>
        %dma_wait3A_85 = arith.constant 0 : i32
        %dma_wait3A_86 = tpu.memref_slice %arg8[%mul3A_77, %dma_wait3A_85] : memref<10240x16xf32, #tpu.memory_space<vmem_shared>> -> memref<640x16xf32, #tpu.memory_space<vmem_shared>>
        tpu.wait_dma2 semaphore(%run_scoped3A : memref<!tpu.dma_semaphore, #tpu.memory_space<semaphore_mem>>) src(%dma_wait3A_86 : memref<640x16xf32, #tpu.memory_space<vmem_shared>>) dst(%dma_wait3A_84 : memref<640x16xf32, #tpu.memory_space<hbm>>)
        tpu.yield
      }) : () -> ()
    } else {
    }
    %eq3A_71 = arith.constant 1 : i32
    %eq3A_72 = arith.cmpi eq, %arg0, %eq3A_71 : i32
    %convert_element_type3A_73 = arith.extui %eq3A_72 : i1 to i32
    %cond3A_74 = arith.constant 0 : i32
    %cond3A_75 = arith.cmpi ne, %convert_element_type3A_73, %cond3A_74 : i32
    scf.if %cond3A_75 {
      %mul3A_76 = arith.constant 640 : i32
      %mul3A_77 = arith.muli %arg1, %mul3A_76 : i32
      %mul3A_78 = arith.constant 640 : i32
      %mul3A_79 = arith.muli %arg1, %mul3A_78 : i32
      "tpu.region"() ({
        %run_scoped3A = tpu.sem_alloc : memref<!tpu.dma_semaphore, #tpu.memory_space<semaphore_mem>>
        %dma_start3A_80 = arith.constant 0 : i32
        %dma_start3A_81 = tpu.memref_slice %arg4[%mul3A_79, %dma_start3A_80] : memref<10240x16xf32, #tpu.memory_space<hbm>> -> memref<640x16xf32, #tpu.memory_space<hbm>>
        %dma_start3A_82 = arith.constant 0 : i32
        %dma_start3A_83 = tpu.memref_slice %arg8[%mul3A_77, %dma_start3A_82] : memref<10240x16xf32, #tpu.memory_space<vmem_shared>> -> memref<640x16xf32, #tpu.memory_space<vmem_shared>>
        tpu.enqueue_dma source(%dma_start3A_83 : memref<640x16xf32, #tpu.memory_space<vmem_shared>>) target(%dma_start3A_81 : memref<640x16xf32, #tpu.memory_space<hbm>>) target_semaphore(%run_scoped3A : memref<!tpu.dma_semaphore, #tpu.memory_space<semaphore_mem>>)
        %dma_wait3A = arith.constant 0 : i32
        %dma_wait3A_84 = tpu.memref_slice %arg4[%mul3A_79, %dma_wait3A] : memref<10240x16xf32, #tpu.memory_space<hbm>> -> memref<640x16xf32, #tpu.memory_space<hbm>>
        %dma_wait3A_85 = arith.constant 0 : i32
        %dma_wait3A_86 = tpu.memref_slice %arg8[%mul3A_77, %dma_wait3A_85] : memref<10240x16xf32, #tpu.memory_space<vmem_shared>> -> memref<640x16xf32, #tpu.memory_space<vmem_shared>>
        tpu.wait_dma2 semaphore(%run_scoped3A : memref<!tpu.dma_semaphore, #tpu.memory_space<semaphore_mem>>) src(%dma_wait3A_86 : memref<640x16xf32, #tpu.memory_space<vmem_shared>>) dst(%dma_wait3A_84 : memref<640x16xf32, #tpu.memory_space<hbm>>)
        tpu.yield
      }) : () -> ()
    } else {
    }
    return
  }
}

#map = affine_map<(d0, d1) -> (0, 0)>
#map1 = affine_map<(d0, d1) -> (0)>
module attributes {stable_mosaic.version = 14 : i64} {
  func.func @_agg_kernel(%arg0: i32, %arg1: i32, %arg2: memref<20480x64xf32, #tpu.memory_space<hbm>>, %arg3: memref<2x327680xi32, #tpu.memory_space<hbm>>, %arg4: memref<327680xi32, #tpu.memory_space<hbm>>, %arg5: memref<20480x64xf32, #tpu.memory_space<hbm>>, %arg6: memref<5x128xi32, #tpu.memory_space<vmem>>, %arg7: memref<5x128xi32, #tpu.memory_space<vmem>>, %arg8: memref<5x128x64xf32, #tpu.memory_space<vmem>>, %arg9: memref<10240x64xf32, #tpu.memory_space<vmem_shared>>, %arg10: memref<!tpu.dma_semaphore, #tpu.memory_space<semaphore_mem>>, %arg11: memref<!tpu.dma_semaphore, #tpu.memory_space<semaphore_mem>>, %arg12: memref<!tpu.dma_semaphore, #tpu.memory_space<semaphore_mem>>, %arg13: memref<!tpu.dma_semaphore, #tpu.memory_space<semaphore_mem>>, %arg14: memref<!tpu.dma_semaphore, #tpu.memory_space<semaphore_mem>>, %arg15: memref<!tpu.dma_semaphore, #tpu.memory_space<semaphore_mem>>, %arg16: memref<!tpu.dma_semaphore, #tpu.memory_space<semaphore_mem>>, %arg17: memref<!tpu.dma_semaphore, #tpu.memory_space<semaphore_mem>>, %arg18: memref<!tpu.dma_semaphore, #tpu.memory_space<semaphore_mem>>, %arg19: memref<!tpu.dma_semaphore, #tpu.memory_space<semaphore_mem>>) attributes {dimension_semantics = [#tpu.dimension_semantics<core_parallel>, #tpu.dimension_semantics<subcore_parallel>], iteration_bounds = array<i64: 2, 16>, scalar_prefetch = 0 : i64, scratch_operands = 14 : i64, tpu.core_type = #tpu.core_type<sc_vector_subcore>, window_params = [{transform_indices = #map}, {transform_indices = #map}, {transform_indices = #map1}, {transform_indices = #map}]} {
    %mul3A = arith.constant 20480 : i32
    %mul3A_0 = arith.muli %arg1, %mul3A : i32
    %mul3A_1 = arith.constant 10240 : i32
    %mul3A_2 = arith.muli %arg0, %mul3A_1 : i32
    %mul3A_3 = arith.constant 640 : i32
    %mul3A_4 = arith.muli %arg1, %mul3A_3 : i32
    %add3A = arith.addi %mul3A_2, %mul3A_4 : i32
    %mul3A_5 = arith.constant 640 : i32
    %mul3A_6 = arith.muli %arg1, %mul3A_5 : i32
    "tpu.region"() ({
      %run_scoped3A = tpu.sem_alloc : memref<!tpu.dma_semaphore, #tpu.memory_space<semaphore_mem>>
      %dma_start3A_237 = arith.constant 0 : i32
      %dma_start3A_238 = tpu.memref_slice %arg9[%mul3A_6, %dma_start3A_237] : memref<10240x64xf32, #tpu.memory_space<vmem_shared>> -> memref<640x64xf32, #tpu.memory_space<vmem_shared>>
      %dma_start3A_239 = arith.constant 0 : i32
      %dma_start3A_240 = tpu.memref_slice %arg2[%add3A, %dma_start3A_239] : memref<20480x64xf32, #tpu.memory_space<hbm>> -> memref<640x64xf32, #tpu.memory_space<hbm>>
      tpu.enqueue_dma source(%dma_start3A_240 : memref<640x64xf32, #tpu.memory_space<hbm>>) target(%dma_start3A_238 : memref<640x64xf32, #tpu.memory_space<vmem_shared>>) target_semaphore(%run_scoped3A : memref<!tpu.dma_semaphore, #tpu.memory_space<semaphore_mem>>)
      %dma_wait3A_241 = arith.constant 0 : i32
      %dma_wait3A_242 = tpu.memref_slice %arg9[%mul3A_6, %dma_wait3A_241] : memref<10240x64xf32, #tpu.memory_space<vmem_shared>> -> memref<640x64xf32, #tpu.memory_space<vmem_shared>>
      %dma_wait3A_243 = arith.constant 0 : i32
      %dma_wait3A_244 = tpu.memref_slice %arg2[%add3A, %dma_wait3A_243] : memref<20480x64xf32, #tpu.memory_space<hbm>> -> memref<640x64xf32, #tpu.memory_space<hbm>>
      tpu.wait_dma2 semaphore(%run_scoped3A : memref<!tpu.dma_semaphore, #tpu.memory_space<semaphore_mem>>) src(%dma_wait3A_244 : memref<640x64xf32, #tpu.memory_space<hbm>>) dst(%dma_wait3A_242 : memref<640x64xf32, #tpu.memory_space<vmem_shared>>)
      tpu.yield
    }) : () -> ()
    %barrier3A = arith.constant 0 : index
    tpu.barrier barrier_id(%barrier3A)
    %add3A_7 = arith.constant 0 : i32
    %add3A_8 = arith.addi %mul3A_0, %add3A_7 : i32
    %dma_start3A = arith.constant 0 : i32
    %dma_start3A_9 = arith.constant 0 : i32
    %dma_start3A_10 = tpu.memref_slice %arg6[%dma_start3A, %dma_start3A_9] : memref<5x128xi32, #tpu.memory_space<vmem>> -> memref<1x128xi32, #tpu.memory_space<vmem>>
    %dma_start3A_11 = tpu.memref_squeeze %dma_start3A_10 : memref<1x128xi32, #tpu.memory_space<vmem>> -> memref<128xi32, #tpu.memory_space<vmem>>
    %dma_start3A_12 = tpu.memref_slice %arg3[%arg0, %add3A_8] : memref<2x327680xi32, #tpu.memory_space<hbm>> -> memref<1x128xi32, #tpu.memory_space<hbm>>
    %dma_start3A_13 = tpu.memref_squeeze %dma_start3A_12 : memref<1x128xi32, #tpu.memory_space<hbm>> -> memref<128xi32, #tpu.memory_space<hbm>>
    %dma_start3A_14 = arith.constant 0 : i32
    %dma_start3A_15 = tpu.memref_slice %arg6[%dma_start3A, %dma_start3A_14] : memref<5x128xi32, #tpu.memory_space<vmem>> -> memref<1x128xi32, #tpu.memory_space<vmem>>
    %dma_start3A_16 = tpu.memref_squeeze %dma_start3A_15 : memref<1x128xi32, #tpu.memory_space<vmem>> -> memref<128xi32, #tpu.memory_space<vmem>>
    %dma_start3A_17 = tpu.memref_slice %arg3[%arg0, %add3A_8] : memref<2x327680xi32, #tpu.memory_space<hbm>> -> memref<1x128xi32, #tpu.memory_space<hbm>>
    %dma_start3A_18 = tpu.memref_squeeze %dma_start3A_17 : memref<1x128xi32, #tpu.memory_space<hbm>> -> memref<128xi32, #tpu.memory_space<hbm>>
    tpu.enqueue_dma source(%dma_start3A_18 : memref<128xi32, #tpu.memory_space<hbm>>) target(%dma_start3A_16 : memref<128xi32, #tpu.memory_space<vmem>>) target_semaphore(%arg15 : memref<!tpu.dma_semaphore, #tpu.memory_space<semaphore_mem>>)
    %dma_start3A_19 = arith.constant 0 : i32
    %dma_start3A_20 = arith.constant 0 : i32
    %dma_start3A_21 = tpu.memref_slice %arg7[%dma_start3A_19, %dma_start3A_20] : memref<5x128xi32, #tpu.memory_space<vmem>> -> memref<1x128xi32, #tpu.memory_space<vmem>>
    %dma_start3A_22 = tpu.memref_squeeze %dma_start3A_21 : memref<1x128xi32, #tpu.memory_space<vmem>> -> memref<128xi32, #tpu.memory_space<vmem>>
    %dma_start3A_23 = tpu.memref_slice %arg4[%add3A_8] : memref<327680xi32, #tpu.memory_space<hbm>> -> memref<128xi32, #tpu.memory_space<hbm>>
    %dma_start3A_24 = arith.constant 0 : i32
    %dma_start3A_25 = tpu.memref_slice %arg7[%dma_start3A_19, %dma_start3A_24] : memref<5x128xi32, #tpu.memory_space<vmem>> -> memref<1x128xi32, #tpu.memory_space<vmem>>
    %dma_start3A_26 = tpu.memref_squeeze %dma_start3A_25 : memref<1x128xi32, #tpu.memory_space<vmem>> -> memref<128xi32, #tpu.memory_space<vmem>>
    %dma_start3A_27 = tpu.memref_slice %arg4[%add3A_8] : memref<327680xi32, #tpu.memory_space<hbm>> -> memref<128xi32, #tpu.memory_space<hbm>>
    tpu.enqueue_dma source(%dma_start3A_27 : memref<128xi32, #tpu.memory_space<hbm>>) target(%dma_start3A_26 : memref<128xi32, #tpu.memory_space<vmem>>) target_semaphore(%arg15 : memref<!tpu.dma_semaphore, #tpu.memory_space<semaphore_mem>>)
    %add3A_28 = arith.constant 128 : i32
    %add3A_29 = arith.addi %mul3A_0, %add3A_28 : i32
    %dma_start3A_30 = arith.constant 1 : i32
    %dma_start3A_31 = arith.constant 0 : i32
    %dma_start3A_32 = tpu.memref_slice %arg6[%dma_start3A_30, %dma_start3A_31] : memref<5x128xi32, #tpu.memory_space<vmem>> -> memref<1x128xi32, #tpu.memory_space<vmem>>
    %dma_start3A_33 = tpu.memref_squeeze %dma_start3A_32 : memref<1x128xi32, #tpu.memory_space<vmem>> -> memref<128xi32, #tpu.memory_space<vmem>>
    %dma_start3A_34 = tpu.memref_slice %arg3[%arg0, %add3A_29] : memref<2x327680xi32, #tpu.memory_space<hbm>> -> memref<1x128xi32, #tpu.memory_space<hbm>>
    %dma_start3A_35 = tpu.memref_squeeze %dma_start3A_34 : memref<1x128xi32, #tpu.memory_space<hbm>> -> memref<128xi32, #tpu.memory_space<hbm>>
    %dma_start3A_36 = arith.constant 0 : i32
    %dma_start3A_37 = tpu.memref_slice %arg6[%dma_start3A_30, %dma_start3A_36] : memref<5x128xi32, #tpu.memory_space<vmem>> -> memref<1x128xi32, #tpu.memory_space<vmem>>
    %dma_start3A_38 = tpu.memref_squeeze %dma_start3A_37 : memref<1x128xi32, #tpu.memory_space<vmem>> -> memref<128xi32, #tpu.memory_space<vmem>>
    %dma_start3A_39 = tpu.memref_slice %arg3[%arg0, %add3A_29] : memref<2x327680xi32, #tpu.memory_space<hbm>> -> memref<1x128xi32, #tpu.memory_space<hbm>>
    %dma_start3A_40 = tpu.memref_squeeze %dma_start3A_39 : memref<1x128xi32, #tpu.memory_space<hbm>> -> memref<128xi32, #tpu.memory_space<hbm>>
    tpu.enqueue_dma source(%dma_start3A_40 : memref<128xi32, #tpu.memory_space<hbm>>) target(%dma_start3A_38 : memref<128xi32, #tpu.memory_space<vmem>>) target_semaphore(%arg16 : memref<!tpu.dma_semaphore, #tpu.memory_space<semaphore_mem>>)
    %dma_start3A_41 = arith.constant 1 : i32
    %dma_start3A_42 = arith.constant 0 : i32
    %dma_start3A_43 = tpu.memref_slice %arg7[%dma_start3A_41, %dma_start3A_42] : memref<5x128xi32, #tpu.memory_space<vmem>> -> memref<1x128xi32, #tpu.memory_space<vmem>>
    %dma_start3A_44 = tpu.memref_squeeze %dma_start3A_43 : memref<1x128xi32, #tpu.memory_space<vmem>> -> memref<128xi32, #tpu.memory_space<vmem>>
    %dma_start3A_45 = tpu.memref_slice %arg4[%add3A_29] : memref<327680xi32, #tpu.memory_space<hbm>> -> memref<128xi32, #tpu.memory_space<hbm>>
    %dma_start3A_46 = arith.constant 0 : i32
    %dma_start3A_47 = tpu.memref_slice %arg7[%dma_start3A_41, %dma_start3A_46] : memref<5x128xi32, #tpu.memory_space<vmem>> -> memref<1x128xi32, #tpu.memory_space<vmem>>
    %dma_start3A_48 = tpu.memref_squeeze %dma_start3A_47 : memref<1x128xi32, #tpu.memory_space<vmem>> -> memref<128xi32, #tpu.memory_space<vmem>>
    %dma_start3A_49 = tpu.memref_slice %arg4[%add3A_29] : memref<327680xi32, #tpu.memory_space<hbm>> -> memref<128xi32, #tpu.memory_space<hbm>>
    tpu.enqueue_dma source(%dma_start3A_49 : memref<128xi32, #tpu.memory_space<hbm>>) target(%dma_start3A_48 : memref<128xi32, #tpu.memory_space<vmem>>) target_semaphore(%arg16 : memref<!tpu.dma_semaphore, #tpu.memory_space<semaphore_mem>>)
    %add3A_50 = arith.constant 256 : i32
    %add3A_51 = arith.addi %mul3A_0, %add3A_50 : i32
    %dma_start3A_52 = arith.constant 2 : i32
    %dma_start3A_53 = arith.constant 0 : i32
    %dma_start3A_54 = tpu.memref_slice %arg6[%dma_start3A_52, %dma_start3A_53] : memref<5x128xi32, #tpu.memory_space<vmem>> -> memref<1x128xi32, #tpu.memory_space<vmem>>
    %dma_start3A_55 = tpu.memref_squeeze %dma_start3A_54 : memref<1x128xi32, #tpu.memory_space<vmem>> -> memref<128xi32, #tpu.memory_space<vmem>>
    %dma_start3A_56 = tpu.memref_slice %arg3[%arg0, %add3A_51] : memref<2x327680xi32, #tpu.memory_space<hbm>> -> memref<1x128xi32, #tpu.memory_space<hbm>>
    %dma_start3A_57 = tpu.memref_squeeze %dma_start3A_56 : memref<1x128xi32, #tpu.memory_space<hbm>> -> memref<128xi32, #tpu.memory_space<hbm>>
    %dma_start3A_58 = arith.constant 0 : i32
    %dma_start3A_59 = tpu.memref_slice %arg6[%dma_start3A_52, %dma_start3A_58] : memref<5x128xi32, #tpu.memory_space<vmem>> -> memref<1x128xi32, #tpu.memory_space<vmem>>
    %dma_start3A_60 = tpu.memref_squeeze %dma_start3A_59 : memref<1x128xi32, #tpu.memory_space<vmem>> -> memref<128xi32, #tpu.memory_space<vmem>>
    %dma_start3A_61 = tpu.memref_slice %arg3[%arg0, %add3A_51] : memref<2x327680xi32, #tpu.memory_space<hbm>> -> memref<1x128xi32, #tpu.memory_space<hbm>>
    %dma_start3A_62 = tpu.memref_squeeze %dma_start3A_61 : memref<1x128xi32, #tpu.memory_space<hbm>> -> memref<128xi32, #tpu.memory_space<hbm>>
    tpu.enqueue_dma source(%dma_start3A_62 : memref<128xi32, #tpu.memory_space<hbm>>) target(%dma_start3A_60 : memref<128xi32, #tpu.memory_space<vmem>>) target_semaphore(%arg17 : memref<!tpu.dma_semaphore, #tpu.memory_space<semaphore_mem>>)
    %dma_start3A_63 = arith.constant 2 : i32
    %dma_start3A_64 = arith.constant 0 : i32
    %dma_start3A_65 = tpu.memref_slice %arg7[%dma_start3A_63, %dma_start3A_64] : memref<5x128xi32, #tpu.memory_space<vmem>> -> memref<1x128xi32, #tpu.memory_space<vmem>>
    %dma_start3A_66 = tpu.memref_squeeze %dma_start3A_65 : memref<1x128xi32, #tpu.memory_space<vmem>> -> memref<128xi32, #tpu.memory_space<vmem>>
    %dma_start3A_67 = tpu.memref_slice %arg4[%add3A_51] : memref<327680xi32, #tpu.memory_space<hbm>> -> memref<128xi32, #tpu.memory_space<hbm>>
    %dma_start3A_68 = arith.constant 0 : i32
    %dma_start3A_69 = tpu.memref_slice %arg7[%dma_start3A_63, %dma_start3A_68] : memref<5x128xi32, #tpu.memory_space<vmem>> -> memref<1x128xi32, #tpu.memory_space<vmem>>
    %dma_start3A_70 = tpu.memref_squeeze %dma_start3A_69 : memref<1x128xi32, #tpu.memory_space<vmem>> -> memref<128xi32, #tpu.memory_space<vmem>>
    %dma_start3A_71 = tpu.memref_slice %arg4[%add3A_51] : memref<327680xi32, #tpu.memory_space<hbm>> -> memref<128xi32, #tpu.memory_space<hbm>>
    tpu.enqueue_dma source(%dma_start3A_71 : memref<128xi32, #tpu.memory_space<hbm>>) target(%dma_start3A_70 : memref<128xi32, #tpu.memory_space<vmem>>) target_semaphore(%arg17 : memref<!tpu.dma_semaphore, #tpu.memory_space<semaphore_mem>>)
    %add3A_72 = arith.constant 384 : i32
    %add3A_73 = arith.addi %mul3A_0, %add3A_72 : i32
    %dma_start3A_74 = arith.constant 3 : i32
    %dma_start3A_75 = arith.constant 0 : i32
    %dma_start3A_76 = tpu.memref_slice %arg6[%dma_start3A_74, %dma_start3A_75] : memref<5x128xi32, #tpu.memory_space<vmem>> -> memref<1x128xi32, #tpu.memory_space<vmem>>
    %dma_start3A_77 = tpu.memref_squeeze %dma_start3A_76 : memref<1x128xi32, #tpu.memory_space<vmem>> -> memref<128xi32, #tpu.memory_space<vmem>>
    %dma_start3A_78 = tpu.memref_slice %arg3[%arg0, %add3A_73] : memref<2x327680xi32, #tpu.memory_space<hbm>> -> memref<1x128xi32, #tpu.memory_space<hbm>>
    %dma_start3A_79 = tpu.memref_squeeze %dma_start3A_78 : memref<1x128xi32, #tpu.memory_space<hbm>> -> memref<128xi32, #tpu.memory_space<hbm>>
    %dma_start3A_80 = arith.constant 0 : i32
    %dma_start3A_81 = tpu.memref_slice %arg6[%dma_start3A_74, %dma_start3A_80] : memref<5x128xi32, #tpu.memory_space<vmem>> -> memref<1x128xi32, #tpu.memory_space<vmem>>
    %dma_start3A_82 = tpu.memref_squeeze %dma_start3A_81 : memref<1x128xi32, #tpu.memory_space<vmem>> -> memref<128xi32, #tpu.memory_space<vmem>>
    %dma_start3A_83 = tpu.memref_slice %arg3[%arg0, %add3A_73] : memref<2x327680xi32, #tpu.memory_space<hbm>> -> memref<1x128xi32, #tpu.memory_space<hbm>>
    %dma_start3A_84 = tpu.memref_squeeze %dma_start3A_83 : memref<1x128xi32, #tpu.memory_space<hbm>> -> memref<128xi32, #tpu.memory_space<hbm>>
    tpu.enqueue_dma source(%dma_start3A_84 : memref<128xi32, #tpu.memory_space<hbm>>) target(%dma_start3A_82 : memref<128xi32, #tpu.memory_space<vmem>>) target_semaphore(%arg18 : memref<!tpu.dma_semaphore, #tpu.memory_space<semaphore_mem>>)
    %dma_start3A_85 = arith.constant 3 : i32
    %dma_start3A_86 = arith.constant 0 : i32
    %dma_start3A_87 = tpu.memref_slice %arg7[%dma_start3A_85, %dma_start3A_86] : memref<5x128xi32, #tpu.memory_space<vmem>> -> memref<1x128xi32, #tpu.memory_space<vmem>>
    %dma_start3A_88 = tpu.memref_squeeze %dma_start3A_87 : memref<1x128xi32, #tpu.memory_space<vmem>> -> memref<128xi32, #tpu.memory_space<vmem>>
    %dma_start3A_89 = tpu.memref_slice %arg4[%add3A_73] : memref<327680xi32, #tpu.memory_space<hbm>> -> memref<128xi32, #tpu.memory_space<hbm>>
    %dma_start3A_90 = arith.constant 0 : i32
    %dma_start3A_91 = tpu.memref_slice %arg7[%dma_start3A_85, %dma_start3A_90] : memref<5x128xi32, #tpu.memory_space<vmem>> -> memref<1x128xi32, #tpu.memory_space<vmem>>
    %dma_start3A_92 = tpu.memref_squeeze %dma_start3A_91 : memref<1x128xi32, #tpu.memory_space<vmem>> -> memref<128xi32, #tpu.memory_space<vmem>>
    %dma_start3A_93 = tpu.memref_slice %arg4[%add3A_73] : memref<327680xi32, #tpu.memory_space<hbm>> -> memref<128xi32, #tpu.memory_space<hbm>>
    tpu.enqueue_dma source(%dma_start3A_93 : memref<128xi32, #tpu.memory_space<hbm>>) target(%dma_start3A_92 : memref<128xi32, #tpu.memory_space<vmem>>) target_semaphore(%arg18 : memref<!tpu.dma_semaphore, #tpu.memory_space<semaphore_mem>>)
    %dma_wait3A = arith.constant 0 : i32
    %dma_wait3A_94 = arith.constant 0 : i32
    %dma_wait3A_95 = tpu.memref_slice %arg6[%dma_wait3A, %dma_wait3A_94] : memref<5x128xi32, #tpu.memory_space<vmem>> -> memref<1x128xi32, #tpu.memory_space<vmem>>
    %dma_wait3A_96 = tpu.memref_squeeze %dma_wait3A_95 : memref<1x128xi32, #tpu.memory_space<vmem>> -> memref<128xi32, #tpu.memory_space<vmem>>
    %dma_wait3A_97 = arith.constant 0 : i32
    %dma_wait3A_98 = tpu.memref_slice %arg3[%arg0, %dma_wait3A_97] : memref<2x327680xi32, #tpu.memory_space<hbm>> -> memref<1x128xi32, #tpu.memory_space<hbm>>
    %dma_wait3A_99 = tpu.memref_squeeze %dma_wait3A_98 : memref<1x128xi32, #tpu.memory_space<hbm>> -> memref<128xi32, #tpu.memory_space<hbm>>
    %dma_wait3A_100 = arith.constant 0 : i32
    %dma_wait3A_101 = tpu.memref_slice %arg6[%dma_wait3A, %dma_wait3A_100] : memref<5x128xi32, #tpu.memory_space<vmem>> -> memref<1x128xi32, #tpu.memory_space<vmem>>
    %dma_wait3A_102 = tpu.memref_squeeze %dma_wait3A_101 : memref<1x128xi32, #tpu.memory_space<vmem>> -> memref<128xi32, #tpu.memory_space<vmem>>
    %dma_wait3A_103 = arith.constant 0 : i32
    %dma_wait3A_104 = tpu.memref_slice %arg3[%arg0, %dma_wait3A_103] : memref<2x327680xi32, #tpu.memory_space<hbm>> -> memref<1x128xi32, #tpu.memory_space<hbm>>
    %dma_wait3A_105 = tpu.memref_squeeze %dma_wait3A_104 : memref<1x128xi32, #tpu.memory_space<hbm>> -> memref<128xi32, #tpu.memory_space<hbm>>
    tpu.wait_dma2 semaphore(%arg15 : memref<!tpu.dma_semaphore, #tpu.memory_space<semaphore_mem>>) src(%dma_wait3A_105 : memref<128xi32, #tpu.memory_space<hbm>>) dst(%dma_wait3A_102 : memref<128xi32, #tpu.memory_space<vmem>>)
    %dma_wait3A_106 = arith.constant 0 : i32
    %dma_wait3A_107 = arith.constant 0 : i32
    %dma_wait3A_108 = tpu.memref_slice %arg7[%dma_wait3A_106, %dma_wait3A_107] : memref<5x128xi32, #tpu.memory_space<vmem>> -> memref<1x128xi32, #tpu.memory_space<vmem>>
    %dma_wait3A_109 = tpu.memref_squeeze %dma_wait3A_108 : memref<1x128xi32, #tpu.memory_space<vmem>> -> memref<128xi32, #tpu.memory_space<vmem>>
    %dma_wait3A_110 = arith.constant 0 : i32
    %dma_wait3A_111 = tpu.memref_slice %arg4[%dma_wait3A_110] : memref<327680xi32, #tpu.memory_space<hbm>> -> memref<128xi32, #tpu.memory_space<hbm>>
    %dma_wait3A_112 = arith.constant 0 : i32
    %dma_wait3A_113 = tpu.memref_slice %arg7[%dma_wait3A_106, %dma_wait3A_112] : memref<5x128xi32, #tpu.memory_space<vmem>> -> memref<1x128xi32, #tpu.memory_space<vmem>>
    %dma_wait3A_114 = tpu.memref_squeeze %dma_wait3A_113 : memref<1x128xi32, #tpu.memory_space<vmem>> -> memref<128xi32, #tpu.memory_space<vmem>>
    %dma_wait3A_115 = arith.constant 0 : i32
    %dma_wait3A_116 = tpu.memref_slice %arg4[%dma_wait3A_115] : memref<327680xi32, #tpu.memory_space<hbm>> -> memref<128xi32, #tpu.memory_space<hbm>>
    tpu.wait_dma2 semaphore(%arg15 : memref<!tpu.dma_semaphore, #tpu.memory_space<semaphore_mem>>) src(%dma_wait3A_116 : memref<128xi32, #tpu.memory_space<hbm>>) dst(%dma_wait3A_114 : memref<128xi32, #tpu.memory_space<vmem>>)
    %dma_start3A_117 = arith.constant 0 : i32
    %dma_start3A_118 = arith.constant 0 : i32
    %dma_start3A_119 = arith.constant 0 : i32
    %dma_start3A_120 = arith.constant 0 : i32
    %dma_start3A_121 = tpu.memref_slice %arg8[%dma_start3A_118, %dma_start3A_119, %dma_start3A_120] : memref<5x128x64xf32, #tpu.memory_space<vmem>> -> memref<1x128x64xf32, #tpu.memory_space<vmem>>
    %dma_start3A_122 = tpu.memref_squeeze %dma_start3A_121 : memref<1x128x64xf32, #tpu.memory_space<vmem>> -> memref<128x64xf32, #tpu.memory_space<vmem>>
    %dma_start3A_123 = arith.constant 0 : i32
    %dma_start3A_124 = tpu.memref_slice %arg6[%dma_start3A_117, %dma_start3A_123] : memref<5x128xi32, #tpu.memory_space<vmem>> -> memref<1x128xi32, #tpu.memory_space<vmem>>
    %dma_start3A_125 = tpu.memref_squeeze %dma_start3A_124 : memref<1x128xi32, #tpu.memory_space<vmem>> -> memref<128xi32, #tpu.memory_space<vmem>>
    %dma_start3A_126 = arith.constant 0 : i32
    %dma_start3A_127 = arith.constant 0 : i32
    %dma_start3A_128 = tpu.memref_slice %arg2[%dma_start3A_126, %dma_start3A_127] : memref<20480x64xf32, #tpu.memory_space<hbm>> -> memref<20480x64xf32, #tpu.memory_space<hbm>>
    tpu.enqueue_indirect_dma source(%dma_start3A_128 : memref<20480x64xf32, #tpu.memory_space<hbm>>) target(%dma_start3A_122 : memref<128x64xf32, #tpu.memory_space<vmem>>) offsets(%dma_start3A_125 : memref<128xi32, #tpu.memory_space<vmem>>) semaphore(%arg10 : memref<!tpu.dma_semaphore, #tpu.memory_space<semaphore_mem>>)
    %dma_wait3A_129 = arith.constant 1 : i32
    %dma_wait3A_130 = arith.constant 0 : i32
    %dma_wait3A_131 = tpu.memref_slice %arg6[%dma_wait3A_129, %dma_wait3A_130] : memref<5x128xi32, #tpu.memory_space<vmem>> -> memref<1x128xi32, #tpu.memory_space<vmem>>
    %dma_wait3A_132 = tpu.memref_squeeze %dma_wait3A_131 : memref<1x128xi32, #tpu.memory_space<vmem>> -> memref<128xi32, #tpu.memory_space<vmem>>
    %dma_wait3A_133 = arith.constant 0 : i32
    %dma_wait3A_134 = tpu.memref_slice %arg3[%arg0, %dma_wait3A_133] : memref<2x327680xi32, #tpu.memory_space<hbm>> -> memref<1x128xi32, #tpu.memory_space<hbm>>
    %dma_wait3A_135 = tpu.memref_squeeze %dma_wait3A_134 : memref<1x128xi32, #tpu.memory_space<hbm>> -> memref<128xi32, #tpu.memory_space<hbm>>
    %dma_wait3A_136 = arith.constant 0 : i32
    %dma_wait3A_137 = tpu.memref_slice %arg6[%dma_wait3A_129, %dma_wait3A_136] : memref<5x128xi32, #tpu.memory_space<vmem>> -> memref<1x128xi32, #tpu.memory_space<vmem>>
    %dma_wait3A_138 = tpu.memref_squeeze %dma_wait3A_137 : memref<1x128xi32, #tpu.memory_space<vmem>> -> memref<128xi32, #tpu.memory_space<vmem>>
    %dma_wait3A_139 = arith.constant 0 : i32
    %dma_wait3A_140 = tpu.memref_slice %arg3[%arg0, %dma_wait3A_139] : memref<2x327680xi32, #tpu.memory_space<hbm>> -> memref<1x128xi32, #tpu.memory_space<hbm>>
    %dma_wait3A_141 = tpu.memref_squeeze %dma_wait3A_140 : memref<1x128xi32, #tpu.memory_space<hbm>> -> memref<128xi32, #tpu.memory_space<hbm>>
    tpu.wait_dma2 semaphore(%arg16 : memref<!tpu.dma_semaphore, #tpu.memory_space<semaphore_mem>>) src(%dma_wait3A_141 : memref<128xi32, #tpu.memory_space<hbm>>) dst(%dma_wait3A_138 : memref<128xi32, #tpu.memory_space<vmem>>)
    %dma_wait3A_142 = arith.constant 1 : i32
    %dma_wait3A_143 = arith.constant 0 : i32
    %dma_wait3A_144 = tpu.memref_slice %arg7[%dma_wait3A_142, %dma_wait3A_143] : memref<5x128xi32, #tpu.memory_space<vmem>> -> memref<1x128xi32, #tpu.memory_space<vmem>>
    %dma_wait3A_145 = tpu.memref_squeeze %dma_wait3A_144 : memref<1x128xi32, #tpu.memory_space<vmem>> -> memref<128xi32, #tpu.memory_space<vmem>>
    %dma_wait3A_146 = arith.constant 0 : i32
    %dma_wait3A_147 = tpu.memref_slice %arg4[%dma_wait3A_146] : memref<327680xi32, #tpu.memory_space<hbm>> -> memref<128xi32, #tpu.memory_space<hbm>>
    %dma_wait3A_148 = arith.constant 0 : i32
    %dma_wait3A_149 = tpu.memref_slice %arg7[%dma_wait3A_142, %dma_wait3A_148] : memref<5x128xi32, #tpu.memory_space<vmem>> -> memref<1x128xi32, #tpu.memory_space<vmem>>
    %dma_wait3A_150 = tpu.memref_squeeze %dma_wait3A_149 : memref<1x128xi32, #tpu.memory_space<vmem>> -> memref<128xi32, #tpu.memory_space<vmem>>
    %dma_wait3A_151 = arith.constant 0 : i32
    %dma_wait3A_152 = tpu.memref_slice %arg4[%dma_wait3A_151] : memref<327680xi32, #tpu.memory_space<hbm>> -> memref<128xi32, #tpu.memory_space<hbm>>
    tpu.wait_dma2 semaphore(%arg16 : memref<!tpu.dma_semaphore, #tpu.memory_space<semaphore_mem>>) src(%dma_wait3A_152 : memref<128xi32, #tpu.memory_space<hbm>>) dst(%dma_wait3A_150 : memref<128xi32, #tpu.memory_space<vmem>>)
    %dma_start3A_153 = arith.constant 1 : i32
    %dma_start3A_154 = arith.constant 1 : i32
    %dma_start3A_155 = arith.constant 0 : i32
    %dma_start3A_156 = arith.constant 0 : i32
    %dma_start3A_157 = tpu.memref_slice %arg8[%dma_start3A_154, %dma_start3A_155, %dma_start3A_156] : memref<5x128x64xf32, #tpu.memory_space<vmem>> -> memref<1x128x64xf32, #tpu.memory_space<vmem>>
    %dma_start3A_158 = tpu.memref_squeeze %dma_start3A_157 : memref<1x128x64xf32, #tpu.memory_space<vmem>> -> memref<128x64xf32, #tpu.memory_space<vmem>>
    %dma_start3A_159 = arith.constant 0 : i32
    %dma_start3A_160 = tpu.memref_slice %arg6[%dma_start3A_153, %dma_start3A_159] : memref<5x128xi32, #tpu.memory_space<vmem>> -> memref<1x128xi32, #tpu.memory_space<vmem>>
    %dma_start3A_161 = tpu.memref_squeeze %dma_start3A_160 : memref<1x128xi32, #tpu.memory_space<vmem>> -> memref<128xi32, #tpu.memory_space<vmem>>
    %dma_start3A_162 = arith.constant 0 : i32
    %dma_start3A_163 = arith.constant 0 : i32
    %dma_start3A_164 = tpu.memref_slice %arg2[%dma_start3A_162, %dma_start3A_163] : memref<20480x64xf32, #tpu.memory_space<hbm>> -> memref<20480x64xf32, #tpu.memory_space<hbm>>
    tpu.enqueue_indirect_dma source(%dma_start3A_164 : memref<20480x64xf32, #tpu.memory_space<hbm>>) target(%dma_start3A_158 : memref<128x64xf32, #tpu.memory_space<vmem>>) offsets(%dma_start3A_161 : memref<128xi32, #tpu.memory_space<vmem>>) semaphore(%arg11 : memref<!tpu.dma_semaphore, #tpu.memory_space<semaphore_mem>>)
    %dma_wait3A_165 = arith.constant 2 : i32
    %dma_wait3A_166 = arith.constant 0 : i32
    %dma_wait3A_167 = tpu.memref_slice %arg6[%dma_wait3A_165, %dma_wait3A_166] : memref<5x128xi32, #tpu.memory_space<vmem>> -> memref<1x128xi32, #tpu.memory_space<vmem>>
    %dma_wait3A_168 = tpu.memref_squeeze %dma_wait3A_167 : memref<1x128xi32, #tpu.memory_space<vmem>> -> memref<128xi32, #tpu.memory_space<vmem>>
    %dma_wait3A_169 = arith.constant 0 : i32
    %dma_wait3A_170 = tpu.memref_slice %arg3[%arg0, %dma_wait3A_169] : memref<2x327680xi32, #tpu.memory_space<hbm>> -> memref<1x128xi32, #tpu.memory_space<hbm>>
    %dma_wait3A_171 = tpu.memref_squeeze %dma_wait3A_170 : memref<1x128xi32, #tpu.memory_space<hbm>> -> memref<128xi32, #tpu.memory_space<hbm>>
    %dma_wait3A_172 = arith.constant 0 : i32
    %dma_wait3A_173 = tpu.memref_slice %arg6[%dma_wait3A_165, %dma_wait3A_172] : memref<5x128xi32, #tpu.memory_space<vmem>> -> memref<1x128xi32, #tpu.memory_space<vmem>>
    %dma_wait3A_174 = tpu.memref_squeeze %dma_wait3A_173 : memref<1x128xi32, #tpu.memory_space<vmem>> -> memref<128xi32, #tpu.memory_space<vmem>>
    %dma_wait3A_175 = arith.constant 0 : i32
    %dma_wait3A_176 = tpu.memref_slice %arg3[%arg0, %dma_wait3A_175] : memref<2x327680xi32, #tpu.memory_space<hbm>> -> memref<1x128xi32, #tpu.memory_space<hbm>>
    %dma_wait3A_177 = tpu.memref_squeeze %dma_wait3A_176 : memref<1x128xi32, #tpu.memory_space<hbm>> -> memref<128xi32, #tpu.memory_space<hbm>>
    tpu.wait_dma2 semaphore(%arg17 : memref<!tpu.dma_semaphore, #tpu.memory_space<semaphore_mem>>) src(%dma_wait3A_177 : memref<128xi32, #tpu.memory_space<hbm>>) dst(%dma_wait3A_174 : memref<128xi32, #tpu.memory_space<vmem>>)
    %dma_wait3A_178 = arith.constant 2 : i32
    %dma_wait3A_179 = arith.constant 0 : i32
    %dma_wait3A_180 = tpu.memref_slice %arg7[%dma_wait3A_178, %dma_wait3A_179] : memref<5x128xi32, #tpu.memory_space<vmem>> -> memref<1x128xi32, #tpu.memory_space<vmem>>
    %dma_wait3A_181 = tpu.memref_squeeze %dma_wait3A_180 : memref<1x128xi32, #tpu.memory_space<vmem>> -> memref<128xi32, #tpu.memory_space<vmem>>
    %dma_wait3A_182 = arith.constant 0 : i32
    %dma_wait3A_183 = tpu.memref_slice %arg4[%dma_wait3A_182] : memref<327680xi32, #tpu.memory_space<hbm>> -> memref<128xi32, #tpu.memory_space<hbm>>
    %dma_wait3A_184 = arith.constant 0 : i32
    %dma_wait3A_185 = tpu.memref_slice %arg7[%dma_wait3A_178, %dma_wait3A_184] : memref<5x128xi32, #tpu.memory_space<vmem>> -> memref<1x128xi32, #tpu.memory_space<vmem>>
    %dma_wait3A_186 = tpu.memref_squeeze %dma_wait3A_185 : memref<1x128xi32, #tpu.memory_space<vmem>> -> memref<128xi32, #tpu.memory_space<vmem>>
    %dma_wait3A_187 = arith.constant 0 : i32
    %dma_wait3A_188 = tpu.memref_slice %arg4[%dma_wait3A_187] : memref<327680xi32, #tpu.memory_space<hbm>> -> memref<128xi32, #tpu.memory_space<hbm>>
    tpu.wait_dma2 semaphore(%arg17 : memref<!tpu.dma_semaphore, #tpu.memory_space<semaphore_mem>>) src(%dma_wait3A_188 : memref<128xi32, #tpu.memory_space<hbm>>) dst(%dma_wait3A_186 : memref<128xi32, #tpu.memory_space<vmem>>)
    %dma_start3A_189 = arith.constant 2 : i32
    %dma_start3A_190 = arith.constant 2 : i32
    %dma_start3A_191 = arith.constant 0 : i32
    %dma_start3A_192 = arith.constant 0 : i32
    %dma_start3A_193 = tpu.memref_slice %arg8[%dma_start3A_190, %dma_start3A_191, %dma_start3A_192] : memref<5x128x64xf32, #tpu.memory_space<vmem>> -> memref<1x128x64xf32, #tpu.memory_space<vmem>>
    %dma_start3A_194 = tpu.memref_squeeze %dma_start3A_193 : memref<1x128x64xf32, #tpu.memory_space<vmem>> -> memref<128x64xf32, #tpu.memory_space<vmem>>
    %dma_start3A_195 = arith.constant 0 : i32
    %dma_start3A_196 = tpu.memref_slice %arg6[%dma_start3A_189, %dma_start3A_195] : memref<5x128xi32, #tpu.memory_space<vmem>> -> memref<1x128xi32, #tpu.memory_space<vmem>>
    %dma_start3A_197 = tpu.memref_squeeze %dma_start3A_196 : memref<1x128xi32, #tpu.memory_space<vmem>> -> memref<128xi32, #tpu.memory_space<vmem>>
    %dma_start3A_198 = arith.constant 0 : i32
    %dma_start3A_199 = arith.constant 0 : i32
    %dma_start3A_200 = tpu.memref_slice %arg2[%dma_start3A_198, %dma_start3A_199] : memref<20480x64xf32, #tpu.memory_space<hbm>> -> memref<20480x64xf32, #tpu.memory_space<hbm>>
    tpu.enqueue_indirect_dma source(%dma_start3A_200 : memref<20480x64xf32, #tpu.memory_space<hbm>>) target(%dma_start3A_194 : memref<128x64xf32, #tpu.memory_space<vmem>>) offsets(%dma_start3A_197 : memref<128xi32, #tpu.memory_space<vmem>>) semaphore(%arg12 : memref<!tpu.dma_semaphore, #tpu.memory_space<semaphore_mem>>)
    %add3A_201 = arith.constant 512 : i32
    %add3A_202 = arith.addi %mul3A_0, %add3A_201 : i32
    %dma_start3A_203 = arith.constant 4 : i32
    %dma_start3A_204 = arith.constant 0 : i32
    %dma_start3A_205 = tpu.memref_slice %arg6[%dma_start3A_203, %dma_start3A_204] : memref<5x128xi32, #tpu.memory_space<vmem>> -> memref<1x128xi32, #tpu.memory_space<vmem>>
    %dma_start3A_206 = tpu.memref_squeeze %dma_start3A_205 : memref<1x128xi32, #tpu.memory_space<vmem>> -> memref<128xi32, #tpu.memory_space<vmem>>
    %dma_start3A_207 = tpu.memref_slice %arg3[%arg0, %add3A_202] : memref<2x327680xi32, #tpu.memory_space<hbm>> -> memref<1x128xi32, #tpu.memory_space<hbm>>
    %dma_start3A_208 = tpu.memref_squeeze %dma_start3A_207 : memref<1x128xi32, #tpu.memory_space<hbm>> -> memref<128xi32, #tpu.memory_space<hbm>>
    %dma_start3A_209 = arith.constant 0 : i32
    %dma_start3A_210 = tpu.memref_slice %arg6[%dma_start3A_203, %dma_start3A_209] : memref<5x128xi32, #tpu.memory_space<vmem>> -> memref<1x128xi32, #tpu.memory_space<vmem>>
    %dma_start3A_211 = tpu.memref_squeeze %dma_start3A_210 : memref<1x128xi32, #tpu.memory_space<vmem>> -> memref<128xi32, #tpu.memory_space<vmem>>
    %dma_start3A_212 = tpu.memref_slice %arg3[%arg0, %add3A_202] : memref<2x327680xi32, #tpu.memory_space<hbm>> -> memref<1x128xi32, #tpu.memory_space<hbm>>
    %dma_start3A_213 = tpu.memref_squeeze %dma_start3A_212 : memref<1x128xi32, #tpu.memory_space<hbm>> -> memref<128xi32, #tpu.memory_space<hbm>>
    tpu.enqueue_dma source(%dma_start3A_213 : memref<128xi32, #tpu.memory_space<hbm>>) target(%dma_start3A_211 : memref<128xi32, #tpu.memory_space<vmem>>) target_semaphore(%arg19 : memref<!tpu.dma_semaphore, #tpu.memory_space<semaphore_mem>>)
    %dma_start3A_214 = arith.constant 4 : i32
    %dma_start3A_215 = arith.constant 0 : i32
    %dma_start3A_216 = tpu.memref_slice %arg7[%dma_start3A_214, %dma_start3A_215] : memref<5x128xi32, #tpu.memory_space<vmem>> -> memref<1x128xi32, #tpu.memory_space<vmem>>
    %dma_start3A_217 = tpu.memref_squeeze %dma_start3A_216 : memref<1x128xi32, #tpu.memory_space<vmem>> -> memref<128xi32, #tpu.memory_space<vmem>>
    %dma_start3A_218 = tpu.memref_slice %arg4[%add3A_202] : memref<327680xi32, #tpu.memory_space<hbm>> -> memref<128xi32, #tpu.memory_space<hbm>>
    %dma_start3A_219 = arith.constant 0 : i32
    %dma_start3A_220 = tpu.memref_slice %arg7[%dma_start3A_214, %dma_start3A_219] : memref<5x128xi32, #tpu.memory_space<vmem>> -> memref<1x128xi32, #tpu.memory_space<vmem>>
    %dma_start3A_221 = tpu.memref_squeeze %dma_start3A_220 : memref<1x128xi32, #tpu.memory_space<vmem>> -> memref<128xi32, #tpu.memory_space<vmem>>
    %dma_start3A_222 = tpu.memref_slice %arg4[%add3A_202] : memref<327680xi32, #tpu.memory_space<hbm>> -> memref<128xi32, #tpu.memory_space<hbm>>
    tpu.enqueue_dma source(%dma_start3A_222 : memref<128xi32, #tpu.memory_space<hbm>>) target(%dma_start3A_221 : memref<128xi32, #tpu.memory_space<vmem>>) target_semaphore(%arg19 : memref<!tpu.dma_semaphore, #tpu.memory_space<semaphore_mem>>)
    %scan3A = arith.constant 0 : i32
    %scan3A_223 = arith.constant 0 : i32
    %scan3A_224 = arith.constant 32 : i32
    %scan3A_225 = arith.addi %scan3A_223, %scan3A_224 : i32
    %scan3A_226 = arith.constant 1 : i32
    %scan3A_227 = scf.for %scan3A_237 = %scan3A_223 to %scan3A_225 step %scan3A_226 iter_args(%scan3A_238 = %scan3A) -> (i32)  : i32 {
      %mul3A_239 = arith.constant 5 : i32
      %mul3A_240 = arith.muli %mul3A_239, %scan3A_237 : i32
      %add3A_241 = arith.constant 0 : i32
      %add3A_242 = arith.addi %mul3A_240, %add3A_241 : i32
      %dma_wait3A_243 = arith.constant 0 : i32
      %dma_wait3A_244 = arith.constant 0 : i32
      %dma_wait3A_245 = arith.constant 0 : i32
      %dma_wait3A_246 = arith.constant 0 : i32
      %dma_wait3A_247 = tpu.memref_slice %arg8[%dma_wait3A_244, %dma_wait3A_245, %dma_wait3A_246] : memref<5x128x64xf32, #tpu.memory_space<vmem>> -> memref<1x128x64xf32, #tpu.memory_space<vmem>>
      %dma_wait3A_248 = tpu.memref_squeeze %dma_wait3A_247 : memref<1x128x64xf32, #tpu.memory_space<vmem>> -> memref<128x64xf32, #tpu.memory_space<vmem>>
      %dma_wait3A_249 = arith.constant 0 : i32
      %dma_wait3A_250 = tpu.memref_slice %arg6[%dma_wait3A_243, %dma_wait3A_249] : memref<5x128xi32, #tpu.memory_space<vmem>> -> memref<1x128xi32, #tpu.memory_space<vmem>>
      %dma_wait3A_251 = tpu.memref_squeeze %dma_wait3A_250 : memref<1x128xi32, #tpu.memory_space<vmem>> -> memref<128xi32, #tpu.memory_space<vmem>>
      %dma_wait3A_252 = arith.constant 0 : i32
      %dma_wait3A_253 = arith.constant 0 : i32
      %dma_wait3A_254 = tpu.memref_slice %arg2[%dma_wait3A_252, %dma_wait3A_253] : memref<20480x64xf32, #tpu.memory_space<hbm>> -> memref<20480x64xf32, #tpu.memory_space<hbm>>
      tpu.wait_indirect_dma semaphore(%arg10 : memref<!tpu.dma_semaphore, #tpu.memory_space<semaphore_mem>>) src(%dma_wait3A_254 : memref<20480x64xf32, #tpu.memory_space<hbm>>) dst(%dma_wait3A_248 : memref<128x64xf32, #tpu.memory_space<vmem>>)
      %add3A_255 = arith.constant 3 : i32
      %add3A_256 = arith.addi %add3A_242, %add3A_255 : i32
      %lt3A = arith.constant 160 : i32
      %lt3A_257 = arith.cmpi slt, %add3A_256, %lt3A : i32
      %convert_element_type3A = arith.extui %lt3A_257 : i1 to i32
      %cond3A = arith.constant 0 : i32
      %cond3A_258 = arith.cmpi ne, %convert_element_type3A, %cond3A : i32
      scf.if %cond3A_258 {
        %dma_wait3A_396 = arith.constant 3 : i32
        %dma_wait3A_397 = arith.constant 0 : i32
        %dma_wait3A_398 = tpu.memref_slice %arg6[%dma_wait3A_396, %dma_wait3A_397] : memref<5x128xi32, #tpu.memory_space<vmem>> -> memref<1x128xi32, #tpu.memory_space<vmem>>
        %dma_wait3A_399 = tpu.memref_squeeze %dma_wait3A_398 : memref<1x128xi32, #tpu.memory_space<vmem>> -> memref<128xi32, #tpu.memory_space<vmem>>
        %dma_wait3A_400 = arith.constant 0 : i32
        %dma_wait3A_401 = tpu.memref_slice %arg3[%arg0, %dma_wait3A_400] : memref<2x327680xi32, #tpu.memory_space<hbm>> -> memref<1x128xi32, #tpu.memory_space<hbm>>
        %dma_wait3A_402 = tpu.memref_squeeze %dma_wait3A_401 : memref<1x128xi32, #tpu.memory_space<hbm>> -> memref<128xi32, #tpu.memory_space<hbm>>
        %dma_wait3A_403 = arith.constant 0 : i32
        %dma_wait3A_404 = tpu.memref_slice %arg6[%dma_wait3A_396, %dma_wait3A_403] : memref<5x128xi32, #tpu.memory_space<vmem>> -> memref<1x128xi32, #tpu.memory_space<vmem>>
        %dma_wait3A_405 = tpu.memref_squeeze %dma_wait3A_404 : memref<1x128xi32, #tpu.memory_space<vmem>> -> memref<128xi32, #tpu.memory_space<vmem>>
        %dma_wait3A_406 = arith.constant 0 : i32
        %dma_wait3A_407 = tpu.memref_slice %arg3[%arg0, %dma_wait3A_406] : memref<2x327680xi32, #tpu.memory_space<hbm>> -> memref<1x128xi32, #tpu.memory_space<hbm>>
        %dma_wait3A_408 = tpu.memref_squeeze %dma_wait3A_407 : memref<1x128xi32, #tpu.memory_space<hbm>> -> memref<128xi32, #tpu.memory_space<hbm>>
        tpu.wait_dma2 semaphore(%arg18 : memref<!tpu.dma_semaphore, #tpu.memory_space<semaphore_mem>>) src(%dma_wait3A_408 : memref<128xi32, #tpu.memory_space<hbm>>) dst(%dma_wait3A_405 : memref<128xi32, #tpu.memory_space<vmem>>)
        %dma_wait3A_409 = arith.constant 3 : i32
        %dma_wait3A_410 = arith.constant 0 : i32
        %dma_wait3A_411 = tpu.memref_slice %arg7[%dma_wait3A_409, %dma_wait3A_410] : memref<5x128xi32, #tpu.memory_space<vmem>> -> memref<1x128xi32, #tpu.memory_space<vmem>>
        %dma_wait3A_412 = tpu.memref_squeeze %dma_wait3A_411 : memref<1x128xi32, #tpu.memory_space<vmem>> -> memref<128xi32, #tpu.memory_space<vmem>>
        %dma_wait3A_413 = arith.constant 0 : i32
        %dma_wait3A_414 = tpu.memref_slice %arg4[%dma_wait3A_413] : memref<327680xi32, #tpu.memory_space<hbm>> -> memref<128xi32, #tpu.memory_space<hbm>>
        %dma_wait3A_415 = arith.constant 0 : i32
        %dma_wait3A_416 = tpu.memref_slice %arg7[%dma_wait3A_409, %dma_wait3A_415] : memref<5x128xi32, #tpu.memory_space<vmem>> -> memref<1x128xi32, #tpu.memory_space<vmem>>
        %dma_wait3A_417 = tpu.memref_squeeze %dma_wait3A_416 : memref<1x128xi32, #tpu.memory_space<vmem>> -> memref<128xi32, #tpu.memory_space<vmem>>
        %dma_wait3A_418 = arith.constant 0 : i32
        %dma_wait3A_419 = tpu.memref_slice %arg4[%dma_wait3A_418] : memref<327680xi32, #tpu.memory_space<hbm>> -> memref<128xi32, #tpu.memory_space<hbm>>
        tpu.wait_dma2 semaphore(%arg18 : memref<!tpu.dma_semaphore, #tpu.memory_space<semaphore_mem>>) src(%dma_wait3A_419 : memref<128xi32, #tpu.memory_space<hbm>>) dst(%dma_wait3A_417 : memref<128xi32, #tpu.memory_space<vmem>>)
        %dma_start3A_420 = arith.constant 3 : i32
        %dma_start3A_421 = arith.constant 3 : i32
        %dma_start3A_422 = arith.constant 0 : i32
        %dma_start3A_423 = arith.constant 0 : i32
        %dma_start3A_424 = tpu.memref_slice %arg8[%dma_start3A_421, %dma_start3A_422, %dma_start3A_423] : memref<5x128x64xf32, #tpu.memory_space<vmem>> -> memref<1x128x64xf32, #tpu.memory_space<vmem>>
        %dma_start3A_425 = tpu.memref_squeeze %dma_start3A_424 : memref<1x128x64xf32, #tpu.memory_space<vmem>> -> memref<128x64xf32, #tpu.memory_space<vmem>>
        %dma_start3A_426 = arith.constant 0 : i32
        %dma_start3A_427 = tpu.memref_slice %arg6[%dma_start3A_420, %dma_start3A_426] : memref<5x128xi32, #tpu.memory_space<vmem>> -> memref<1x128xi32, #tpu.memory_space<vmem>>
        %dma_start3A_428 = tpu.memref_squeeze %dma_start3A_427 : memref<1x128xi32, #tpu.memory_space<vmem>> -> memref<128xi32, #tpu.memory_space<vmem>>
        %dma_start3A_429 = arith.constant 0 : i32
        %dma_start3A_430 = arith.constant 0 : i32
        %dma_start3A_431 = tpu.memref_slice %arg2[%dma_start3A_429, %dma_start3A_430] : memref<20480x64xf32, #tpu.memory_space<hbm>> -> memref<20480x64xf32, #tpu.memory_space<hbm>>
        tpu.enqueue_indirect_dma source(%dma_start3A_431 : memref<20480x64xf32, #tpu.memory_space<hbm>>) target(%dma_start3A_425 : memref<128x64xf32, #tpu.memory_space<vmem>>) offsets(%dma_start3A_428 : memref<128xi32, #tpu.memory_space<vmem>>) semaphore(%arg13 : memref<!tpu.dma_semaphore, #tpu.memory_space<semaphore_mem>>)
      } else {
      }
      %run_scoped3A = arith.constant 0 : i32
      %run_scoped3A_259 = arith.constant 0 : i32
      "tpu.region"() ({
        %run_scoped3A_396 = tpu.sem_alloc : memref<!tpu.dma_semaphore, #tpu.memory_space<semaphore_mem>>
        %dma_start3A_397 = arith.constant 0 : i32
        %dma_start3A_398 = arith.constant 0 : i32
        %dma_start3A_399 = tpu.memref_slice %arg8[%run_scoped3A, %dma_start3A_397, %dma_start3A_398] : memref<5x128x64xf32, #tpu.memory_space<vmem>> -> memref<1x128x64xf32, #tpu.memory_space<vmem>>
        %dma_start3A_400 = tpu.memref_squeeze %dma_start3A_399 : memref<1x128x64xf32, #tpu.memory_space<vmem>> -> memref<128x64xf32, #tpu.memory_space<vmem>>
        %dma_start3A_401 = arith.constant 0 : i32
        %dma_start3A_402 = tpu.memref_slice %arg7[%run_scoped3A_259, %dma_start3A_401] : memref<5x128xi32, #tpu.memory_space<vmem>> -> memref<1x128xi32, #tpu.memory_space<vmem>>
        %dma_start3A_403 = tpu.memref_squeeze %dma_start3A_402 : memref<1x128xi32, #tpu.memory_space<vmem>> -> memref<128xi32, #tpu.memory_space<vmem>>
        %dma_start3A_404 = arith.constant 0 : i32
        %dma_start3A_405 = arith.constant 0 : i32
        %dma_start3A_406 = tpu.memref_slice %arg9[%dma_start3A_404, %dma_start3A_405] : memref<10240x64xf32, #tpu.memory_space<vmem_shared>> -> memref<10240x64xf32, #tpu.memory_space<vmem_shared>>
        tpu.enqueue_indirect_dma source(%dma_start3A_400 : memref<128x64xf32, #tpu.memory_space<vmem>>) target(%dma_start3A_406 : memref<10240x64xf32, #tpu.memory_space<vmem_shared>>) offsets(%dma_start3A_403 : memref<128xi32, #tpu.memory_space<vmem>>) semaphore(%run_scoped3A_396 : memref<!tpu.dma_semaphore, #tpu.memory_space<semaphore_mem>>) {add = true}
        %dma_wait3A_407 = arith.constant 0 : i32
        %dma_wait3A_408 = arith.constant 0 : i32
        %dma_wait3A_409 = tpu.memref_slice %arg8[%run_scoped3A, %dma_wait3A_407, %dma_wait3A_408] : memref<5x128x64xf32, #tpu.memory_space<vmem>> -> memref<1x128x64xf32, #tpu.memory_space<vmem>>
        %dma_wait3A_410 = tpu.memref_squeeze %dma_wait3A_409 : memref<1x128x64xf32, #tpu.memory_space<vmem>> -> memref<128x64xf32, #tpu.memory_space<vmem>>
        %dma_wait3A_411 = arith.constant 0 : i32
        %dma_wait3A_412 = tpu.memref_slice %arg7[%run_scoped3A_259, %dma_wait3A_411] : memref<5x128xi32, #tpu.memory_space<vmem>> -> memref<1x128xi32, #tpu.memory_space<vmem>>
        %dma_wait3A_413 = tpu.memref_squeeze %dma_wait3A_412 : memref<1x128xi32, #tpu.memory_space<vmem>> -> memref<128xi32, #tpu.memory_space<vmem>>
        %dma_wait3A_414 = arith.constant 0 : i32
        %dma_wait3A_415 = arith.constant 0 : i32
        %dma_wait3A_416 = tpu.memref_slice %arg9[%dma_wait3A_414, %dma_wait3A_415] : memref<10240x64xf32, #tpu.memory_space<vmem_shared>> -> memref<10240x64xf32, #tpu.memory_space<vmem_shared>>
        tpu.wait_indirect_dma semaphore(%run_scoped3A_396 : memref<!tpu.dma_semaphore, #tpu.memory_space<semaphore_mem>>) src(%dma_wait3A_410 : memref<128x64xf32, #tpu.memory_space<vmem>>) dst(%dma_wait3A_416 : memref<10240x64xf32, #tpu.memory_space<vmem_shared>>)
        tpu.yield
      }) : () -> ()
      %add3A_260 = arith.constant 5 : i32
      %add3A_261 = arith.addi %add3A_242, %add3A_260 : i32
      %lt3A_262 = arith.constant 160 : i32
      %lt3A_263 = arith.cmpi slt, %add3A_261, %lt3A_262 : i32
      %convert_element_type3A_264 = arith.extui %lt3A_263 : i1 to i32
      %cond3A_265 = arith.constant 0 : i32
      %cond3A_266 = arith.cmpi ne, %convert_element_type3A_264, %cond3A_265 : i32
      scf.if %cond3A_266 {
        %add3A_396 = arith.constant 5 : i32
        %add3A_397 = arith.addi %add3A_242, %add3A_396 : i32
        %mul3A_398 = arith.constant 128 : i32
        %mul3A_399 = arith.muli %add3A_397, %mul3A_398 : i32
        %add3A_400 = arith.addi %mul3A_0, %mul3A_399 : i32
        %dma_start3A_401 = arith.constant 0 : i32
        %dma_start3A_402 = arith.constant 0 : i32
        %dma_start3A_403 = tpu.memref_slice %arg6[%dma_start3A_401, %dma_start3A_402] : memref<5x128xi32, #tpu.memory_space<vmem>> -> memref<1x128xi32, #tpu.memory_space<vmem>>
        %dma_start3A_404 = tpu.memref_squeeze %dma_start3A_403 : memref<1x128xi32, #tpu.memory_space<vmem>> -> memref<128xi32, #tpu.memory_space<vmem>>
        %dma_start3A_405 = tpu.memref_slice %arg3[%arg0, %add3A_400] : memref<2x327680xi32, #tpu.memory_space<hbm>> -> memref<1x128xi32, #tpu.memory_space<hbm>>
        %dma_start3A_406 = tpu.memref_squeeze %dma_start3A_405 : memref<1x128xi32, #tpu.memory_space<hbm>> -> memref<128xi32, #tpu.memory_space<hbm>>
        %dma_start3A_407 = arith.constant 0 : i32
        %dma_start3A_408 = tpu.memref_slice %arg6[%dma_start3A_401, %dma_start3A_407] : memref<5x128xi32, #tpu.memory_space<vmem>> -> memref<1x128xi32, #tpu.memory_space<vmem>>
        %dma_start3A_409 = tpu.memref_squeeze %dma_start3A_408 : memref<1x128xi32, #tpu.memory_space<vmem>> -> memref<128xi32, #tpu.memory_space<vmem>>
        %dma_start3A_410 = tpu.memref_slice %arg3[%arg0, %add3A_400] : memref<2x327680xi32, #tpu.memory_space<hbm>> -> memref<1x128xi32, #tpu.memory_space<hbm>>
        %dma_start3A_411 = tpu.memref_squeeze %dma_start3A_410 : memref<1x128xi32, #tpu.memory_space<hbm>> -> memref<128xi32, #tpu.memory_space<hbm>>
        tpu.enqueue_dma source(%dma_start3A_411 : memref<128xi32, #tpu.memory_space<hbm>>) target(%dma_start3A_409 : memref<128xi32, #tpu.memory_space<vmem>>) target_semaphore(%arg15 : memref<!tpu.dma_semaphore, #tpu.memory_space<semaphore_mem>>)
        %dma_start3A_412 = arith.constant 0 : i32
        %dma_start3A_413 = arith.constant 0 : i32
        %dma_start3A_414 = tpu.memref_slice %arg7[%dma_start3A_412, %dma_start3A_413] : memref<5x128xi32, #tpu.memory_space<vmem>> -> memref<1x128xi32, #tpu.memory_space<vmem>>
        %dma_start3A_415 = tpu.memref_squeeze %dma_start3A_414 : memref<1x128xi32, #tpu.memory_space<vmem>> -> memref<128xi32, #tpu.memory_space<vmem>>
        %dma_start3A_416 = tpu.memref_slice %arg4[%add3A_400] : memref<327680xi32, #tpu.memory_space<hbm>> -> memref<128xi32, #tpu.memory_space<hbm>>
        %dma_start3A_417 = arith.constant 0 : i32
        %dma_start3A_418 = tpu.memref_slice %arg7[%dma_start3A_412, %dma_start3A_417] : memref<5x128xi32, #tpu.memory_space<vmem>> -> memref<1x128xi32, #tpu.memory_space<vmem>>
        %dma_start3A_419 = tpu.memref_squeeze %dma_start3A_418 : memref<1x128xi32, #tpu.memory_space<vmem>> -> memref<128xi32, #tpu.memory_space<vmem>>
        %dma_start3A_420 = tpu.memref_slice %arg4[%add3A_400] : memref<327680xi32, #tpu.memory_space<hbm>> -> memref<128xi32, #tpu.memory_space<hbm>>
        tpu.enqueue_dma source(%dma_start3A_420 : memref<128xi32, #tpu.memory_space<hbm>>) target(%dma_start3A_419 : memref<128xi32, #tpu.memory_space<vmem>>) target_semaphore(%arg15 : memref<!tpu.dma_semaphore, #tpu.memory_space<semaphore_mem>>)
      } else {
      }
      %mul3A_267 = arith.constant 5 : i32
      %mul3A_268 = arith.muli %mul3A_267, %scan3A_237 : i32
      %add3A_269 = arith.constant 1 : i32
      %add3A_270 = arith.addi %mul3A_268, %add3A_269 : i32
      %dma_wait3A_271 = arith.constant 1 : i32
      %dma_wait3A_272 = arith.constant 1 : i32
      %dma_wait3A_273 = arith.constant 0 : i32
      %dma_wait3A_274 = arith.constant 0 : i32
      %dma_wait3A_275 = tpu.memref_slice %arg8[%dma_wait3A_272, %dma_wait3A_273, %dma_wait3A_274] : memref<5x128x64xf32, #tpu.memory_space<vmem>> -> memref<1x128x64xf32, #tpu.memory_space<vmem>>
      %dma_wait3A_276 = tpu.memref_squeeze %dma_wait3A_275 : memref<1x128x64xf32, #tpu.memory_space<vmem>> -> memref<128x64xf32, #tpu.memory_space<vmem>>
      %dma_wait3A_277 = arith.constant 0 : i32
      %dma_wait3A_278 = tpu.memref_slice %arg6[%dma_wait3A_271, %dma_wait3A_277] : memref<5x128xi32, #tpu.memory_space<vmem>> -> memref<1x128xi32, #tpu.memory_space<vmem>>
      %dma_wait3A_279 = tpu.memref_squeeze %dma_wait3A_278 : memref<1x128xi32, #tpu.memory_space<vmem>> -> memref<128xi32, #tpu.memory_space<vmem>>
      %dma_wait3A_280 = arith.constant 0 : i32
      %dma_wait3A_281 = arith.constant 0 : i32
      %dma_wait3A_282 = tpu.memref_slice %arg2[%dma_wait3A_280, %dma_wait3A_281] : memref<20480x64xf32, #tpu.memory_space<hbm>> -> memref<20480x64xf32, #tpu.memory_space<hbm>>
      tpu.wait_indirect_dma semaphore(%arg11 : memref<!tpu.dma_semaphore, #tpu.memory_space<semaphore_mem>>) src(%dma_wait3A_282 : memref<20480x64xf32, #tpu.memory_space<hbm>>) dst(%dma_wait3A_276 : memref<128x64xf32, #tpu.memory_space<vmem>>)
      %add3A_283 = arith.constant 3 : i32
      %add3A_284 = arith.addi %add3A_270, %add3A_283 : i32
      %lt3A_285 = arith.constant 160 : i32
      %lt3A_286 = arith.cmpi slt, %add3A_284, %lt3A_285 : i32
      %convert_element_type3A_287 = arith.extui %lt3A_286 : i1 to i32
      %cond3A_288 = arith.constant 0 : i32
      %cond3A_289 = arith.cmpi ne, %convert_element_type3A_287, %cond3A_288 : i32
      scf.if %cond3A_289 {
        %dma_wait3A_396 = arith.constant 4 : i32
        %dma_wait3A_397 = arith.constant 0 : i32
        %dma_wait3A_398 = tpu.memref_slice %arg6[%dma_wait3A_396, %dma_wait3A_397] : memref<5x128xi32, #tpu.memory_space<vmem>> -> memref<1x128xi32, #tpu.memory_space<vmem>>
        %dma_wait3A_399 = tpu.memref_squeeze %dma_wait3A_398 : memref<1x128xi32, #tpu.memory_space<vmem>> -> memref<128xi32, #tpu.memory_space<vmem>>
        %dma_wait3A_400 = arith.constant 0 : i32
        %dma_wait3A_401 = tpu.memref_slice %arg3[%arg0, %dma_wait3A_400] : memref<2x327680xi32, #tpu.memory_space<hbm>> -> memref<1x128xi32, #tpu.memory_space<hbm>>
        %dma_wait3A_402 = tpu.memref_squeeze %dma_wait3A_401 : memref<1x128xi32, #tpu.memory_space<hbm>> -> memref<128xi32, #tpu.memory_space<hbm>>
        %dma_wait3A_403 = arith.constant 0 : i32
        %dma_wait3A_404 = tpu.memref_slice %arg6[%dma_wait3A_396, %dma_wait3A_403] : memref<5x128xi32, #tpu.memory_space<vmem>> -> memref<1x128xi32, #tpu.memory_space<vmem>>
        %dma_wait3A_405 = tpu.memref_squeeze %dma_wait3A_404 : memref<1x128xi32, #tpu.memory_space<vmem>> -> memref<128xi32, #tpu.memory_space<vmem>>
        %dma_wait3A_406 = arith.constant 0 : i32
        %dma_wait3A_407 = tpu.memref_slice %arg3[%arg0, %dma_wait3A_406] : memref<2x327680xi32, #tpu.memory_space<hbm>> -> memref<1x128xi32, #tpu.memory_space<hbm>>
        %dma_wait3A_408 = tpu.memref_squeeze %dma_wait3A_407 : memref<1x128xi32, #tpu.memory_space<hbm>> -> memref<128xi32, #tpu.memory_space<hbm>>
        tpu.wait_dma2 semaphore(%arg19 : memref<!tpu.dma_semaphore, #tpu.memory_space<semaphore_mem>>) src(%dma_wait3A_408 : memref<128xi32, #tpu.memory_space<hbm>>) dst(%dma_wait3A_405 : memref<128xi32, #tpu.memory_space<vmem>>)
        %dma_wait3A_409 = arith.constant 4 : i32
        %dma_wait3A_410 = arith.constant 0 : i32
        %dma_wait3A_411 = tpu.memref_slice %arg7[%dma_wait3A_409, %dma_wait3A_410] : memref<5x128xi32, #tpu.memory_space<vmem>> -> memref<1x128xi32, #tpu.memory_space<vmem>>
        %dma_wait3A_412 = tpu.memref_squeeze %dma_wait3A_411 : memref<1x128xi32, #tpu.memory_space<vmem>> -> memref<128xi32, #tpu.memory_space<vmem>>
        %dma_wait3A_413 = arith.constant 0 : i32
        %dma_wait3A_414 = tpu.memref_slice %arg4[%dma_wait3A_413] : memref<327680xi32, #tpu.memory_space<hbm>> -> memref<128xi32, #tpu.memory_space<hbm>>
        %dma_wait3A_415 = arith.constant 0 : i32
        %dma_wait3A_416 = tpu.memref_slice %arg7[%dma_wait3A_409, %dma_wait3A_415] : memref<5x128xi32, #tpu.memory_space<vmem>> -> memref<1x128xi32, #tpu.memory_space<vmem>>
        %dma_wait3A_417 = tpu.memref_squeeze %dma_wait3A_416 : memref<1x128xi32, #tpu.memory_space<vmem>> -> memref<128xi32, #tpu.memory_space<vmem>>
        %dma_wait3A_418 = arith.constant 0 : i32
        %dma_wait3A_419 = tpu.memref_slice %arg4[%dma_wait3A_418] : memref<327680xi32, #tpu.memory_space<hbm>> -> memref<128xi32, #tpu.memory_space<hbm>>
        tpu.wait_dma2 semaphore(%arg19 : memref<!tpu.dma_semaphore, #tpu.memory_space<semaphore_mem>>) src(%dma_wait3A_419 : memref<128xi32, #tpu.memory_space<hbm>>) dst(%dma_wait3A_417 : memref<128xi32, #tpu.memory_space<vmem>>)
        %dma_start3A_420 = arith.constant 4 : i32
        %dma_start3A_421 = arith.constant 4 : i32
        %dma_start3A_422 = arith.constant 0 : i32
        %dma_start3A_423 = arith.constant 0 : i32
        %dma_start3A_424 = tpu.memref_slice %arg8[%dma_start3A_421, %dma_start3A_422, %dma_start3A_423] : memref<5x128x64xf32, #tpu.memory_space<vmem>> -> memref<1x128x64xf32, #tpu.memory_space<vmem>>
        %dma_start3A_425 = tpu.memref_squeeze %dma_start3A_424 : memref<1x128x64xf32, #tpu.memory_space<vmem>> -> memref<128x64xf32, #tpu.memory_space<vmem>>
        %dma_start3A_426 = arith.constant 0 : i32
        %dma_start3A_427 = tpu.memref_slice %arg6[%dma_start3A_420, %dma_start3A_426] : memref<5x128xi32, #tpu.memory_space<vmem>> -> memref<1x128xi32, #tpu.memory_space<vmem>>
        %dma_start3A_428 = tpu.memref_squeeze %dma_start3A_427 : memref<1x128xi32, #tpu.memory_space<vmem>> -> memref<128xi32, #tpu.memory_space<vmem>>
        %dma_start3A_429 = arith.constant 0 : i32
        %dma_start3A_430 = arith.constant 0 : i32
        %dma_start3A_431 = tpu.memref_slice %arg2[%dma_start3A_429, %dma_start3A_430] : memref<20480x64xf32, #tpu.memory_space<hbm>> -> memref<20480x64xf32, #tpu.memory_space<hbm>>
        tpu.enqueue_indirect_dma source(%dma_start3A_431 : memref<20480x64xf32, #tpu.memory_space<hbm>>) target(%dma_start3A_425 : memref<128x64xf32, #tpu.memory_space<vmem>>) offsets(%dma_start3A_428 : memref<128xi32, #tpu.memory_space<vmem>>) semaphore(%arg14 : memref<!tpu.dma_semaphore, #tpu.memory_space<semaphore_mem>>)
      } else {
      }
      %run_scoped3A_290 = arith.constant 1 : i32
      %run_scoped3A_291 = arith.constant 1 : i32
      "tpu.region"() ({
        %run_scoped3A_396 = tpu.sem_alloc : memref<!tpu.dma_semaphore, #tpu.memory_space<semaphore_mem>>
        %dma_start3A_397 = arith.constant 0 : i32
        %dma_start3A_398 = arith.constant 0 : i32
        %dma_start3A_399 = tpu.memref_slice %arg8[%run_scoped3A_290, %dma_start3A_397, %dma_start3A_398] : memref<5x128x64xf32, #tpu.memory_space<vmem>> -> memref<1x128x64xf32, #tpu.memory_space<vmem>>
        %dma_start3A_400 = tpu.memref_squeeze %dma_start3A_399 : memref<1x128x64xf32, #tpu.memory_space<vmem>> -> memref<128x64xf32, #tpu.memory_space<vmem>>
        %dma_start3A_401 = arith.constant 0 : i32
        %dma_start3A_402 = tpu.memref_slice %arg7[%run_scoped3A_291, %dma_start3A_401] : memref<5x128xi32, #tpu.memory_space<vmem>> -> memref<1x128xi32, #tpu.memory_space<vmem>>
        %dma_start3A_403 = tpu.memref_squeeze %dma_start3A_402 : memref<1x128xi32, #tpu.memory_space<vmem>> -> memref<128xi32, #tpu.memory_space<vmem>>
        %dma_start3A_404 = arith.constant 0 : i32
        %dma_start3A_405 = arith.constant 0 : i32
        %dma_start3A_406 = tpu.memref_slice %arg9[%dma_start3A_404, %dma_start3A_405] : memref<10240x64xf32, #tpu.memory_space<vmem_shared>> -> memref<10240x64xf32, #tpu.memory_space<vmem_shared>>
        tpu.enqueue_indirect_dma source(%dma_start3A_400 : memref<128x64xf32, #tpu.memory_space<vmem>>) target(%dma_start3A_406 : memref<10240x64xf32, #tpu.memory_space<vmem_shared>>) offsets(%dma_start3A_403 : memref<128xi32, #tpu.memory_space<vmem>>) semaphore(%run_scoped3A_396 : memref<!tpu.dma_semaphore, #tpu.memory_space<semaphore_mem>>) {add = true}
        %dma_wait3A_407 = arith.constant 0 : i32
        %dma_wait3A_408 = arith.constant 0 : i32
        %dma_wait3A_409 = tpu.memref_slice %arg8[%run_scoped3A_290, %dma_wait3A_407, %dma_wait3A_408] : memref<5x128x64xf32, #tpu.memory_space<vmem>> -> memref<1x128x64xf32, #tpu.memory_space<vmem>>
        %dma_wait3A_410 = tpu.memref_squeeze %dma_wait3A_409 : memref<1x128x64xf32, #tpu.memory_space<vmem>> -> memref<128x64xf32, #tpu.memory_space<vmem>>
        %dma_wait3A_411 = arith.constant 0 : i32
        %dma_wait3A_412 = tpu.memref_slice %arg7[%run_scoped3A_291, %dma_wait3A_411] : memref<5x128xi32, #tpu.memory_space<vmem>> -> memref<1x128xi32, #tpu.memory_space<vmem>>
        %dma_wait3A_413 = tpu.memref_squeeze %dma_wait3A_412 : memref<1x128xi32, #tpu.memory_space<vmem>> -> memref<128xi32, #tpu.memory_space<vmem>>
        %dma_wait3A_414 = arith.constant 0 : i32
        %dma_wait3A_415 = arith.constant 0 : i32
        %dma_wait3A_416 = tpu.memref_slice %arg9[%dma_wait3A_414, %dma_wait3A_415] : memref<10240x64xf32, #tpu.memory_space<vmem_shared>> -> memref<10240x64xf32, #tpu.memory_space<vmem_shared>>
        tpu.wait_indirect_dma semaphore(%run_scoped3A_396 : memref<!tpu.dma_semaphore, #tpu.memory_space<semaphore_mem>>) src(%dma_wait3A_410 : memref<128x64xf32, #tpu.memory_space<vmem>>) dst(%dma_wait3A_416 : memref<10240x64xf32, #tpu.memory_space<vmem_shared>>)
        tpu.yield
      }) : () -> ()
      %add3A_292 = arith.constant 5 : i32
      %add3A_293 = arith.addi %add3A_270, %add3A_292 : i32
      %lt3A_294 = arith.constant 160 : i32
      %lt3A_295 = arith.cmpi slt, %add3A_293, %lt3A_294 : i32
      %convert_element_type3A_296 = arith.extui %lt3A_295 : i1 to i32
      %cond3A_297 = arith.constant 0 : i32
      %cond3A_298 = arith.cmpi ne, %convert_element_type3A_296, %cond3A_297 : i32
      scf.if %cond3A_298 {
        %add3A_396 = arith.constant 5 : i32
        %add3A_397 = arith.addi %add3A_270, %add3A_396 : i32
        %mul3A_398 = arith.constant 128 : i32
        %mul3A_399 = arith.muli %add3A_397, %mul3A_398 : i32
        %add3A_400 = arith.addi %mul3A_0, %mul3A_399 : i32
        %dma_start3A_401 = arith.constant 1 : i32
        %dma_start3A_402 = arith.constant 0 : i32
        %dma_start3A_403 = tpu.memref_slice %arg6[%dma_start3A_401, %dma_start3A_402] : memref<5x128xi32, #tpu.memory_space<vmem>> -> memref<1x128xi32, #tpu.memory_space<vmem>>
        %dma_start3A_404 = tpu.memref_squeeze %dma_start3A_403 : memref<1x128xi32, #tpu.memory_space<vmem>> -> memref<128xi32, #tpu.memory_space<vmem>>
        %dma_start3A_405 = tpu.memref_slice %arg3[%arg0, %add3A_400] : memref<2x327680xi32, #tpu.memory_space<hbm>> -> memref<1x128xi32, #tpu.memory_space<hbm>>
        %dma_start3A_406 = tpu.memref_squeeze %dma_start3A_405 : memref<1x128xi32, #tpu.memory_space<hbm>> -> memref<128xi32, #tpu.memory_space<hbm>>
        %dma_start3A_407 = arith.constant 0 : i32
        %dma_start3A_408 = tpu.memref_slice %arg6[%dma_start3A_401, %dma_start3A_407] : memref<5x128xi32, #tpu.memory_space<vmem>> -> memref<1x128xi32, #tpu.memory_space<vmem>>
        %dma_start3A_409 = tpu.memref_squeeze %dma_start3A_408 : memref<1x128xi32, #tpu.memory_space<vmem>> -> memref<128xi32, #tpu.memory_space<vmem>>
        %dma_start3A_410 = tpu.memref_slice %arg3[%arg0, %add3A_400] : memref<2x327680xi32, #tpu.memory_space<hbm>> -> memref<1x128xi32, #tpu.memory_space<hbm>>
        %dma_start3A_411 = tpu.memref_squeeze %dma_start3A_410 : memref<1x128xi32, #tpu.memory_space<hbm>> -> memref<128xi32, #tpu.memory_space<hbm>>
        tpu.enqueue_dma source(%dma_start3A_411 : memref<128xi32, #tpu.memory_space<hbm>>) target(%dma_start3A_409 : memref<128xi32, #tpu.memory_space<vmem>>) target_semaphore(%arg16 : memref<!tpu.dma_semaphore, #tpu.memory_space<semaphore_mem>>)
        %dma_start3A_412 = arith.constant 1 : i32
        %dma_start3A_413 = arith.constant 0 : i32
        %dma_start3A_414 = tpu.memref_slice %arg7[%dma_start3A_412, %dma_start3A_413] : memref<5x128xi32, #tpu.memory_space<vmem>> -> memref<1x128xi32, #tpu.memory_space<vmem>>
        %dma_start3A_415 = tpu.memref_squeeze %dma_start3A_414 : memref<1x128xi32, #tpu.memory_space<vmem>> -> memref<128xi32, #tpu.memory_space<vmem>>
        %dma_start3A_416 = tpu.memref_slice %arg4[%add3A_400] : memref<327680xi32, #tpu.memory_space<hbm>> -> memref<128xi32, #tpu.memory_space<hbm>>
        %dma_start3A_417 = arith.constant 0 : i32
        %dma_start3A_418 = tpu.memref_slice %arg7[%dma_start3A_412, %dma_start3A_417] : memref<5x128xi32, #tpu.memory_space<vmem>> -> memref<1x128xi32, #tpu.memory_space<vmem>>
        %dma_start3A_419 = tpu.memref_squeeze %dma_start3A_418 : memref<1x128xi32, #tpu.memory_space<vmem>> -> memref<128xi32, #tpu.memory_space<vmem>>
        %dma_start3A_420 = tpu.memref_slice %arg4[%add3A_400] : memref<327680xi32, #tpu.memory_space<hbm>> -> memref<128xi32, #tpu.memory_space<hbm>>
        tpu.enqueue_dma source(%dma_start3A_420 : memref<128xi32, #tpu.memory_space<hbm>>) target(%dma_start3A_419 : memref<128xi32, #tpu.memory_space<vmem>>) target_semaphore(%arg16 : memref<!tpu.dma_semaphore, #tpu.memory_space<semaphore_mem>>)
      } else {
      }
      %mul3A_299 = arith.constant 5 : i32
      %mul3A_300 = arith.muli %mul3A_299, %scan3A_237 : i32
      %add3A_301 = arith.constant 2 : i32
      %add3A_302 = arith.addi %mul3A_300, %add3A_301 : i32
      %dma_wait3A_303 = arith.constant 2 : i32
      %dma_wait3A_304 = arith.constant 2 : i32
      %dma_wait3A_305 = arith.constant 0 : i32
      %dma_wait3A_306 = arith.constant 0 : i32
      %dma_wait3A_307 = tpu.memref_slice %arg8[%dma_wait3A_304, %dma_wait3A_305, %dma_wait3A_306] : memref<5x128x64xf32, #tpu.memory_space<vmem>> -> memref<1x128x64xf32, #tpu.memory_space<vmem>>
      %dma_wait3A_308 = tpu.memref_squeeze %dma_wait3A_307 : memref<1x128x64xf32, #tpu.memory_space<vmem>> -> memref<128x64xf32, #tpu.memory_space<vmem>>
      %dma_wait3A_309 = arith.constant 0 : i32
      %dma_wait3A_310 = tpu.memref_slice %arg6[%dma_wait3A_303, %dma_wait3A_309] : memref<5x128xi32, #tpu.memory_space<vmem>> -> memref<1x128xi32, #tpu.memory_space<vmem>>
      %dma_wait3A_311 = tpu.memref_squeeze %dma_wait3A_310 : memref<1x128xi32, #tpu.memory_space<vmem>> -> memref<128xi32, #tpu.memory_space<vmem>>
      %dma_wait3A_312 = arith.constant 0 : i32
      %dma_wait3A_313 = arith.constant 0 : i32
      %dma_wait3A_314 = tpu.memref_slice %arg2[%dma_wait3A_312, %dma_wait3A_313] : memref<20480x64xf32, #tpu.memory_space<hbm>> -> memref<20480x64xf32, #tpu.memory_space<hbm>>
      tpu.wait_indirect_dma semaphore(%arg12 : memref<!tpu.dma_semaphore, #tpu.memory_space<semaphore_mem>>) src(%dma_wait3A_314 : memref<20480x64xf32, #tpu.memory_space<hbm>>) dst(%dma_wait3A_308 : memref<128x64xf32, #tpu.memory_space<vmem>>)
      %add3A_315 = arith.constant 3 : i32
      %add3A_316 = arith.addi %add3A_302, %add3A_315 : i32
      %lt3A_317 = arith.constant 160 : i32
      %lt3A_318 = arith.cmpi slt, %add3A_316, %lt3A_317 : i32
      %convert_element_type3A_319 = arith.extui %lt3A_318 : i1 to i32
      %cond3A_320 = arith.constant 0 : i32
      %cond3A_321 = arith.cmpi ne, %convert_element_type3A_319, %cond3A_320 : i32
      scf.if %cond3A_321 {
        %dma_wait3A_396 = arith.constant 0 : i32
        %dma_wait3A_397 = arith.constant 0 : i32
        %dma_wait3A_398 = tpu.memref_slice %arg6[%dma_wait3A_396, %dma_wait3A_397] : memref<5x128xi32, #tpu.memory_space<vmem>> -> memref<1x128xi32, #tpu.memory_space<vmem>>
        %dma_wait3A_399 = tpu.memref_squeeze %dma_wait3A_398 : memref<1x128xi32, #tpu.memory_space<vmem>> -> memref<128xi32, #tpu.memory_space<vmem>>
        %dma_wait3A_400 = arith.constant 0 : i32
        %dma_wait3A_401 = tpu.memref_slice %arg3[%arg0, %dma_wait3A_400] : memref<2x327680xi32, #tpu.memory_space<hbm>> -> memref<1x128xi32, #tpu.memory_space<hbm>>
        %dma_wait3A_402 = tpu.memref_squeeze %dma_wait3A_401 : memref<1x128xi32, #tpu.memory_space<hbm>> -> memref<128xi32, #tpu.memory_space<hbm>>
        %dma_wait3A_403 = arith.constant 0 : i32
        %dma_wait3A_404 = tpu.memref_slice %arg6[%dma_wait3A_396, %dma_wait3A_403] : memref<5x128xi32, #tpu.memory_space<vmem>> -> memref<1x128xi32, #tpu.memory_space<vmem>>
        %dma_wait3A_405 = tpu.memref_squeeze %dma_wait3A_404 : memref<1x128xi32, #tpu.memory_space<vmem>> -> memref<128xi32, #tpu.memory_space<vmem>>
        %dma_wait3A_406 = arith.constant 0 : i32
        %dma_wait3A_407 = tpu.memref_slice %arg3[%arg0, %dma_wait3A_406] : memref<2x327680xi32, #tpu.memory_space<hbm>> -> memref<1x128xi32, #tpu.memory_space<hbm>>
        %dma_wait3A_408 = tpu.memref_squeeze %dma_wait3A_407 : memref<1x128xi32, #tpu.memory_space<hbm>> -> memref<128xi32, #tpu.memory_space<hbm>>
        tpu.wait_dma2 semaphore(%arg15 : memref<!tpu.dma_semaphore, #tpu.memory_space<semaphore_mem>>) src(%dma_wait3A_408 : memref<128xi32, #tpu.memory_space<hbm>>) dst(%dma_wait3A_405 : memref<128xi32, #tpu.memory_space<vmem>>)
        %dma_wait3A_409 = arith.constant 0 : i32
        %dma_wait3A_410 = arith.constant 0 : i32
        %dma_wait3A_411 = tpu.memref_slice %arg7[%dma_wait3A_409, %dma_wait3A_410] : memref<5x128xi32, #tpu.memory_space<vmem>> -> memref<1x128xi32, #tpu.memory_space<vmem>>
        %dma_wait3A_412 = tpu.memref_squeeze %dma_wait3A_411 : memref<1x128xi32, #tpu.memory_space<vmem>> -> memref<128xi32, #tpu.memory_space<vmem>>
        %dma_wait3A_413 = arith.constant 0 : i32
        %dma_wait3A_414 = tpu.memref_slice %arg4[%dma_wait3A_413] : memref<327680xi32, #tpu.memory_space<hbm>> -> memref<128xi32, #tpu.memory_space<hbm>>
        %dma_wait3A_415 = arith.constant 0 : i32
        %dma_wait3A_416 = tpu.memref_slice %arg7[%dma_wait3A_409, %dma_wait3A_415] : memref<5x128xi32, #tpu.memory_space<vmem>> -> memref<1x128xi32, #tpu.memory_space<vmem>>
        %dma_wait3A_417 = tpu.memref_squeeze %dma_wait3A_416 : memref<1x128xi32, #tpu.memory_space<vmem>> -> memref<128xi32, #tpu.memory_space<vmem>>
        %dma_wait3A_418 = arith.constant 0 : i32
        %dma_wait3A_419 = tpu.memref_slice %arg4[%dma_wait3A_418] : memref<327680xi32, #tpu.memory_space<hbm>> -> memref<128xi32, #tpu.memory_space<hbm>>
        tpu.wait_dma2 semaphore(%arg15 : memref<!tpu.dma_semaphore, #tpu.memory_space<semaphore_mem>>) src(%dma_wait3A_419 : memref<128xi32, #tpu.memory_space<hbm>>) dst(%dma_wait3A_417 : memref<128xi32, #tpu.memory_space<vmem>>)
        %dma_start3A_420 = arith.constant 0 : i32
        %dma_start3A_421 = arith.constant 0 : i32
        %dma_start3A_422 = arith.constant 0 : i32
        %dma_start3A_423 = arith.constant 0 : i32
        %dma_start3A_424 = tpu.memref_slice %arg8[%dma_start3A_421, %dma_start3A_422, %dma_start3A_423] : memref<5x128x64xf32, #tpu.memory_space<vmem>> -> memref<1x128x64xf32, #tpu.memory_space<vmem>>
        %dma_start3A_425 = tpu.memref_squeeze %dma_start3A_424 : memref<1x128x64xf32, #tpu.memory_space<vmem>> -> memref<128x64xf32, #tpu.memory_space<vmem>>
        %dma_start3A_426 = arith.constant 0 : i32
        %dma_start3A_427 = tpu.memref_slice %arg6[%dma_start3A_420, %dma_start3A_426] : memref<5x128xi32, #tpu.memory_space<vmem>> -> memref<1x128xi32, #tpu.memory_space<vmem>>
        %dma_start3A_428 = tpu.memref_squeeze %dma_start3A_427 : memref<1x128xi32, #tpu.memory_space<vmem>> -> memref<128xi32, #tpu.memory_space<vmem>>
        %dma_start3A_429 = arith.constant 0 : i32
        %dma_start3A_430 = arith.constant 0 : i32
        %dma_start3A_431 = tpu.memref_slice %arg2[%dma_start3A_429, %dma_start3A_430] : memref<20480x64xf32, #tpu.memory_space<hbm>> -> memref<20480x64xf32, #tpu.memory_space<hbm>>
        tpu.enqueue_indirect_dma source(%dma_start3A_431 : memref<20480x64xf32, #tpu.memory_space<hbm>>) target(%dma_start3A_425 : memref<128x64xf32, #tpu.memory_space<vmem>>) offsets(%dma_start3A_428 : memref<128xi32, #tpu.memory_space<vmem>>) semaphore(%arg10 : memref<!tpu.dma_semaphore, #tpu.memory_space<semaphore_mem>>)
      } else {
      }
      %run_scoped3A_322 = arith.constant 2 : i32
      %run_scoped3A_323 = arith.constant 2 : i32
      "tpu.region"() ({
        %run_scoped3A_396 = tpu.sem_alloc : memref<!tpu.dma_semaphore, #tpu.memory_space<semaphore_mem>>
        %dma_start3A_397 = arith.constant 0 : i32
        %dma_start3A_398 = arith.constant 0 : i32
        %dma_start3A_399 = tpu.memref_slice %arg8[%run_scoped3A_322, %dma_start3A_397, %dma_start3A_398] : memref<5x128x64xf32, #tpu.memory_space<vmem>> -> memref<1x128x64xf32, #tpu.memory_space<vmem>>
        %dma_start3A_400 = tpu.memref_squeeze %dma_start3A_399 : memref<1x128x64xf32, #tpu.memory_space<vmem>> -> memref<128x64xf32, #tpu.memory_space<vmem>>
        %dma_start3A_401 = arith.constant 0 : i32
        %dma_start3A_402 = tpu.memref_slice %arg7[%run_scoped3A_323, %dma_start3A_401] : memref<5x128xi32, #tpu.memory_space<vmem>> -> memref<1x128xi32, #tpu.memory_space<vmem>>
        %dma_start3A_403 = tpu.memref_squeeze %dma_start3A_402 : memref<1x128xi32, #tpu.memory_space<vmem>> -> memref<128xi32, #tpu.memory_space<vmem>>
        %dma_start3A_404 = arith.constant 0 : i32
        %dma_start3A_405 = arith.constant 0 : i32
        %dma_start3A_406 = tpu.memref_slice %arg9[%dma_start3A_404, %dma_start3A_405] : memref<10240x64xf32, #tpu.memory_space<vmem_shared>> -> memref<10240x64xf32, #tpu.memory_space<vmem_shared>>
        tpu.enqueue_indirect_dma source(%dma_start3A_400 : memref<128x64xf32, #tpu.memory_space<vmem>>) target(%dma_start3A_406 : memref<10240x64xf32, #tpu.memory_space<vmem_shared>>) offsets(%dma_start3A_403 : memref<128xi32, #tpu.memory_space<vmem>>) semaphore(%run_scoped3A_396 : memref<!tpu.dma_semaphore, #tpu.memory_space<semaphore_mem>>) {add = true}
        %dma_wait3A_407 = arith.constant 0 : i32
        %dma_wait3A_408 = arith.constant 0 : i32
        %dma_wait3A_409 = tpu.memref_slice %arg8[%run_scoped3A_322, %dma_wait3A_407, %dma_wait3A_408] : memref<5x128x64xf32, #tpu.memory_space<vmem>> -> memref<1x128x64xf32, #tpu.memory_space<vmem>>
        %dma_wait3A_410 = tpu.memref_squeeze %dma_wait3A_409 : memref<1x128x64xf32, #tpu.memory_space<vmem>> -> memref<128x64xf32, #tpu.memory_space<vmem>>
        %dma_wait3A_411 = arith.constant 0 : i32
        %dma_wait3A_412 = tpu.memref_slice %arg7[%run_scoped3A_323, %dma_wait3A_411] : memref<5x128xi32, #tpu.memory_space<vmem>> -> memref<1x128xi32, #tpu.memory_space<vmem>>
        %dma_wait3A_413 = tpu.memref_squeeze %dma_wait3A_412 : memref<1x128xi32, #tpu.memory_space<vmem>> -> memref<128xi32, #tpu.memory_space<vmem>>
        %dma_wait3A_414 = arith.constant 0 : i32
        %dma_wait3A_415 = arith.constant 0 : i32
        %dma_wait3A_416 = tpu.memref_slice %arg9[%dma_wait3A_414, %dma_wait3A_415] : memref<10240x64xf32, #tpu.memory_space<vmem_shared>> -> memref<10240x64xf32, #tpu.memory_space<vmem_shared>>
        tpu.wait_indirect_dma semaphore(%run_scoped3A_396 : memref<!tpu.dma_semaphore, #tpu.memory_space<semaphore_mem>>) src(%dma_wait3A_410 : memref<128x64xf32, #tpu.memory_space<vmem>>) dst(%dma_wait3A_416 : memref<10240x64xf32, #tpu.memory_space<vmem_shared>>)
        tpu.yield
      }) : () -> ()
      %add3A_324 = arith.constant 5 : i32
      %add3A_325 = arith.addi %add3A_302, %add3A_324 : i32
      %lt3A_326 = arith.constant 160 : i32
      %lt3A_327 = arith.cmpi slt, %add3A_325, %lt3A_326 : i32
      %convert_element_type3A_328 = arith.extui %lt3A_327 : i1 to i32
      %cond3A_329 = arith.constant 0 : i32
      %cond3A_330 = arith.cmpi ne, %convert_element_type3A_328, %cond3A_329 : i32
      scf.if %cond3A_330 {
        %add3A_396 = arith.constant 5 : i32
        %add3A_397 = arith.addi %add3A_302, %add3A_396 : i32
        %mul3A_398 = arith.constant 128 : i32
        %mul3A_399 = arith.muli %add3A_397, %mul3A_398 : i32
        %add3A_400 = arith.addi %mul3A_0, %mul3A_399 : i32
        %dma_start3A_401 = arith.constant 2 : i32
        %dma_start3A_402 = arith.constant 0 : i32
        %dma_start3A_403 = tpu.memref_slice %arg6[%dma_start3A_401, %dma_start3A_402] : memref<5x128xi32, #tpu.memory_space<vmem>> -> memref<1x128xi32, #tpu.memory_space<vmem>>
        %dma_start3A_404 = tpu.memref_squeeze %dma_start3A_403 : memref<1x128xi32, #tpu.memory_space<vmem>> -> memref<128xi32, #tpu.memory_space<vmem>>
        %dma_start3A_405 = tpu.memref_slice %arg3[%arg0, %add3A_400] : memref<2x327680xi32, #tpu.memory_space<hbm>> -> memref<1x128xi32, #tpu.memory_space<hbm>>
        %dma_start3A_406 = tpu.memref_squeeze %dma_start3A_405 : memref<1x128xi32, #tpu.memory_space<hbm>> -> memref<128xi32, #tpu.memory_space<hbm>>
        %dma_start3A_407 = arith.constant 0 : i32
        %dma_start3A_408 = tpu.memref_slice %arg6[%dma_start3A_401, %dma_start3A_407] : memref<5x128xi32, #tpu.memory_space<vmem>> -> memref<1x128xi32, #tpu.memory_space<vmem>>
        %dma_start3A_409 = tpu.memref_squeeze %dma_start3A_408 : memref<1x128xi32, #tpu.memory_space<vmem>> -> memref<128xi32, #tpu.memory_space<vmem>>
        %dma_start3A_410 = tpu.memref_slice %arg3[%arg0, %add3A_400] : memref<2x327680xi32, #tpu.memory_space<hbm>> -> memref<1x128xi32, #tpu.memory_space<hbm>>
        %dma_start3A_411 = tpu.memref_squeeze %dma_start3A_410 : memref<1x128xi32, #tpu.memory_space<hbm>> -> memref<128xi32, #tpu.memory_space<hbm>>
        tpu.enqueue_dma source(%dma_start3A_411 : memref<128xi32, #tpu.memory_space<hbm>>) target(%dma_start3A_409 : memref<128xi32, #tpu.memory_space<vmem>>) target_semaphore(%arg17 : memref<!tpu.dma_semaphore, #tpu.memory_space<semaphore_mem>>)
        %dma_start3A_412 = arith.constant 2 : i32
        %dma_start3A_413 = arith.constant 0 : i32
        %dma_start3A_414 = tpu.memref_slice %arg7[%dma_start3A_412, %dma_start3A_413] : memref<5x128xi32, #tpu.memory_space<vmem>> -> memref<1x128xi32, #tpu.memory_space<vmem>>
        %dma_start3A_415 = tpu.memref_squeeze %dma_start3A_414 : memref<1x128xi32, #tpu.memory_space<vmem>> -> memref<128xi32, #tpu.memory_space<vmem>>
        %dma_start3A_416 = tpu.memref_slice %arg4[%add3A_400] : memref<327680xi32, #tpu.memory_space<hbm>> -> memref<128xi32, #tpu.memory_space<hbm>>
        %dma_start3A_417 = arith.constant 0 : i32
        %dma_start3A_418 = tpu.memref_slice %arg7[%dma_start3A_412, %dma_start3A_417] : memref<5x128xi32, #tpu.memory_space<vmem>> -> memref<1x128xi32, #tpu.memory_space<vmem>>
        %dma_start3A_419 = tpu.memref_squeeze %dma_start3A_418 : memref<1x128xi32, #tpu.memory_space<vmem>> -> memref<128xi32, #tpu.memory_space<vmem>>
        %dma_start3A_420 = tpu.memref_slice %arg4[%add3A_400] : memref<327680xi32, #tpu.memory_space<hbm>> -> memref<128xi32, #tpu.memory_space<hbm>>
        tpu.enqueue_dma source(%dma_start3A_420 : memref<128xi32, #tpu.memory_space<hbm>>) target(%dma_start3A_419 : memref<128xi32, #tpu.memory_space<vmem>>) target_semaphore(%arg17 : memref<!tpu.dma_semaphore, #tpu.memory_space<semaphore_mem>>)
      } else {
      }
      %mul3A_331 = arith.constant 5 : i32
      %mul3A_332 = arith.muli %mul3A_331, %scan3A_237 : i32
      %add3A_333 = arith.constant 3 : i32
      %add3A_334 = arith.addi %mul3A_332, %add3A_333 : i32
      %dma_wait3A_335 = arith.constant 3 : i32
      %dma_wait3A_336 = arith.constant 3 : i32
      %dma_wait3A_337 = arith.constant 0 : i32
      %dma_wait3A_338 = arith.constant 0 : i32
      %dma_wait3A_339 = tpu.memref_slice %arg8[%dma_wait3A_336, %dma_wait3A_337, %dma_wait3A_338] : memref<5x128x64xf32, #tpu.memory_space<vmem>> -> memref<1x128x64xf32, #tpu.memory_space<vmem>>
      %dma_wait3A_340 = tpu.memref_squeeze %dma_wait3A_339 : memref<1x128x64xf32, #tpu.memory_space<vmem>> -> memref<128x64xf32, #tpu.memory_space<vmem>>
      %dma_wait3A_341 = arith.constant 0 : i32
      %dma_wait3A_342 = tpu.memref_slice %arg6[%dma_wait3A_335, %dma_wait3A_341] : memref<5x128xi32, #tpu.memory_space<vmem>> -> memref<1x128xi32, #tpu.memory_space<vmem>>
      %dma_wait3A_343 = tpu.memref_squeeze %dma_wait3A_342 : memref<1x128xi32, #tpu.memory_space<vmem>> -> memref<128xi32, #tpu.memory_space<vmem>>
      %dma_wait3A_344 = arith.constant 0 : i32
      %dma_wait3A_345 = arith.constant 0 : i32
      %dma_wait3A_346 = tpu.memref_slice %arg2[%dma_wait3A_344, %dma_wait3A_345] : memref<20480x64xf32, #tpu.memory_space<hbm>> -> memref<20480x64xf32, #tpu.memory_space<hbm>>
      tpu.wait_indirect_dma semaphore(%arg13 : memref<!tpu.dma_semaphore, #tpu.memory_space<semaphore_mem>>) src(%dma_wait3A_346 : memref<20480x64xf32, #tpu.memory_space<hbm>>) dst(%dma_wait3A_340 : memref<128x64xf32, #tpu.memory_space<vmem>>)
      %add3A_347 = arith.constant 3 : i32
      %add3A_348 = arith.addi %add3A_334, %add3A_347 : i32
      %lt3A_349 = arith.constant 160 : i32
      %lt3A_350 = arith.cmpi slt, %add3A_348, %lt3A_349 : i32
      %convert_element_type3A_351 = arith.extui %lt3A_350 : i1 to i32
      %cond3A_352 = arith.constant 0 : i32
      %cond3A_353 = arith.cmpi ne, %convert_element_type3A_351, %cond3A_352 : i32
      scf.if %cond3A_353 {
        %dma_wait3A_396 = arith.constant 1 : i32
        %dma_wait3A_397 = arith.constant 0 : i32
        %dma_wait3A_398 = tpu.memref_slice %arg6[%dma_wait3A_396, %dma_wait3A_397] : memref<5x128xi32, #tpu.memory_space<vmem>> -> memref<1x128xi32, #tpu.memory_space<vmem>>
        %dma_wait3A_399 = tpu.memref_squeeze %dma_wait3A_398 : memref<1x128xi32, #tpu.memory_space<vmem>> -> memref<128xi32, #tpu.memory_space<vmem>>
        %dma_wait3A_400 = arith.constant 0 : i32
        %dma_wait3A_401 = tpu.memref_slice %arg3[%arg0, %dma_wait3A_400] : memref<2x327680xi32, #tpu.memory_space<hbm>> -> memref<1x128xi32, #tpu.memory_space<hbm>>
        %dma_wait3A_402 = tpu.memref_squeeze %dma_wait3A_401 : memref<1x128xi32, #tpu.memory_space<hbm>> -> memref<128xi32, #tpu.memory_space<hbm>>
        %dma_wait3A_403 = arith.constant 0 : i32
        %dma_wait3A_404 = tpu.memref_slice %arg6[%dma_wait3A_396, %dma_wait3A_403] : memref<5x128xi32, #tpu.memory_space<vmem>> -> memref<1x128xi32, #tpu.memory_space<vmem>>
        %dma_wait3A_405 = tpu.memref_squeeze %dma_wait3A_404 : memref<1x128xi32, #tpu.memory_space<vmem>> -> memref<128xi32, #tpu.memory_space<vmem>>
        %dma_wait3A_406 = arith.constant 0 : i32
        %dma_wait3A_407 = tpu.memref_slice %arg3[%arg0, %dma_wait3A_406] : memref<2x327680xi32, #tpu.memory_space<hbm>> -> memref<1x128xi32, #tpu.memory_space<hbm>>
        %dma_wait3A_408 = tpu.memref_squeeze %dma_wait3A_407 : memref<1x128xi32, #tpu.memory_space<hbm>> -> memref<128xi32, #tpu.memory_space<hbm>>
        tpu.wait_dma2 semaphore(%arg16 : memref<!tpu.dma_semaphore, #tpu.memory_space<semaphore_mem>>) src(%dma_wait3A_408 : memref<128xi32, #tpu.memory_space<hbm>>) dst(%dma_wait3A_405 : memref<128xi32, #tpu.memory_space<vmem>>)
        %dma_wait3A_409 = arith.constant 1 : i32
        %dma_wait3A_410 = arith.constant 0 : i32
        %dma_wait3A_411 = tpu.memref_slice %arg7[%dma_wait3A_409, %dma_wait3A_410] : memref<5x128xi32, #tpu.memory_space<vmem>> -> memref<1x128xi32, #tpu.memory_space<vmem>>
        %dma_wait3A_412 = tpu.memref_squeeze %dma_wait3A_411 : memref<1x128xi32, #tpu.memory_space<vmem>> -> memref<128xi32, #tpu.memory_space<vmem>>
        %dma_wait3A_413 = arith.constant 0 : i32
        %dma_wait3A_414 = tpu.memref_slice %arg4[%dma_wait3A_413] : memref<327680xi32, #tpu.memory_space<hbm>> -> memref<128xi32, #tpu.memory_space<hbm>>
        %dma_wait3A_415 = arith.constant 0 : i32
        %dma_wait3A_416 = tpu.memref_slice %arg7[%dma_wait3A_409, %dma_wait3A_415] : memref<5x128xi32, #tpu.memory_space<vmem>> -> memref<1x128xi32, #tpu.memory_space<vmem>>
        %dma_wait3A_417 = tpu.memref_squeeze %dma_wait3A_416 : memref<1x128xi32, #tpu.memory_space<vmem>> -> memref<128xi32, #tpu.memory_space<vmem>>
        %dma_wait3A_418 = arith.constant 0 : i32
        %dma_wait3A_419 = tpu.memref_slice %arg4[%dma_wait3A_418] : memref<327680xi32, #tpu.memory_space<hbm>> -> memref<128xi32, #tpu.memory_space<hbm>>
        tpu.wait_dma2 semaphore(%arg16 : memref<!tpu.dma_semaphore, #tpu.memory_space<semaphore_mem>>) src(%dma_wait3A_419 : memref<128xi32, #tpu.memory_space<hbm>>) dst(%dma_wait3A_417 : memref<128xi32, #tpu.memory_space<vmem>>)
        %dma_start3A_420 = arith.constant 1 : i32
        %dma_start3A_421 = arith.constant 1 : i32
        %dma_start3A_422 = arith.constant 0 : i32
        %dma_start3A_423 = arith.constant 0 : i32
        %dma_start3A_424 = tpu.memref_slice %arg8[%dma_start3A_421, %dma_start3A_422, %dma_start3A_423] : memref<5x128x64xf32, #tpu.memory_space<vmem>> -> memref<1x128x64xf32, #tpu.memory_space<vmem>>
        %dma_start3A_425 = tpu.memref_squeeze %dma_start3A_424 : memref<1x128x64xf32, #tpu.memory_space<vmem>> -> memref<128x64xf32, #tpu.memory_space<vmem>>
        %dma_start3A_426 = arith.constant 0 : i32
        %dma_start3A_427 = tpu.memref_slice %arg6[%dma_start3A_420, %dma_start3A_426] : memref<5x128xi32, #tpu.memory_space<vmem>> -> memref<1x128xi32, #tpu.memory_space<vmem>>
        %dma_start3A_428 = tpu.memref_squeeze %dma_start3A_427 : memref<1x128xi32, #tpu.memory_space<vmem>> -> memref<128xi32, #tpu.memory_space<vmem>>
        %dma_start3A_429 = arith.constant 0 : i32
        %dma_start3A_430 = arith.constant 0 : i32
        %dma_start3A_431 = tpu.memref_slice %arg2[%dma_start3A_429, %dma_start3A_430] : memref<20480x64xf32, #tpu.memory_space<hbm>> -> memref<20480x64xf32, #tpu.memory_space<hbm>>
        tpu.enqueue_indirect_dma source(%dma_start3A_431 : memref<20480x64xf32, #tpu.memory_space<hbm>>) target(%dma_start3A_425 : memref<128x64xf32, #tpu.memory_space<vmem>>) offsets(%dma_start3A_428 : memref<128xi32, #tpu.memory_space<vmem>>) semaphore(%arg11 : memref<!tpu.dma_semaphore, #tpu.memory_space<semaphore_mem>>)
      } else {
      }
      %run_scoped3A_354 = arith.constant 3 : i32
      %run_scoped3A_355 = arith.constant 3 : i32
      "tpu.region"() ({
        %run_scoped3A_396 = tpu.sem_alloc : memref<!tpu.dma_semaphore, #tpu.memory_space<semaphore_mem>>
        %dma_start3A_397 = arith.constant 0 : i32
        %dma_start3A_398 = arith.constant 0 : i32
        %dma_start3A_399 = tpu.memref_slice %arg8[%run_scoped3A_354, %dma_start3A_397, %dma_start3A_398] : memref<5x128x64xf32, #tpu.memory_space<vmem>> -> memref<1x128x64xf32, #tpu.memory_space<vmem>>
        %dma_start3A_400 = tpu.memref_squeeze %dma_start3A_399 : memref<1x128x64xf32, #tpu.memory_space<vmem>> -> memref<128x64xf32, #tpu.memory_space<vmem>>
        %dma_start3A_401 = arith.constant 0 : i32
        %dma_start3A_402 = tpu.memref_slice %arg7[%run_scoped3A_355, %dma_start3A_401] : memref<5x128xi32, #tpu.memory_space<vmem>> -> memref<1x128xi32, #tpu.memory_space<vmem>>
        %dma_start3A_403 = tpu.memref_squeeze %dma_start3A_402 : memref<1x128xi32, #tpu.memory_space<vmem>> -> memref<128xi32, #tpu.memory_space<vmem>>
        %dma_start3A_404 = arith.constant 0 : i32
        %dma_start3A_405 = arith.constant 0 : i32
        %dma_start3A_406 = tpu.memref_slice %arg9[%dma_start3A_404, %dma_start3A_405] : memref<10240x64xf32, #tpu.memory_space<vmem_shared>> -> memref<10240x64xf32, #tpu.memory_space<vmem_shared>>
        tpu.enqueue_indirect_dma source(%dma_start3A_400 : memref<128x64xf32, #tpu.memory_space<vmem>>) target(%dma_start3A_406 : memref<10240x64xf32, #tpu.memory_space<vmem_shared>>) offsets(%dma_start3A_403 : memref<128xi32, #tpu.memory_space<vmem>>) semaphore(%run_scoped3A_396 : memref<!tpu.dma_semaphore, #tpu.memory_space<semaphore_mem>>) {add = true}
        %dma_wait3A_407 = arith.constant 0 : i32
        %dma_wait3A_408 = arith.constant 0 : i32
        %dma_wait3A_409 = tpu.memref_slice %arg8[%run_scoped3A_354, %dma_wait3A_407, %dma_wait3A_408] : memref<5x128x64xf32, #tpu.memory_space<vmem>> -> memref<1x128x64xf32, #tpu.memory_space<vmem>>
        %dma_wait3A_410 = tpu.memref_squeeze %dma_wait3A_409 : memref<1x128x64xf32, #tpu.memory_space<vmem>> -> memref<128x64xf32, #tpu.memory_space<vmem>>
        %dma_wait3A_411 = arith.constant 0 : i32
        %dma_wait3A_412 = tpu.memref_slice %arg7[%run_scoped3A_355, %dma_wait3A_411] : memref<5x128xi32, #tpu.memory_space<vmem>> -> memref<1x128xi32, #tpu.memory_space<vmem>>
        %dma_wait3A_413 = tpu.memref_squeeze %dma_wait3A_412 : memref<1x128xi32, #tpu.memory_space<vmem>> -> memref<128xi32, #tpu.memory_space<vmem>>
        %dma_wait3A_414 = arith.constant 0 : i32
        %dma_wait3A_415 = arith.constant 0 : i32
        %dma_wait3A_416 = tpu.memref_slice %arg9[%dma_wait3A_414, %dma_wait3A_415] : memref<10240x64xf32, #tpu.memory_space<vmem_shared>> -> memref<10240x64xf32, #tpu.memory_space<vmem_shared>>
        tpu.wait_indirect_dma semaphore(%run_scoped3A_396 : memref<!tpu.dma_semaphore, #tpu.memory_space<semaphore_mem>>) src(%dma_wait3A_410 : memref<128x64xf32, #tpu.memory_space<vmem>>) dst(%dma_wait3A_416 : memref<10240x64xf32, #tpu.memory_space<vmem_shared>>)
        tpu.yield
      }) : () -> ()
      %add3A_356 = arith.constant 5 : i32
      %add3A_357 = arith.addi %add3A_334, %add3A_356 : i32
      %lt3A_358 = arith.constant 160 : i32
      %lt3A_359 = arith.cmpi slt, %add3A_357, %lt3A_358 : i32
      %convert_element_type3A_360 = arith.extui %lt3A_359 : i1 to i32
      %cond3A_361 = arith.constant 0 : i32
      %cond3A_362 = arith.cmpi ne, %convert_element_type3A_360, %cond3A_361 : i32
      scf.if %cond3A_362 {
        %add3A_396 = arith.constant 5 : i32
        %add3A_397 = arith.addi %add3A_334, %add3A_396 : i32
        %mul3A_398 = arith.constant 128 : i32
        %mul3A_399 = arith.muli %add3A_397, %mul3A_398 : i32
        %add3A_400 = arith.addi %mul3A_0, %mul3A_399 : i32
        %dma_start3A_401 = arith.constant 3 : i32
        %dma_start3A_402 = arith.constant 0 : i32
        %dma_start3A_403 = tpu.memref_slice %arg6[%dma_start3A_401, %dma_start3A_402] : memref<5x128xi32, #tpu.memory_space<vmem>> -> memref<1x128xi32, #tpu.memory_space<vmem>>
        %dma_start3A_404 = tpu.memref_squeeze %dma_start3A_403 : memref<1x128xi32, #tpu.memory_space<vmem>> -> memref<128xi32, #tpu.memory_space<vmem>>
        %dma_start3A_405 = tpu.memref_slice %arg3[%arg0, %add3A_400] : memref<2x327680xi32, #tpu.memory_space<hbm>> -> memref<1x128xi32, #tpu.memory_space<hbm>>
        %dma_start3A_406 = tpu.memref_squeeze %dma_start3A_405 : memref<1x128xi32, #tpu.memory_space<hbm>> -> memref<128xi32, #tpu.memory_space<hbm>>
        %dma_start3A_407 = arith.constant 0 : i32
        %dma_start3A_408 = tpu.memref_slice %arg6[%dma_start3A_401, %dma_start3A_407] : memref<5x128xi32, #tpu.memory_space<vmem>> -> memref<1x128xi32, #tpu.memory_space<vmem>>
        %dma_start3A_409 = tpu.memref_squeeze %dma_start3A_408 : memref<1x128xi32, #tpu.memory_space<vmem>> -> memref<128xi32, #tpu.memory_space<vmem>>
        %dma_start3A_410 = tpu.memref_slice %arg3[%arg0, %add3A_400] : memref<2x327680xi32, #tpu.memory_space<hbm>> -> memref<1x128xi32, #tpu.memory_space<hbm>>
        %dma_start3A_411 = tpu.memref_squeeze %dma_start3A_410 : memref<1x128xi32, #tpu.memory_space<hbm>> -> memref<128xi32, #tpu.memory_space<hbm>>
        tpu.enqueue_dma source(%dma_start3A_411 : memref<128xi32, #tpu.memory_space<hbm>>) target(%dma_start3A_409 : memref<128xi32, #tpu.memory_space<vmem>>) target_semaphore(%arg18 : memref<!tpu.dma_semaphore, #tpu.memory_space<semaphore_mem>>)
        %dma_start3A_412 = arith.constant 3 : i32
        %dma_start3A_413 = arith.constant 0 : i32
        %dma_start3A_414 = tpu.memref_slice %arg7[%dma_start3A_412, %dma_start3A_413] : memref<5x128xi32, #tpu.memory_space<vmem>> -> memref<1x128xi32, #tpu.memory_space<vmem>>
        %dma_start3A_415 = tpu.memref_squeeze %dma_start3A_414 : memref<1x128xi32, #tpu.memory_space<vmem>> -> memref<128xi32, #tpu.memory_space<vmem>>
        %dma_start3A_416 = tpu.memref_slice %arg4[%add3A_400] : memref<327680xi32, #tpu.memory_space<hbm>> -> memref<128xi32, #tpu.memory_space<hbm>>
        %dma_start3A_417 = arith.constant 0 : i32
        %dma_start3A_418 = tpu.memref_slice %arg7[%dma_start3A_412, %dma_start3A_417] : memref<5x128xi32, #tpu.memory_space<vmem>> -> memref<1x128xi32, #tpu.memory_space<vmem>>
        %dma_start3A_419 = tpu.memref_squeeze %dma_start3A_418 : memref<1x128xi32, #tpu.memory_space<vmem>> -> memref<128xi32, #tpu.memory_space<vmem>>
        %dma_start3A_420 = tpu.memref_slice %arg4[%add3A_400] : memref<327680xi32, #tpu.memory_space<hbm>> -> memref<128xi32, #tpu.memory_space<hbm>>
        tpu.enqueue_dma source(%dma_start3A_420 : memref<128xi32, #tpu.memory_space<hbm>>) target(%dma_start3A_419 : memref<128xi32, #tpu.memory_space<vmem>>) target_semaphore(%arg18 : memref<!tpu.dma_semaphore, #tpu.memory_space<semaphore_mem>>)
      } else {
      }
      %mul3A_363 = arith.constant 5 : i32
      %mul3A_364 = arith.muli %mul3A_363, %scan3A_237 : i32
      %add3A_365 = arith.constant 4 : i32
      %add3A_366 = arith.addi %mul3A_364, %add3A_365 : i32
      %dma_wait3A_367 = arith.constant 4 : i32
      %dma_wait3A_368 = arith.constant 4 : i32
      %dma_wait3A_369 = arith.constant 0 : i32
      %dma_wait3A_370 = arith.constant 0 : i32
      %dma_wait3A_371 = tpu.memref_slice %arg8[%dma_wait3A_368, %dma_wait3A_369, %dma_wait3A_370] : memref<5x128x64xf32, #tpu.memory_space<vmem>> -> memref<1x128x64xf32, #tpu.memory_space<vmem>>
      %dma_wait3A_372 = tpu.memref_squeeze %dma_wait3A_371 : memref<1x128x64xf32, #tpu.memory_space<vmem>> -> memref<128x64xf32, #tpu.memory_space<vmem>>
      %dma_wait3A_373 = arith.constant 0 : i32
      %dma_wait3A_374 = tpu.memref_slice %arg6[%dma_wait3A_367, %dma_wait3A_373] : memref<5x128xi32, #tpu.memory_space<vmem>> -> memref<1x128xi32, #tpu.memory_space<vmem>>
      %dma_wait3A_375 = tpu.memref_squeeze %dma_wait3A_374 : memref<1x128xi32, #tpu.memory_space<vmem>> -> memref<128xi32, #tpu.memory_space<vmem>>
      %dma_wait3A_376 = arith.constant 0 : i32
      %dma_wait3A_377 = arith.constant 0 : i32
      %dma_wait3A_378 = tpu.memref_slice %arg2[%dma_wait3A_376, %dma_wait3A_377] : memref<20480x64xf32, #tpu.memory_space<hbm>> -> memref<20480x64xf32, #tpu.memory_space<hbm>>
      tpu.wait_indirect_dma semaphore(%arg14 : memref<!tpu.dma_semaphore, #tpu.memory_space<semaphore_mem>>) src(%dma_wait3A_378 : memref<20480x64xf32, #tpu.memory_space<hbm>>) dst(%dma_wait3A_372 : memref<128x64xf32, #tpu.memory_space<vmem>>)
      %add3A_379 = arith.constant 3 : i32
      %add3A_380 = arith.addi %add3A_366, %add3A_379 : i32
      %lt3A_381 = arith.constant 160 : i32
      %lt3A_382 = arith.cmpi slt, %add3A_380, %lt3A_381 : i32
      %convert_element_type3A_383 = arith.extui %lt3A_382 : i1 to i32
      %cond3A_384 = arith.constant 0 : i32
      %cond3A_385 = arith.cmpi ne, %convert_element_type3A_383, %cond3A_384 : i32
      scf.if %cond3A_385 {
        %dma_wait3A_396 = arith.constant 2 : i32
        %dma_wait3A_397 = arith.constant 0 : i32
        %dma_wait3A_398 = tpu.memref_slice %arg6[%dma_wait3A_396, %dma_wait3A_397] : memref<5x128xi32, #tpu.memory_space<vmem>> -> memref<1x128xi32, #tpu.memory_space<vmem>>
        %dma_wait3A_399 = tpu.memref_squeeze %dma_wait3A_398 : memref<1x128xi32, #tpu.memory_space<vmem>> -> memref<128xi32, #tpu.memory_space<vmem>>
        %dma_wait3A_400 = arith.constant 0 : i32
        %dma_wait3A_401 = tpu.memref_slice %arg3[%arg0, %dma_wait3A_400] : memref<2x327680xi32, #tpu.memory_space<hbm>> -> memref<1x128xi32, #tpu.memory_space<hbm>>
        %dma_wait3A_402 = tpu.memref_squeeze %dma_wait3A_401 : memref<1x128xi32, #tpu.memory_space<hbm>> -> memref<128xi32, #tpu.memory_space<hbm>>
        %dma_wait3A_403 = arith.constant 0 : i32
        %dma_wait3A_404 = tpu.memref_slice %arg6[%dma_wait3A_396, %dma_wait3A_403] : memref<5x128xi32, #tpu.memory_space<vmem>> -> memref<1x128xi32, #tpu.memory_space<vmem>>
        %dma_wait3A_405 = tpu.memref_squeeze %dma_wait3A_404 : memref<1x128xi32, #tpu.memory_space<vmem>> -> memref<128xi32, #tpu.memory_space<vmem>>
        %dma_wait3A_406 = arith.constant 0 : i32
        %dma_wait3A_407 = tpu.memref_slice %arg3[%arg0, %dma_wait3A_406] : memref<2x327680xi32, #tpu.memory_space<hbm>> -> memref<1x128xi32, #tpu.memory_space<hbm>>
        %dma_wait3A_408 = tpu.memref_squeeze %dma_wait3A_407 : memref<1x128xi32, #tpu.memory_space<hbm>> -> memref<128xi32, #tpu.memory_space<hbm>>
        tpu.wait_dma2 semaphore(%arg17 : memref<!tpu.dma_semaphore, #tpu.memory_space<semaphore_mem>>) src(%dma_wait3A_408 : memref<128xi32, #tpu.memory_space<hbm>>) dst(%dma_wait3A_405 : memref<128xi32, #tpu.memory_space<vmem>>)
        %dma_wait3A_409 = arith.constant 2 : i32
        %dma_wait3A_410 = arith.constant 0 : i32
        %dma_wait3A_411 = tpu.memref_slice %arg7[%dma_wait3A_409, %dma_wait3A_410] : memref<5x128xi32, #tpu.memory_space<vmem>> -> memref<1x128xi32, #tpu.memory_space<vmem>>
        %dma_wait3A_412 = tpu.memref_squeeze %dma_wait3A_411 : memref<1x128xi32, #tpu.memory_space<vmem>> -> memref<128xi32, #tpu.memory_space<vmem>>
        %dma_wait3A_413 = arith.constant 0 : i32
        %dma_wait3A_414 = tpu.memref_slice %arg4[%dma_wait3A_413] : memref<327680xi32, #tpu.memory_space<hbm>> -> memref<128xi32, #tpu.memory_space<hbm>>
        %dma_wait3A_415 = arith.constant 0 : i32
        %dma_wait3A_416 = tpu.memref_slice %arg7[%dma_wait3A_409, %dma_wait3A_415] : memref<5x128xi32, #tpu.memory_space<vmem>> -> memref<1x128xi32, #tpu.memory_space<vmem>>
        %dma_wait3A_417 = tpu.memref_squeeze %dma_wait3A_416 : memref<1x128xi32, #tpu.memory_space<vmem>> -> memref<128xi32, #tpu.memory_space<vmem>>
        %dma_wait3A_418 = arith.constant 0 : i32
        %dma_wait3A_419 = tpu.memref_slice %arg4[%dma_wait3A_418] : memref<327680xi32, #tpu.memory_space<hbm>> -> memref<128xi32, #tpu.memory_space<hbm>>
        tpu.wait_dma2 semaphore(%arg17 : memref<!tpu.dma_semaphore, #tpu.memory_space<semaphore_mem>>) src(%dma_wait3A_419 : memref<128xi32, #tpu.memory_space<hbm>>) dst(%dma_wait3A_417 : memref<128xi32, #tpu.memory_space<vmem>>)
        %dma_start3A_420 = arith.constant 2 : i32
        %dma_start3A_421 = arith.constant 2 : i32
        %dma_start3A_422 = arith.constant 0 : i32
        %dma_start3A_423 = arith.constant 0 : i32
        %dma_start3A_424 = tpu.memref_slice %arg8[%dma_start3A_421, %dma_start3A_422, %dma_start3A_423] : memref<5x128x64xf32, #tpu.memory_space<vmem>> -> memref<1x128x64xf32, #tpu.memory_space<vmem>>
        %dma_start3A_425 = tpu.memref_squeeze %dma_start3A_424 : memref<1x128x64xf32, #tpu.memory_space<vmem>> -> memref<128x64xf32, #tpu.memory_space<vmem>>
        %dma_start3A_426 = arith.constant 0 : i32
        %dma_start3A_427 = tpu.memref_slice %arg6[%dma_start3A_420, %dma_start3A_426] : memref<5x128xi32, #tpu.memory_space<vmem>> -> memref<1x128xi32, #tpu.memory_space<vmem>>
        %dma_start3A_428 = tpu.memref_squeeze %dma_start3A_427 : memref<1x128xi32, #tpu.memory_space<vmem>> -> memref<128xi32, #tpu.memory_space<vmem>>
        %dma_start3A_429 = arith.constant 0 : i32
        %dma_start3A_430 = arith.constant 0 : i32
        %dma_start3A_431 = tpu.memref_slice %arg2[%dma_start3A_429, %dma_start3A_430] : memref<20480x64xf32, #tpu.memory_space<hbm>> -> memref<20480x64xf32, #tpu.memory_space<hbm>>
        tpu.enqueue_indirect_dma source(%dma_start3A_431 : memref<20480x64xf32, #tpu.memory_space<hbm>>) target(%dma_start3A_425 : memref<128x64xf32, #tpu.memory_space<vmem>>) offsets(%dma_start3A_428 : memref<128xi32, #tpu.memory_space<vmem>>) semaphore(%arg12 : memref<!tpu.dma_semaphore, #tpu.memory_space<semaphore_mem>>)
      } else {
      }
      %run_scoped3A_386 = arith.constant 4 : i32
      %run_scoped3A_387 = arith.constant 4 : i32
      "tpu.region"() ({
        %run_scoped3A_396 = tpu.sem_alloc : memref<!tpu.dma_semaphore, #tpu.memory_space<semaphore_mem>>
        %dma_start3A_397 = arith.constant 0 : i32
        %dma_start3A_398 = arith.constant 0 : i32
        %dma_start3A_399 = tpu.memref_slice %arg8[%run_scoped3A_386, %dma_start3A_397, %dma_start3A_398] : memref<5x128x64xf32, #tpu.memory_space<vmem>> -> memref<1x128x64xf32, #tpu.memory_space<vmem>>
        %dma_start3A_400 = tpu.memref_squeeze %dma_start3A_399 : memref<1x128x64xf32, #tpu.memory_space<vmem>> -> memref<128x64xf32, #tpu.memory_space<vmem>>
        %dma_start3A_401 = arith.constant 0 : i32
        %dma_start3A_402 = tpu.memref_slice %arg7[%run_scoped3A_387, %dma_start3A_401] : memref<5x128xi32, #tpu.memory_space<vmem>> -> memref<1x128xi32, #tpu.memory_space<vmem>>
        %dma_start3A_403 = tpu.memref_squeeze %dma_start3A_402 : memref<1x128xi32, #tpu.memory_space<vmem>> -> memref<128xi32, #tpu.memory_space<vmem>>
        %dma_start3A_404 = arith.constant 0 : i32
        %dma_start3A_405 = arith.constant 0 : i32
        %dma_start3A_406 = tpu.memref_slice %arg9[%dma_start3A_404, %dma_start3A_405] : memref<10240x64xf32, #tpu.memory_space<vmem_shared>> -> memref<10240x64xf32, #tpu.memory_space<vmem_shared>>
        tpu.enqueue_indirect_dma source(%dma_start3A_400 : memref<128x64xf32, #tpu.memory_space<vmem>>) target(%dma_start3A_406 : memref<10240x64xf32, #tpu.memory_space<vmem_shared>>) offsets(%dma_start3A_403 : memref<128xi32, #tpu.memory_space<vmem>>) semaphore(%run_scoped3A_396 : memref<!tpu.dma_semaphore, #tpu.memory_space<semaphore_mem>>) {add = true}
        %dma_wait3A_407 = arith.constant 0 : i32
        %dma_wait3A_408 = arith.constant 0 : i32
        %dma_wait3A_409 = tpu.memref_slice %arg8[%run_scoped3A_386, %dma_wait3A_407, %dma_wait3A_408] : memref<5x128x64xf32, #tpu.memory_space<vmem>> -> memref<1x128x64xf32, #tpu.memory_space<vmem>>
        %dma_wait3A_410 = tpu.memref_squeeze %dma_wait3A_409 : memref<1x128x64xf32, #tpu.memory_space<vmem>> -> memref<128x64xf32, #tpu.memory_space<vmem>>
        %dma_wait3A_411 = arith.constant 0 : i32
        %dma_wait3A_412 = tpu.memref_slice %arg7[%run_scoped3A_387, %dma_wait3A_411] : memref<5x128xi32, #tpu.memory_space<vmem>> -> memref<1x128xi32, #tpu.memory_space<vmem>>
        %dma_wait3A_413 = tpu.memref_squeeze %dma_wait3A_412 : memref<1x128xi32, #tpu.memory_space<vmem>> -> memref<128xi32, #tpu.memory_space<vmem>>
        %dma_wait3A_414 = arith.constant 0 : i32
        %dma_wait3A_415 = arith.constant 0 : i32
        %dma_wait3A_416 = tpu.memref_slice %arg9[%dma_wait3A_414, %dma_wait3A_415] : memref<10240x64xf32, #tpu.memory_space<vmem_shared>> -> memref<10240x64xf32, #tpu.memory_space<vmem_shared>>
        tpu.wait_indirect_dma semaphore(%run_scoped3A_396 : memref<!tpu.dma_semaphore, #tpu.memory_space<semaphore_mem>>) src(%dma_wait3A_410 : memref<128x64xf32, #tpu.memory_space<vmem>>) dst(%dma_wait3A_416 : memref<10240x64xf32, #tpu.memory_space<vmem_shared>>)
        tpu.yield
      }) : () -> ()
      %add3A_388 = arith.constant 5 : i32
      %add3A_389 = arith.addi %add3A_366, %add3A_388 : i32
      %lt3A_390 = arith.constant 160 : i32
      %lt3A_391 = arith.cmpi slt, %add3A_389, %lt3A_390 : i32
      %convert_element_type3A_392 = arith.extui %lt3A_391 : i1 to i32
      %cond3A_393 = arith.constant 0 : i32
      %cond3A_394 = arith.cmpi ne, %convert_element_type3A_392, %cond3A_393 : i32
      scf.if %cond3A_394 {
        %add3A_396 = arith.constant 5 : i32
        %add3A_397 = arith.addi %add3A_366, %add3A_396 : i32
        %mul3A_398 = arith.constant 128 : i32
        %mul3A_399 = arith.muli %add3A_397, %mul3A_398 : i32
        %add3A_400 = arith.addi %mul3A_0, %mul3A_399 : i32
        %dma_start3A_401 = arith.constant 4 : i32
        %dma_start3A_402 = arith.constant 0 : i32
        %dma_start3A_403 = tpu.memref_slice %arg6[%dma_start3A_401, %dma_start3A_402] : memref<5x128xi32, #tpu.memory_space<vmem>> -> memref<1x128xi32, #tpu.memory_space<vmem>>
        %dma_start3A_404 = tpu.memref_squeeze %dma_start3A_403 : memref<1x128xi32, #tpu.memory_space<vmem>> -> memref<128xi32, #tpu.memory_space<vmem>>
        %dma_start3A_405 = tpu.memref_slice %arg3[%arg0, %add3A_400] : memref<2x327680xi32, #tpu.memory_space<hbm>> -> memref<1x128xi32, #tpu.memory_space<hbm>>
        %dma_start3A_406 = tpu.memref_squeeze %dma_start3A_405 : memref<1x128xi32, #tpu.memory_space<hbm>> -> memref<128xi32, #tpu.memory_space<hbm>>
        %dma_start3A_407 = arith.constant 0 : i32
        %dma_start3A_408 = tpu.memref_slice %arg6[%dma_start3A_401, %dma_start3A_407] : memref<5x128xi32, #tpu.memory_space<vmem>> -> memref<1x128xi32, #tpu.memory_space<vmem>>
        %dma_start3A_409 = tpu.memref_squeeze %dma_start3A_408 : memref<1x128xi32, #tpu.memory_space<vmem>> -> memref<128xi32, #tpu.memory_space<vmem>>
        %dma_start3A_410 = tpu.memref_slice %arg3[%arg0, %add3A_400] : memref<2x327680xi32, #tpu.memory_space<hbm>> -> memref<1x128xi32, #tpu.memory_space<hbm>>
        %dma_start3A_411 = tpu.memref_squeeze %dma_start3A_410 : memref<1x128xi32, #tpu.memory_space<hbm>> -> memref<128xi32, #tpu.memory_space<hbm>>
        tpu.enqueue_dma source(%dma_start3A_411 : memref<128xi32, #tpu.memory_space<hbm>>) target(%dma_start3A_409 : memref<128xi32, #tpu.memory_space<vmem>>) target_semaphore(%arg19 : memref<!tpu.dma_semaphore, #tpu.memory_space<semaphore_mem>>)
        %dma_start3A_412 = arith.constant 4 : i32
        %dma_start3A_413 = arith.constant 0 : i32
        %dma_start3A_414 = tpu.memref_slice %arg7[%dma_start3A_412, %dma_start3A_413] : memref<5x128xi32, #tpu.memory_space<vmem>> -> memref<1x128xi32, #tpu.memory_space<vmem>>
        %dma_start3A_415 = tpu.memref_squeeze %dma_start3A_414 : memref<1x128xi32, #tpu.memory_space<vmem>> -> memref<128xi32, #tpu.memory_space<vmem>>
        %dma_start3A_416 = tpu.memref_slice %arg4[%add3A_400] : memref<327680xi32, #tpu.memory_space<hbm>> -> memref<128xi32, #tpu.memory_space<hbm>>
        %dma_start3A_417 = arith.constant 0 : i32
        %dma_start3A_418 = tpu.memref_slice %arg7[%dma_start3A_412, %dma_start3A_417] : memref<5x128xi32, #tpu.memory_space<vmem>> -> memref<1x128xi32, #tpu.memory_space<vmem>>
        %dma_start3A_419 = tpu.memref_squeeze %dma_start3A_418 : memref<1x128xi32, #tpu.memory_space<vmem>> -> memref<128xi32, #tpu.memory_space<vmem>>
        %dma_start3A_420 = tpu.memref_slice %arg4[%add3A_400] : memref<327680xi32, #tpu.memory_space<hbm>> -> memref<128xi32, #tpu.memory_space<hbm>>
        tpu.enqueue_dma source(%dma_start3A_420 : memref<128xi32, #tpu.memory_space<hbm>>) target(%dma_start3A_419 : memref<128xi32, #tpu.memory_space<vmem>>) target_semaphore(%arg19 : memref<!tpu.dma_semaphore, #tpu.memory_space<semaphore_mem>>)
      } else {
      }
      %scan3A_395 = arith.constant 0 : i32
      scf.yield %scan3A_395 : i32
    }
    %scan3A_228 = arith.constant 32 : i32
    %barrier3A_229 = arith.constant 0 : index
    tpu.barrier barrier_id(%barrier3A_229)
    %mul3A_230 = arith.constant 640 : i32
    %mul3A_231 = arith.muli %arg1, %mul3A_230 : i32
    %mul3A_232 = arith.constant 10240 : i32
    %mul3A_233 = arith.muli %arg0, %mul3A_232 : i32
    %mul3A_234 = arith.constant 640 : i32
    %mul3A_235 = arith.muli %arg1, %mul3A_234 : i32
    %add3A_236 = arith.addi %mul3A_233, %mul3A_235 : i32
    "tpu.region"() ({
      %run_scoped3A = tpu.sem_alloc : memref<!tpu.dma_semaphore, #tpu.memory_space<semaphore_mem>>
      %dma_start3A_237 = arith.constant 0 : i32
      %dma_start3A_238 = tpu.memref_slice %arg5[%add3A_236, %dma_start3A_237] : memref<20480x64xf32, #tpu.memory_space<hbm>> -> memref<640x64xf32, #tpu.memory_space<hbm>>
      %dma_start3A_239 = arith.constant 0 : i32
      %dma_start3A_240 = tpu.memref_slice %arg9[%mul3A_231, %dma_start3A_239] : memref<10240x64xf32, #tpu.memory_space<vmem_shared>> -> memref<640x64xf32, #tpu.memory_space<vmem_shared>>
      tpu.enqueue_dma source(%dma_start3A_240 : memref<640x64xf32, #tpu.memory_space<vmem_shared>>) target(%dma_start3A_238 : memref<640x64xf32, #tpu.memory_space<hbm>>) target_semaphore(%run_scoped3A : memref<!tpu.dma_semaphore, #tpu.memory_space<semaphore_mem>>)
      %dma_wait3A_241 = arith.constant 0 : i32
      %dma_wait3A_242 = tpu.memref_slice %arg5[%add3A_236, %dma_wait3A_241] : memref<20480x64xf32, #tpu.memory_space<hbm>> -> memref<640x64xf32, #tpu.memory_space<hbm>>
      %dma_wait3A_243 = arith.constant 0 : i32
      %dma_wait3A_244 = tpu.memref_slice %arg9[%mul3A_231, %dma_wait3A_243] : memref<10240x64xf32, #tpu.memory_space<vmem_shared>> -> memref<640x64xf32, #tpu.memory_space<vmem_shared>>
      tpu.wait_dma2 semaphore(%run_scoped3A : memref<!tpu.dma_semaphore, #tpu.memory_space<semaphore_mem>>) src(%dma_wait3A_244 : memref<640x64xf32, #tpu.memory_space<vmem_shared>>) dst(%dma_wait3A_242 : memref<640x64xf32, #tpu.memory_space<hbm>>)
      tpu.yield
    }) : () -> ()
    return
  }
}

module attributes {stable_mosaic.version = 14 : i64} {
  func.func @_scale_body(%arg0: i32, %arg1: memref<640x128xf32, #tpu.memory_space<vmem>>, %arg2: memref<128x128xf32, #tpu.memory_space<vmem>>, %arg3: memref<640x16xf32, #tpu.memory_space<vmem>>, %arg4: memref<640x16xf32, #tpu.memory_space<vmem>>, %arg5: memref<2x640x64xf32, #tpu.memory_space<vmem>>) attributes {dimension_semantics = [#tpu.dimension_semantics<arbitrary>], iteration_bounds = array<i64: 16>, scalar_prefetch = 0 : i64, scratch_operands = 0 : i64, tpu.core_type = #tpu.core_type<tc>, window_params = [{transform_indices = @transform_0, window_bounds = array<i64: 640, 128>}, {pipeline_mode = #tpu.pipeline_mode<synchronous>, transform_indices = @transform_1, window_bounds = array<i64: 128, 128>}, {transform_indices = @transform_2, window_bounds = array<i64: 640, 16>}, {transform_indices = @transform_3, window_bounds = array<i64: 640, 16>}, {transform_indices = @transform_4, window_bounds = array<i64: 2, 640, 64>}]} {
    %get3A = arith.constant 0 : index
    %get3A_0 = arith.constant 0 : index
    %get3A_1 = vector.load %arg3[%get3A, %get3A_0] : memref<640x16xf32, #tpu.memory_space<vmem>>, vector<640x1xf32>
    %add3A = arith.constant 1.000000e+00 : f32
    %add3A_2 = vector.broadcast %add3A : f32 to vector<640x1xf32>
    %add3A_3 = arith.addf %add3A_2, %get3A_1 : vector<640x1xf32>
    %get3A_4 = arith.constant 0 : index
    %get3A_5 = arith.constant 0 : index
    %get3A_6 = vector.load %arg4[%get3A_4, %get3A_5] : memref<640x16xf32, #tpu.memory_space<vmem>>, vector<640x1xf32>
    %add3A_7 = arith.addf %add3A_3, %get3A_6 : vector<640x1xf32>
    %rsqrt3A = math.rsqrt %add3A_7 : vector<640x1xf32>
    %get3A_8 = arith.constant 0 : index
    %get3A_9 = arith.constant 0 : index
    %get3A_10 = vector.load %arg1[%get3A_8, %get3A_9] : memref<640x128xf32, #tpu.memory_space<vmem>>, vector<640x128xf32>
    %get3A_11 = arith.constant 0 : index
    %get3A_12 = arith.constant 0 : index
    %get3A_13 = vector.load %arg2[%get3A_11, %get3A_12] : memref<128x128xf32, #tpu.memory_space<vmem>>, vector<128x128xf32>
    %dot_general3A = arith.constant dense<0.000000e+00> : vector<640x128xf32>
    %dot_general3A_14 = tpu.matmul %get3A_10, %get3A_13, %dot_general3A {dimension_numbers = #tpu.dot_dimension_numbers<[1], [0], [0], [1], [0, 0, 1, 1], [], []>, transpose_lhs_hint = false} : vector<640x128xf32>, vector<128x128xf32>, vector<640x128xf32> -> vector<640x128xf32>
    %mul3A = vector.broadcast %rsqrt3A : vector<640x1xf32> to vector<640x128xf32>
    %mul3A_15 = arith.mulf %dot_general3A_14, %mul3A : vector<640x128xf32>
    %slice3A = vector.extract_strided_slice %mul3A_15 {offsets = [0, 0], sizes = [640, 64], strides = [1, 1]} : vector<640x128xf32> to vector<640x64xf32>
    %swap3A = arith.constant 0 : index
    %swap3A_16 = arith.constant 0 : index
    %swap3A_17 = arith.constant 0 : index
    %swap3A_18 = vector.load %arg5[%swap3A, %swap3A_16, %swap3A_17] : memref<2x640x64xf32, #tpu.memory_space<vmem>>, vector<1x640x64xf32>
    %swap3A_19 = vector.shape_cast %swap3A_18 : vector<1x640x64xf32> to vector<640x64xf32>
    %swap3A_20 = vector.shape_cast %slice3A : vector<640x64xf32> to vector<1x640x64xf32>
    tpu.vector_store %arg5[%swap3A, %swap3A_16, %swap3A_17], %swap3A_20 {strides = array<i32>} : memref<2x640x64xf32, #tpu.memory_space<vmem>>, vector<1x640x64xf32>,
    %slice3A_21 = vector.extract_strided_slice %mul3A_15 {offsets = [0, 64], sizes = [640, 64], strides = [1, 1]} : vector<640x128xf32> to vector<640x64xf32>
    %swap3A_22 = arith.constant 1 : index
    %swap3A_23 = arith.constant 0 : index
    %swap3A_24 = arith.constant 0 : index
    %swap3A_25 = vector.load %arg5[%swap3A_22, %swap3A_23, %swap3A_24] : memref<2x640x64xf32, #tpu.memory_space<vmem>>, vector<1x640x64xf32>
    %swap3A_26 = vector.shape_cast %swap3A_25 : vector<1x640x64xf32> to vector<640x64xf32>
    %swap3A_27 = vector.shape_cast %slice3A_21 : vector<640x64xf32> to vector<1x640x64xf32>
    tpu.vector_store %arg5[%swap3A_22, %swap3A_23, %swap3A_24], %swap3A_27 {strides = array<i32>} : memref<2x640x64xf32, #tpu.memory_space<vmem>>, vector<1x640x64xf32>,
    return
  }
  func.func @transform_0(%arg0: i32) -> (i32, i32) {
    %c0_i32 = arith.constant 0 : i32
    %c0_i32_0 = arith.constant 0 : i32
    return %arg0, %c0_i32 : i32, i32
  }
  func.func @transform_1(%arg0: i32) -> (i32, i32) {
    %c0_i32 = arith.constant 0 : i32
    %c0_i32_0 = arith.constant 0 : i32
    %c0_i32_1 = arith.constant 0 : i32
    return %c0_i32, %c0_i32_0 : i32, i32
  }
  func.func @transform_2(%arg0: i32) -> (i32, i32) {
    %c0_i32 = arith.constant 0 : i32
    %c0_i32_0 = arith.constant 0 : i32
    return %arg0, %c0_i32 : i32, i32
  }
  func.func @transform_3(%arg0: i32) -> (i32, i32) {
    %c0_i32 = arith.constant 0 : i32
    %c0_i32_0 = arith.constant 0 : i32
    return %arg0, %c0_i32 : i32, i32
  }
  func.func @transform_4(%arg0: i32) -> (i32, i32, i32) {
    %c0_i32 = arith.constant 0 : i32
    %c0_i32_0 = arith.constant 0 : i32
    %c0_i32_1 = arith.constant 0 : i32
    return %c0_i32, %arg0, %c0_i32_0 : i32, i32, i32
  }
}

module attributes {stable_mosaic.version = 14 : i64} {
  func.func @_final_body(%arg0: i32, %arg1: memref<1000x64xf32, #tpu.memory_space<vmem>>, %arg2: memref<1000x64xf32, #tpu.memory_space<vmem>>, %arg3: memref<1000x16xf32, #tpu.memory_space<vmem>>, %arg4: memref<1000x16xf32, #tpu.memory_space<vmem>>, %arg5: memref<1x128xf32, #tpu.memory_space<vmem>>, %arg6: memref<1000x128xf32, #tpu.memory_space<vmem>>) attributes {dimension_semantics = [#tpu.dimension_semantics<arbitrary>], iteration_bounds = array<i64: 10>, scalar_prefetch = 0 : i64, scratch_operands = 0 : i64, tpu.core_type = #tpu.core_type<tc>, window_params = [{transform_indices = @transform_0, window_bounds = array<i64: 1000, 64>}, {transform_indices = @transform_1, window_bounds = array<i64: 1000, 64>}, {transform_indices = @transform_2, window_bounds = array<i64: 1000, 16>}, {transform_indices = @transform_3, window_bounds = array<i64: 1000, 16>}, {pipeline_mode = #tpu.pipeline_mode<synchronous>, transform_indices = @transform_4, window_bounds = array<i64: 1, 128>}, {transform_indices = @transform_5, window_bounds = array<i64: 1000, 128>}]} {
    %get3A = arith.constant 0 : index
    %get3A_0 = arith.constant 0 : index
    %get3A_1 = vector.load %arg3[%get3A, %get3A_0] : memref<1000x16xf32, #tpu.memory_space<vmem>>, vector<1000x1xf32>
    %add3A = arith.constant 1.000000e+00 : f32
    %add3A_2 = vector.broadcast %add3A : f32 to vector<1000x1xf32>
    %add3A_3 = arith.addf %add3A_2, %get3A_1 : vector<1000x1xf32>
    %get3A_4 = arith.constant 0 : index
    %get3A_5 = arith.constant 0 : index
    %get3A_6 = vector.load %arg4[%get3A_4, %get3A_5] : memref<1000x16xf32, #tpu.memory_space<vmem>>, vector<1000x1xf32>
    %add3A_7 = arith.addf %add3A_3, %get3A_6 : vector<1000x1xf32>
    %rsqrt3A = math.rsqrt %add3A_7 : vector<1000x1xf32>
    %get3A_8 = arith.constant 0 : index
    %get3A_9 = arith.constant 0 : index
    %get3A_10 = vector.load %arg1[%get3A_8, %get3A_9] : memref<1000x64xf32, #tpu.memory_space<vmem>>, vector<1000x64xf32>
    %get3A_11 = arith.constant 0 : index
    %get3A_12 = arith.constant 0 : index
    %get3A_13 = vector.load %arg2[%get3A_11, %get3A_12] : memref<1000x64xf32, #tpu.memory_space<vmem>>, vector<1000x64xf32>
    %concatenate3A = tpu.concatenate %get3A_10, %get3A_13 in 1 : vector<1000x64xf32>, vector<1000x64xf32> -> vector<1000x128xf32>
    %mul3A = vector.broadcast %rsqrt3A : vector<1000x1xf32> to vector<1000x128xf32>
    %mul3A_14 = arith.mulf %mul3A, %concatenate3A : vector<1000x128xf32>
    %get3A_15 = arith.constant 0 : index
    %get3A_16 = arith.constant 0 : index
    %get3A_17 = vector.load %arg5[%get3A_15, %get3A_16] : memref<1x128xf32, #tpu.memory_space<vmem>>, vector<1x128xf32>
    %add3A_18 = vector.broadcast %get3A_17 : vector<1x128xf32> to vector<1000x128xf32>
    %add3A_19 = arith.addf %mul3A_14, %add3A_18 : vector<1000x128xf32>
    %reduce_max3A = arith.constant dense<0xFF800000> : vector<1000xf32>
    %reduce_max3A_20 = vector.multi_reduction <maximumf>, %add3A_19, %reduce_max3A [1] : vector<1000x128xf32> to vector<1000xf32>
    %broadcast_in_dim3A = vector.shape_cast %reduce_max3A_20 : vector<1000xf32> to vector<1000x1xf32>
    %sub3A = vector.broadcast %broadcast_in_dim3A : vector<1000x1xf32> to vector<1000x128xf32>
    %sub3A_21 = arith.subf %add3A_19, %sub3A : vector<1000x128xf32>
    %exp3A = math.exp %sub3A_21 : vector<1000x128xf32>
    %reduce_sum3A = arith.constant dense<0.000000e+00> : vector<1000xf32>
    %reduce_sum3A_22 = vector.multi_reduction <add>, %exp3A, %reduce_sum3A [1] : vector<1000x128xf32> to vector<1000xf32>
    %broadcast_in_dim3A_23 = vector.shape_cast %reduce_sum3A_22 : vector<1000xf32> to vector<1000x1xf32>
    %sub3A_24 = vector.broadcast %broadcast_in_dim3A : vector<1000x1xf32> to vector<1000x128xf32>
    %sub3A_25 = arith.subf %add3A_19, %sub3A_24 : vector<1000x128xf32>
    %log3A = math.log %broadcast_in_dim3A_23 : vector<1000x1xf32>
    %sub3A_26 = vector.broadcast %log3A : vector<1000x1xf32> to vector<1000x128xf32>
    %sub3A_27 = arith.subf %sub3A_25, %sub3A_26 : vector<1000x128xf32>
    %swap3A = arith.constant 0 : index
    %swap3A_28 = arith.constant 0 : index
    %swap3A_29 = vector.load %arg6[%swap3A, %swap3A_28] : memref<1000x128xf32, #tpu.memory_space<vmem>>, vector<1000x128xf32>
    tpu.vector_store %arg6[%swap3A, %swap3A_28], %sub3A_27 {strides = array<i32>} : memref<1000x128xf32, #tpu.memory_space<vmem>>, vector<1000x128xf32>,
    return
  }
  func.func @transform_0(%arg0: i32) -> (i32, i32) {
    %c0_i32 = arith.constant 0 : i32
    %c0_i32_0 = arith.constant 0 : i32
    return %arg0, %c0_i32 : i32, i32
  }
  func.func @transform_1(%arg0: i32) -> (i32, i32) {
    %c0_i32 = arith.constant 0 : i32
    %c0_i32_0 = arith.constant 0 : i32
    return %arg0, %c0_i32 : i32, i32
  }
  func.func @transform_2(%arg0: i32) -> (i32, i32) {
    %c0_i32 = arith.constant 0 : i32
    %c0_i32_0 = arith.constant 0 : i32
    return %arg0, %c0_i32 : i32, i32
  }
  func.func @transform_3(%arg0: i32) -> (i32, i32) {
    %c0_i32 = arith.constant 0 : i32
    %c0_i32_0 = arith.constant 0 : i32
    return %arg0, %c0_i32 : i32, i32
  }
  func.func @transform_4(%arg0: i32) -> (i32, i32) {
    %c0_i32 = arith.constant 0 : i32
    %c0_i32_0 = arith.constant 0 : i32
    %c0_i32_1 = arith.constant 0 : i32
    return %c0_i32, %c0_i32_0 : i32, i32
  }
  func.func @transform_5(%arg0: i32) -> (i32, i32) {
    %c0_i32 = arith.constant 0 : i32
    %c0_i32_0 = arith.constant 0 : i32
    return %arg0, %c0_i32 : i32, i32
  }
}

</mosaic_0001>

<sc_bundles>
// kernel: kernel.6.cloned.1.call-start
scs
__scs_entry_jumppad:
0x0: {  	(pc) =	sbr.rel $0x88, $3  }
0x1: {  	(tag) =	ssettag $0x0;
	lr =	simm.s32 $0x1  }
0x2: {  	[smem:$0x3F9D] =	sst lr;
	_ =	strace $0xD0000000  }
0x3: {  	_ = 	snop  }
0x4: {  	_ = 	snop  }
0x5: {  	_ = 	snop  }
0x6: {  	_ = 	snop  }
0x7: {  	_ = 	snop  }
__scs_overlays_trampoline_lowered:
0x8: {  	[smem:$0x3FAC] =	sst s0  }
0x9: {  	[smem:$0x3FAD] =	sst s1  }
0xa: {  	[smem:$0x3FAE] =	sst s2  }
0xb: {  	[smem:$0x3FAF] =	sst s3  }
0xc: {  	[smem:$0x3FB0] =	sst s4  }
0xd: {  	[smem:$0x3FB1] =	sst s5  }
0xe: {  	[smem:$0x3FB2] =	sst s6  }
0xf: {  	[smem:$0x3FB3] =	sst s7  }
0x10: {  	[smem:$0x3FB4] =	sst s8  }
0x11: {  	[smem:$0x3FB5] =	sst s9;
	s0 =	simm.s32 @!p0 $0x0  }
0x12: {  	s1 =	sld [smem:$0x3F9B];
	s0 =	simm.s32 @p0 $0x1  }
0x13: {  	[smem:$0x3FB6] =	sst s0;
	s0 =	simm.s32 @!p1 $0x0  }
0x14: {  	s2 =	sld [smem:$0x3F9A];
	s0 =	simm.s32 @p1 $0x1  }
0x15: {  	[smem:$0x3FB7] =	sst s0;
	s0 =	simm.s32 @!p2 $0x0  }
0x16: {  	s3 =	sld [smem:$0x3FDB];
	s0 =	simm.s32 @p2 $0x1  }
0x17: {  	s4 =	simm.s32 $0x1BF5;
	[smem:$0x3FB9] =	sst s0  }
0x18: {  	s0 =	sld [smem:$0x3F9C];
	_ =	swait.ge [sflag:s4], $0x0  }
0x19: {  	s7 =	sld [smem:$0x3F9D]  }
0x1a: {  	s8 =	sadd.s32 $0xFFFFE003, lr  }
0x1b: {  	s9 =	sadd.s32 $0xFFFFFEF7, lr;
	s5 =	simm.s32 $0xFFFFFFFF;
	p2 =	slt.u32 s8, $0xFFFFF086  }
0x1c: {  	p1 =	slt.u32 s9, $0xF7A;
	s5 =	simm.s32 @!p2 $0x0  }
0x1d: {  	s5 =	simm.s32 @p1 $0x1;
	p0 =	seq.s32 s7, s2  }
0x1e: {  	s7 =	smul.u32 @!p0 $0xF7A, s2;
	p2 =	seq.s32 @!p0 s5, $0x0  }
0x1f: {  	s9 =	smul.u32 $0xF7A, s1;
	s8 =	simm.s32 @!p0 $0x1BF5;
	p2 =	por !p2, p0  }
0x20: {  	[sflag:s8] =	ssyncset.s32 @!p0 $0xFFFFF086;
	s6 =	sadd.s32 @!p0 s3, s7;
	s7 =	simm.s32 @!p0 $0x108  }
0x21: {  	s3 =	sadd.s32 s3, s9;
	s6 =	sadd.s32 @!p0 $0x88, s6;
	s7 =	simm.s32 @p2 $0x1082  }
0x22: {  	[simem:s7], [sflag:s8] =	dma.local @!p0 [hbm:s6], $0xF7A  }
0x23: {  	s9 =	sor.u32 $0xD0000000, s2;
	s6 =	simm.s32 $0x108;
	_ =	swait.ge @!p0 [sflag:s8], $0x0  }
0x24: {  	s3 =	sadd.s32 $0x88, s3;
	s6 =	simm.s32 @!p1 $0x1082;
	[sflag:s4] =	ssyncset.s32 $0xFFFFF086  }
0x25: {  	[simem:s6], [sflag:s4] =	dma.local [hbm:s3], $0xF7A  }
0x26: {  	[smem:$0x3F9D] =	sst s1;
	(tag) =	ssettag s2;
	_ =	strace s9  }
0x27: {  	s1 =	sld [smem:$0x3FAD]  }
0x28: {  	s2 =	sld [smem:$0x3FAE]  }
0x29: {  	s4 =	sld [smem:$0x3FB0]  }
0x2a: {  	p0 =	seq.s32 s5, $0x0;
	s5 =	sld [smem:$0x3FB1]  }
0x2b: {  	s6 =	sld [smem:$0x3FB2]  }
0x2c: {  	s7 =	sld [smem:$0x3FB3]  }
0x2d: {  	s3 =	simm.s32 $0x108;
	s8 =	sld [smem:$0x3FB4]  }
0x2e: {  	s3 =	simm.s32 @!p0 $0x1082;
	s9 =	sld [smem:$0x3FB5]  }
0x2f: {  	lr =	sadd.s32 s0, s3;
	s0 =	sld [smem:$0x3FAC]  }
0x30: {  	s3 =	sld [smem:$0x3FAF]  }
0x31: {  	[smem:$0x3FB8] =	sst s10  }
0x32: {  	s10 =	sld [smem:$0x3FB6];
	_ =	sdelay $0x3  }
0x33: {  	p0 =	seq.s32 s10, $0x1;
	s10 =	sld [smem:$0x3FB8];
	_ =	sdelay $0x3  }
0x34: {  	[smem:$0x3FB8] =	sst s10  }
0x35: {  	s10 =	sld [smem:$0x3FB7];
	_ =	sdelay $0x3  }
0x36: {  	p1 =	seq.s32 s10, $0x1;
	s10 =	sld [smem:$0x3FB8];
	_ =	sdelay $0x3  }
0x37: {  	[smem:$0x3FB8] =	sst s10  }
0x38: {  	s10 =	sld [smem:$0x3FB9]  }
0x39: {  	_ = 	snop;
	(pc) =	sbr.ind lr, $3  }
0x3a: {  	_ = 	snop  }
0x3b: {  	_ = 	snop  }
0x3c: {  	p2 =	seq.s32 s10, $0x1;
	s10 =	sld [smem:$0x3FB8]  }
0x3d: {  	_ =	shalt  }
0x3e: {  	_ =	shalt  }
0x3f: {  	_ =	shalt  }
0x40: {  	_ =	shalt  }
0x41: {  	_ =	shalt  }
0x42: {  	_ =	shalt  }
0x43: {  	_ =	shalt  }
0x44: {  	_ =	shalt  }
0x45: {  	_ =	shalt  }
0x46: {  	_ =	shalt  }
0x47: {  	_ =	shalt  }
0x48: {  	_ =	shalt  }
0x49: {  	_ =	shalt  }
0x4a: {  	_ =	shalt  }
0x4b: {  	_ =	shalt  }
0x4c: {  	_ =	shalt  }
0x4d: {  	_ =	shalt  }
0x4e: {  	_ =	shalt  }
0x4f: {  	_ =	shalt  }
0x50: {  	_ =	shalt  }
0x51: {  	_ =	shalt  }
0x52: {  	_ =	shalt  }
0x53: {  	_ =	shalt  }
0x54: {  	_ =	shalt  }
0x55: {  	_ =	shalt  }
0x56: {  	_ =	shalt  }
0x57: {  	_ =	shalt  }
0x58: {  	_ =	shalt  }
0x59: {  	_ =	shalt  }
0x5a: {  	_ =	shalt  }
0x5b: {  	_ =	shalt  }
0x5c: {  	_ =	shalt  }
0x5d: {  	_ =	shalt  }
0x5e: {  	_ =	shalt  }
0x5f: {  	_ =	shalt  }
0x60: {  	_ =	shalt  }
0x61: {  	_ =	shalt  }
0x62: {  	_ =	shalt  }
0x63: {  	_ =	shalt  }
0x64: {  	_ =	shalt  }
0x65: {  	_ =	shalt  }
0x66: {  	_ =	shalt  }
0x67: {  	_ =	shalt  }
0x68: {  	_ =	shalt  }
0x69: {  	_ =	shalt  }
0x6a: {  	_ =	shalt  }
0x6b: {  	_ =	shalt  }
0x6c: {  	_ =	shalt  }
0x6d: {  	_ =	shalt  }
0x6e: {  	_ =	shalt  }
0x6f: {  	_ =	shalt  }
0x70: {  	_ =	shalt  }
0x71: {  	_ =	shalt  }
0x72: {  	_ =	shalt  }
0x73: {  	_ =	shalt  }
0x74: {  	_ =	shalt  }
0x75: {  	_ =	shalt  }
0x76: {  	_ =	shalt  }
0x77: {  	_ =	shalt  }
0x78: {  	_ =	shalt  }
0x79: {  	_ =	shalt  }
0x7a: {  	_ =	shalt  }
0x7b: {  	_ =	shalt  }
0x7c: {  	_ =	shalt  }
0x7d: {  	_ =	shalt  }
0x7e: {  	_ =	shalt  }
0x7f: {  	_ =	shalt  }
0x80: {  	_ =	shalt  }
0x81: {  	_ =	shalt  }
0x82: {  	_ =	shalt  }
0x83: {  	_ =	shalt  }
0x84: {  	_ =	shalt  }
0x85: {  	_ =	shalt  }
0x86: {  	_ =	shalt  }
0x87: {  	_ =	shalt  }
.Lfunc_end0:
.L_simem_size_0:
called_computation_lowered:
.L_overlay_start_0:
0x88: {  	s2 =	sld [smem:$0x3FD9]  }
0x89: {  	s3 =	sld [smem:$0x3FFE];
	_ =	sdelay $0x1  }
0x8a: {  	s1 =	srdreg.scid  }
0x8b: {  	s0 =	sand.u32 $0x1, s1  }
0x8c: {  	s16 =	sshll.u32 s0, $0xA;
	s2 =	sadd.s32 s3, s2  }
0x8d: {  	s2 =	sadd.s32 s2, s16  }
0x8e: {  	[smem:$0x3FC4] =	sst s2  }
0x8f: {  	_ = 	snop  }
0x90: {  	(tm) =	ssettm $0x1  }
0x91: {  	s17 =	sld [smem:$0x3FFB];
	_ =	sdelay $0x3  }
0x92: {  	_ =	strace s17  }
0x93: {  	s2 =	sld [smem:$0x3FFC];
	_ =	sdelay $0x3  }
0x94: {  	_ =	strace s2  }
0x95: {  	s2 =	sld [smem:$0x3FFD];
	_ =	sdelay $0x3  }
0x96: {  	_ =	strace s2  }
0x97: {  	_ =	strace $0x8FFFFFFF  }
0x98: {  	s18 =	sld [smem:$0x3FDB];
	_ =	sdelay $0x1  }
0x99: {  	s19 =	simm.s32 $_scs_section_size  }
0x9a: {  	s4 =	simm.s32 $_size__tile_overlayer_lowered;
	s5 =	simm.s32 $_tile_overlayer_lowered  }
0x9b: {  	s22 =	simm.s32 $0x1BFF;
	s21 =	sshll.u32 s5, $0x1;
	s2 =	sadd.s32 s19, s18  }
0x9c: {  	s6 =	simm.s32 $0x0;
	s20 =	sshll.u32 s4, $0x1;
	s4 =	sadd.s32 s21, s2  }
0x9d: {  	[timem:s6], [sflag:s22] =	dma.local [hbm:s4], s20  }
0x9e: {  	_ =	swait.ge [sflag:s22], s20  }
0x9f: {  	s3 =	ssub.s32 $0x0, s20;
	[sflag:s22] =	ssyncset.done $0x0  }
0xa0: {  	[sflag:s22] =	ssyncadd.s32 s3;
	_ =	sdelay $0x1  }
0xa1: {  	s23 =	simm.s32 $0x1B8B  }
0xa2: {  	_ =	swait.ge [sflag:s23], $0x1  }
0xa3: {  	[sflag:s23] =	ssyncset.done $0x0  }
0xa4: {  	s25 =	simm.s32 $0x1B8E;
	s24 =	sld [smem:$0x3FFE];
	[sflag:s23] =	ssyncadd.s32 $0xFFFFFFFF  }
0xa5: {  	s26 =	simm.s32 $execute0_lowered;
	[smem:$0x3FD2] =	sst s25  }
0xa6: {  	s4 =	sshll.u32 s26, $0x1;
	_ =	strace $0x80000046;
	[dreg:$0x1] =	wrdreg $0xFFFFFFFF  }
0xa7: {  	s28 =	simm.s32 $_size_execute0_lowered;
	s2 =	sadd.s32 s2, s4;
	[dreg:$0x0] =	wrdreg $0x0  }
0xa8: {  	s4 =	sshll.u32 s28, $0x1;
	[dreg:$0x2] =	wrdreg s2  }
0xa9: {  	[dreg:$0x3] =	wrdreg s4  }
0xaa: {  	[dreg:$0x4] =	wrdreg $0xC0  }
0xab: {  	_ =	task [dreg:s6], $0x5FFFF  }
0xac: {  	[dreg:$0x1] =	wrdreg $0xFFFFFFFF  }
0xad: {  	[dreg:$0x0] =	wrdreg $0x60  }
0xae: {  	[dreg:$0x2] =	wrdreg s24  }
0xaf: {  	[dreg:$0x3] =	wrdreg $0x32000  }
0xb0: {  	[dreg:$0x4] =	wrdreg $0x9  }
0xb1: {  	_ =	task.clear_ibuf [dreg:s6], $0x5FFFF;
	_ =	strace $0x90000046  }
0xb2: {  	s29 =	simm.s32 $0x9;
	_ =	strace $0x80000048  }
0xb3: {  	_ =	swait.ge [sflag:s29], $0x1  }
0xb4: {  	[sflag:s29] =	ssyncadd.s32 $0xFFFFFFFF  }
0xb5: {  	_ =	strace $0x90000048  }
0xb6: {  	_ =	sfence  }
0xb7: {  	s30 =	sld [smem:$0x0];
	_ =	sdelay $0x2  }
0xb8: {  	s31 =	sshll.u32 s1, $0xD;
	s1 =	sshrl.u32 s1, $0x2  }
0xb9: {  	s3 =	sand.u32 $0x4000, s31;
	s1 =	sadd.s32 s1, s30  }
0xba: {  	s0 =	sor.u32 s3, s0;
	s1 =	sshll.u32 s1, $0x11  }
0xbb: {  	s0 =	sor.u32 s1, s0  }
0xbc: {  	s0 =	sadd.s32 $0x8F2B, s0  }
0xbd: {  	[sflag:s0] =	ssyncadd.remote.s32 $0x1  }
0xbe: {  	_ =	sfence.sel $0xFFFF  }
0xbf: {  	[dreg:$0x0] =	wrdreg $0xFFFFFFFF;
	(pc) =	sbr.abs _section_cstart, $3  }
0xc0: {  	[dreg:$0x1] =	wrdreg $0xFFFFFFFF  }
0xc1: {  	_ =	task.clear_ibuf [dreg:s6], $0x2FFFF;
	_ =	strace $0x9FFFFFFF  }
0xc2: {  	(tm) =	ssettm $0x7FFFFFFF  }
0xc3: {  	_ =	shalt  }
tec
execute0_lowered:
.L_overlay_start_1:
0x0: {  	(tag) =	ssettag $0x1  }
0x1: {  	s0 =	srdreg.scid;
	s10 =	rddreg [dreg:$0x0]  }
0x2: {  	s2 =	rddreg [dreg:$0x1];
	s1 =	stileid.u32  }
0x3: {  	s3 =	simm.s32 $0x0;
	s15 =	simm.s32 $0xB600;
	s17 =	simm.s32 $0x180  }
0x4: {  	s18 =	simm.s32 $0xA00;
	s19 =	simm.s32 $0x5;
	s20 =	simm.s32 $0x1  }
0x5: {  	s21 =	simm.s32 $0x200;
	s22 =	simm.s32 $0x3;
	s23 =	simm.s32 $0x4  }
0x6: {  	s24 =	simm.s32 $0x0;
	s9 =	sand.u32 $0x1, s0;
	s0 =	rddreg [dreg:$0x2]  }
0x7: {  	[smem:$0x7FF] =	sst s3;
	s14 =	sadd.s32 $0x1600, s10;
	s11 =	smul.u32 $0x2800, s1  }
0x8: {  	s4 =	sshll.u32 s9, $0x4;
	_ =	strace $0x80000047;
	s5 =	ssub.s32 $0x2, s9  }
0x9: {  	s13 =	smul.u32 $0x28000, s9;
	p0 =	seq.s32 s9, $0x1;
	s4 =	sor.u32 s1, s4  }
0xa: {  	s6 =	sshrl.u32 s5, $0x1;
	s8 =	sadd.s32 s11, s2;
	s15 =	simm.s32 @!p0 $0x10600  }
0xb: {  	s4 =	smul.u32 $0x2800, s4;
	s12 =	ssub.s32 s5, s6;
	s13 =	sadd.s32 s11, s13  }
0xc: {  	s11 =	sshrl.u32 s11, $0x3;
	s10 =	sadd.s32 s15, s10;
	s16 =	sor.u32 $0x380, s13  }
0xd: {  	s9 =	smax.u32 s12, $0x1;
	s10 =	sadd.s32 s10, s11;
	s29 =	sor.u32 $0x300, s13  }
0xe: {  	s30 =	sor.u32 $0x280, s13;
	s13 =	sor.u32 $0x200, s13;
	s4 =	sshrl.u32 s4, $0x3  }
.Ltmp0:
0xf: {  	s28 =	sshrl.u32 s16, $0x3;
	s12 =	sshrl.u32 s29, $0x3;
	(pc) =	sbr.rel .LBB2_1-.Ltmp0, $4  }
0x10: {  	s15 =	sshrl.u32 s30, $0x3;
	s31 =	sshrl.u32 s13, $0x3;
	s16 =	simm.s32 $0x100  }
0x11: {  	s4 =	sadd.s32 s14, s4;
	s11 =	sadd.s32 s28, s14;
	s12 =	sadd.s32 s12, s14  }
0x12: {  	s13 =	sadd.s32 s15, s14;
	s14 =	sadd.s32 s31, s14;
	s15 =	simm.s32 $0x80  }
0x13: {  	v0 =	vimm.f32 $1.000000000e+00;
	v1 =	vimm.f32 $0.0e+00;
	s5 =	sadd.s32 $0x10, s4;
	s6 =	sadd.s32 $0x20, s4;
	s7 =	sadd.s32 $0x30, s4  }
.LBB2_8:
0x14: {  	_ =	swait.ge [sflag:s23], $0x80  }
0x15: {  	[sflag:s23] =	ssyncset.done $0x0  }
0x16: {  	[sflag:s23] =	ssyncadd.s32 $0xFFFFFF80  }
0x17: {  	[spmem:s2] =	stream.indirect.scatter.add.f32 [tilespmem:s21], [sflag:$0x5], $0x10, s17, s15, $0xb8;
	[tilespmem:$0x5A00] =	vst v63  }
0x18: {  	_ =	swait.ge [sflag:s19], $0x800  }
0x19: {  	s25 =	sshll.u32 s1, $0x6;
	s24 =	sadd.s32 $0x1, s24;
	[sflag:s19] =	ssyncset.done $0x0  }
0x1a: {  	s26 =	sshrl.u32 s8, $0x3;
	p0 =	sne.s32 s24, s9;
	[sflag:s19] =	ssyncadd.s32 $0xFFFFF800  }
.Ltmp1:
0x1b: {  	s25 =	sor.u32 $0x1C05, s25;
	[bflag:$0x0] =	sbarrier.arrive $0xFFFF;
	(pc) =	sbr.rel @!p0 .LBB2_9-.Ltmp1, $4  }
0x1c: {  	[hbm:s10], [sflag:s25] =	dma.local [spmem:s26], $0x500  }
0x1d: {  	_ =	swait.ge [sflag:s19], $0x500  }
0x1e: {  	[sflag:s19] =	ssyncset.done $0x0  }
0x1f: {  	[sflag:s19] =	ssyncadd.s32 $0xFFFFFB00  }
.LBB2_1:
0x20: {  	s25 =	simm.s32 $0x0  }
.LBB2_2:
0x21: {  	p0 =	sne.s32 s25, $0x1FC0  }
.Ltmp2:
0x22: {  	_ = 	snop;
	(pc) =	sbr.rel @p0 .LBB2_2-.Ltmp2, $3  }
0x23: {  	_ =	sdelay $0x1  }
0x24: {  	s26 =	sshra.s32 s25, $0x2  }
0x25: {  	s25 =	sadd.s32 $0x40, s25;
	[tilespmem:s26+$0x200] =	vst v0  }
0x26: {  	s25 =	simm.s32 $0x40;
	s26 =	simm.s32 $0x0  }
.LBB2_4:
0x27: {  	p0 =	sne.s32 s25, $0x9FC0;
	[tilespmem:s26+$0xA00] =	vst v1;
	s26 =	smov.u32 s25;
	s25 =	sadd.s32 $0x40, s25  }
.Ltmp3:
0x28: {  	(pc) =	sbr.rel @p0 .LBB2_4-.Ltmp3, $2  }
0x29: {  	_ =	sdelay $0x2  }
0x2a: {  	s26 =	sshra.s32 s26, $0x2  }
0x2b: {  	[tilespmem:s26+$0xA00] =	vst v1;
	s25 =	simm.s32 $0x0  }
0x2c: {  	[tilespmem:s25], [sflag:$0x1] =	stream.linear.gather [hbm4b:s4+s25], $0x80, $0x38;
	[tilespmem:$0x5A00] =	vst v63  }
0x2d: {  	_ = 	snop  }
0x2e: {  	[tilespmem:s15], [sflag:$0x2] =	stream.linear.gather [hbm4b:s5+s25], $0x80, $0x38;
	[tilespmem:$0x5A00] =	vst v63  }
0x2f: {  	_ = 	snop  }
0x30: {  	[tilespmem:s16], [sflag:$0x3] =	stream.linear.gather [hbm4b:s6+s25], $0x80, $0x38;
	[tilespmem:$0x5A00] =	vst v63  }
0x31: {  	_ = 	snop  }
0x32: {  	[tilespmem:s17], [sflag:$0x4] =	stream.linear.gather [hbm4b:s7+s25], $0x80, $0x38;
	[tilespmem:$0x5A00] =	vst v63  }
0x33: {  	_ = 	snop  }
0x34: {  	[spmem:s8] =	stream.linear.scatter [tilespmem:s18], [sflag:$0x5], $0x2800, $0x38;
	[tilespmem:$0x5A00] =	vst v63  }
0x35: {  	_ =	swait.ge [sflag:s19], $0x2800  }
0x36: {  	[sflag:s19] =	ssyncset.done $0x0  }
0x37: {  	[sflag:s19] =	ssyncadd.s32 $0xFFFFD800  }
0x38: {  	[bflag:$0x0] =	sbarrier.arrive $0xFFFF  }
.LBB2_6:
0x39: {  	_ =	swait.ge [sflag:s20], $0x80  }
0x3a: {  	[sflag:s20] =	ssyncset.done $0x0  }
0x3b: {  	[sflag:s20] =	ssyncadd.s32 $0xFFFFFF80  }
0x3c: {  	[spmem:s2] =	stream.indirect.scatter.add.f32 [tilespmem:s21], [sflag:$0x5], $0x10, s3, s15, $0xb8;
	[tilespmem:$0x5A00] =	vst v63  }
0x3d: {  	_ =	swait.ge [sflag:s19], $0x800  }
0x3e: {  	p0 =	seq.s32 s25, $0x4C0;
	[sflag:s19] =	ssyncset.done $0x0  }
0x3f: {  	s26 =	simm.s32 @p0 $0x2;
	[sflag:s19] =	ssyncadd.s32 $0xFFFFF800  }
0x40: {  	_ =	swait.ge @p0 [sflag:s26], $0x80  }
0x41: {  	[sflag:s26] =	ssyncset.done @p0 $0x0  }
0x42: {  	s28 =	simm.s32 @p0 $0x200;
	[sflag:s26] =	ssyncadd.s32 @p0 $0xFFFFFF80;
	s26 =	simm.s32 @p0 $0x80  }
0x43: {  	[spmem:s2] =	stream.indirect.scatter.add.f32 @p0 [tilespmem:s28], [sflag:$0x5], $0x10, s26, s26, $0xb8;
	[tilespmem:$0x5A00] =	vst v63  }
0x44: {  	s26 =	simm.s32 @p0 $0x5  }
0x45: {  	_ =	swait.ge @p0 [sflag:s26], $0x800  }
0x46: {  	[sflag:s26] =	ssyncset.done @p0 $0x0  }
0x47: {  	s28 =	simm.s32 @!p0 $0x0;
	[sflag:s26] =	ssyncadd.s32 @p0 $0xFFFFF800;
	s26 =	sadd.s32 @!p0 s25, s14  }
0x48: {  	[tilespmem:s28], [sflag:$0x1] =	stream.linear.gather @!p0 [hbm4b:s26+s28], $0x80, $0x38;
	[tilespmem:$0x5A00] =	vst v63  }
0x49: {  	s26 =	simm.s32 @!p0 $0x2  }
0x4a: {  	_ =	swait.ge @!p0 [sflag:s26], $0x80  }
0x4b: {  	[sflag:s26] =	ssyncset.done @!p0 $0x0  }
0x4c: {  	s29 =	simm.s32 @!p0 $0x200;
	[sflag:s26] =	ssyncadd.s32 @!p0 $0xFFFFFF80;
	s26 =	simm.s32 @!p0 $0x80  }
0x4d: {  	[spmem:s2] =	stream.indirect.scatter.add.f32 @!p0 [tilespmem:s29], [sflag:$0x5], $0x10, s26, s26, $0xb8;
	[tilespmem:$0x5A00] =	vst v63  }
0x4e: {  	s29 =	simm.s32 @!p0 $0x5  }
0x4f: {  	_ =	swait.ge @!p0 [sflag:s29], $0x800  }
0x50: {  	[sflag:s29] =	ssyncset.done @!p0 $0x0  }
0x51: {  	[sflag:s29] =	ssyncadd.s32 @!p0 $0xFFFFF800;
	s29 =	sadd.s32 @!p0 s25, s13  }
0x52: {  	[tilespmem:s26], [sflag:$0x2] =	stream.linear.gather @!p0 [hbm4b:s29+s28], $0x80, $0x38;
	[tilespmem:$0x5A00] =	vst v63  }
0x53: {  	_ =	swait.ge [sflag:s22], $0x80  }
0x54: {  	[sflag:s22] =	ssyncset.done $0x0  }
.Ltmp4:
0x55: {  	[sflag:s22] =	ssyncadd.s32 $0xFFFFFF80;
	(pc) =	sbr.rel @p0 .LBB2_8-.Ltmp4, $4  }
0x56: {  	[spmem:s2] =	stream.indirect.scatter.add.f32 [tilespmem:s21], [sflag:$0x5], $0x10, s16, s15, $0xb8;
	[tilespmem:$0x5A00] =	vst v63  }
0x57: {  	_ =	swait.ge [sflag:s19], $0x800  }
0x58: {  	[sflag:s19] =	ssyncset.done $0x0  }
0x59: {  	[sflag:s19] =	ssyncadd.s32 $0xFFFFF800  }
0x5a: {  	s26 =	sadd.s32 s25, s12  }
0x5b: {  	[tilespmem:s16], [sflag:$0x3] =	stream.linear.gather [hbm4b:s26+s3], $0x80, $0x38;
	[tilespmem:$0x5A00] =	vst v63  }
0x5c: {  	_ =	swait.ge [sflag:s23], $0x80  }
0x5d: {  	[sflag:s23] =	ssyncset.done $0x0  }
0x5e: {  	[sflag:s23] =	ssyncadd.s32 $0xFFFFFF80  }
0x5f: {  	[spmem:s2] =	stream.indirect.scatter.add.f32 [tilespmem:s21], [sflag:$0x5], $0x10, s17, s15, $0xb8;
	[tilespmem:$0x5A00] =	vst v63  }
.Ltmp5:
0x60: {  	_ = 	snop;
	(pc) =	sbr.rel .LBB2_6-.Ltmp5, $4  }
0x61: {  	_ =	swait.ge [sflag:s19], $0x800  }
0x62: {  	[sflag:s19] =	ssyncset.done $0x0  }
0x63: {  	s31 =	sadd.s32 s25, s11;
	s25 =	sadd.s32 $0x40, s25;
	[sflag:s19] =	ssyncadd.s32 $0xFFFFF800  }
0x64: {  	[tilespmem:s17], [sflag:$0x4] =	stream.linear.gather [hbm4b:s31+s3], $0x80, $0x38;
	[tilespmem:$0x5A00] =	vst v63  }
.LBB2_9:
0x65: {  	_ =	sfence.sel $0x180000  }
0x66: {  	[bflag:$0x0] =	sbarrier.arrive $0xFFFF  }
0x67: {  	p0 =	sne.s32 s1, $0x0;
	_ =	strace $0x90000047  }
0x68: {  	s0 =	sadd.s32 @!p0 $0x100000, s0;
	[bflag:$0x2] =	sbarrier.arrive $0xFFFF  }
0x69: {  	[sflag:s0] =	ssyncadd.tile.s32 @!p0 $0x1;
	_ =	shalt  }
.Lfunc_end2:
_tile_overlayer_lowered:
.L_overlay_start_2:
0x6a: {  	(tag) =	ssettag $0x2  }
0x6b: {  	s0 =	rddreg [dreg:$0x0];
	s2 =	stileid.u32  }
0x6c: {  	s1 =	rddreg [dreg:$0x1];
	p0 =	sne.s32 s2, $0x0  }
0x6d: {  	s3 =	rddreg [dreg:$0x2];
	[bflag:$0x3] =	sbarrier.arrive $0xFFFF;
	s2 =	simm.s32 @!p0 $0x1C05  }
0x6e: {  	[timem:s3], [sflag:s2] =	dma.local @!p0 [hbm:s0], s1  }
0x6f: {  	s0 =	simm.s32 @!p0 $0x5  }
0x70: {  	_ =	swait.ge @!p0 [sflag:s0], s1  }
0x71: {  	s1 =	ssub.s32 @!p0 $0x0, s1;
	[sflag:s0] =	ssyncset.done @!p0 $0x0  }
0x72: {  	[sflag:s0] =	ssyncadd.s32 @!p0 s1  }
0x73: {  	[bflag:$0x3] =	sbarrier.arrive $0xFFFF  }
0x74: {  	_ =	shalt  }

// kernel: kernel.9.cloned.1.call-start
scs
__scs_entry_jumppad:
0x0: {  	(pc) =	sbr.rel $0x88, $3  }
0x1: {  	(tag) =	ssettag $0x0;
	lr =	simm.s32 $0x1  }
0x2: {  	[smem:$0x3F9D] =	sst lr;
	_ =	strace $0xD0000000  }
0x3: {  	_ = 	snop  }
0x4: {  	_ = 	snop  }
0x5: {  	_ = 	snop  }
0x6: {  	_ = 	snop  }
0x7: {  	_ = 	snop  }
__scs_overlays_trampoline_lowered:
0x8: {  	[smem:$0x3FAC] =	sst s0  }
0x9: {  	[smem:$0x3FAD] =	sst s1  }
0xa: {  	[smem:$0x3FAE] =	sst s2  }
0xb: {  	[smem:$0x3FAF] =	sst s3  }
0xc: {  	[smem:$0x3FB0] =	sst s4  }
0xd: {  	[smem:$0x3FB1] =	sst s5  }
0xe: {  	[smem:$0x3FB2] =	sst s6  }
0xf: {  	[smem:$0x3FB3] =	sst s7  }
0x10: {  	[smem:$0x3FB4] =	sst s8  }
0x11: {  	[smem:$0x3FB5] =	sst s9;
	s0 =	simm.s32 @!p0 $0x0  }
0x12: {  	s1 =	sld [smem:$0x3F9B];
	s0 =	simm.s32 @p0 $0x1  }
0x13: {  	[smem:$0x3FB6] =	sst s0;
	s0 =	simm.s32 @!p1 $0x0  }
0x14: {  	s2 =	sld [smem:$0x3F9A];
	s0 =	simm.s32 @p1 $0x1  }
0x15: {  	[smem:$0x3FB7] =	sst s0;
	s0 =	simm.s32 @!p2 $0x0  }
0x16: {  	s3 =	sld [smem:$0x3FDB];
	s0 =	simm.s32 @p2 $0x1  }
0x17: {  	s4 =	simm.s32 $0x1BF5;
	[smem:$0x3FB9] =	sst s0  }
0x18: {  	s0 =	sld [smem:$0x3F9C];
	_ =	swait.ge [sflag:s4], $0x0  }
0x19: {  	s7 =	sld [smem:$0x3F9D]  }
0x1a: {  	s8 =	sadd.s32 $0xFFFFE003, lr  }
0x1b: {  	s9 =	sadd.s32 $0xFFFFFEF7, lr;
	s5 =	simm.s32 $0xFFFFFFFF;
	p2 =	slt.u32 s8, $0xFFFFF086  }
0x1c: {  	p1 =	slt.u32 s9, $0xF7A;
	s5 =	simm.s32 @!p2 $0x0  }
0x1d: {  	s5 =	simm.s32 @p1 $0x1;
	p0 =	seq.s32 s7, s2  }
0x1e: {  	s7 =	smul.u32 @!p0 $0xF7A, s2;
	p2 =	seq.s32 @!p0 s5, $0x0  }
0x1f: {  	s9 =	smul.u32 $0xF7A, s1;
	s8 =	simm.s32 @!p0 $0x1BF5;
	p2 =	por !p2, p0  }
0x20: {  	[sflag:s8] =	ssyncset.s32 @!p0 $0xFFFFF086;
	s6 =	sadd.s32 @!p0 s3, s7;
	s7 =	simm.s32 @!p0 $0x108  }
0x21: {  	s3 =	sadd.s32 s3, s9;
	s6 =	sadd.s32 @!p0 $0x88, s6;
	s7 =	simm.s32 @p2 $0x1082  }
0x22: {  	[simem:s7], [sflag:s8] =	dma.local @!p0 [hbm:s6], $0xF7A  }
0x23: {  	s9 =	sor.u32 $0xD0000000, s2;
	s6 =	simm.s32 $0x108;
	_ =	swait.ge @!p0 [sflag:s8], $0x0  }
0x24: {  	s3 =	sadd.s32 $0x88, s3;
	s6 =	simm.s32 @!p1 $0x1082;
	[sflag:s4] =	ssyncset.s32 $0xFFFFF086  }
0x25: {  	[simem:s6], [sflag:s4] =	dma.local [hbm:s3], $0xF7A  }
0x26: {  	[smem:$0x3F9D] =	sst s1;
	(tag) =	ssettag s2;
	_ =	strace s9  }
0x27: {  	s1 =	sld [smem:$0x3FAD]  }
0x28: {  	s2 =	sld [smem:$0x3FAE]  }
0x29: {  	s4 =	sld [smem:$0x3FB0]  }
0x2a: {  	p0 =	seq.s32 s5, $0x0;
	s5 =	sld [smem:$0x3FB1]  }
0x2b: {  	s6 =	sld [smem:$0x3FB2]  }
0x2c: {  	s7 =	sld [smem:$0x3FB3]  }
0x2d: {  	s3 =	simm.s32 $0x108;
	s8 =	sld [smem:$0x3FB4]  }
0x2e: {  	s3 =	simm.s32 @!p0 $0x1082;
	s9 =	sld [smem:$0x3FB5]  }
0x2f: {  	lr =	sadd.s32 s0, s3;
	s0 =	sld [smem:$0x3FAC]  }
0x30: {  	s3 =	sld [smem:$0x3FAF]  }
0x31: {  	[smem:$0x3FB8] =	sst s10  }
0x32: {  	s10 =	sld [smem:$0x3FB6];
	_ =	sdelay $0x3  }
0x33: {  	p0 =	seq.s32 s10, $0x1;
	s10 =	sld [smem:$0x3FB8];
	_ =	sdelay $0x3  }
0x34: {  	[smem:$0x3FB8] =	sst s10  }
0x35: {  	s10 =	sld [smem:$0x3FB7];
	_ =	sdelay $0x3  }
0x36: {  	p1 =	seq.s32 s10, $0x1;
	s10 =	sld [smem:$0x3FB8];
	_ =	sdelay $0x3  }
0x37: {  	[smem:$0x3FB8] =	sst s10  }
0x38: {  	s10 =	sld [smem:$0x3FB9]  }
0x39: {  	_ = 	snop;
	(pc) =	sbr.ind lr, $3  }
0x3a: {  	_ = 	snop  }
0x3b: {  	_ = 	snop  }
0x3c: {  	p2 =	seq.s32 s10, $0x1;
	s10 =	sld [smem:$0x3FB8]  }
0x3d: {  	_ =	shalt  }
0x3e: {  	_ =	shalt  }
0x3f: {  	_ =	shalt  }
0x40: {  	_ =	shalt  }
0x41: {  	_ =	shalt  }
0x42: {  	_ =	shalt  }
0x43: {  	_ =	shalt  }
0x44: {  	_ =	shalt  }
0x45: {  	_ =	shalt  }
0x46: {  	_ =	shalt  }
0x47: {  	_ =	shalt  }
0x48: {  	_ =	shalt  }
0x49: {  	_ =	shalt  }
0x4a: {  	_ =	shalt  }
0x4b: {  	_ =	shalt  }
0x4c: {  	_ =	shalt  }
0x4d: {  	_ =	shalt  }
0x4e: {  	_ =	shalt  }
0x4f: {  	_ =	shalt  }
0x50: {  	_ =	shalt  }
0x51: {  	_ =	shalt  }
0x52: {  	_ =	shalt  }
0x53: {  	_ =	shalt  }
0x54: {  	_ =	shalt  }
0x55: {  	_ =	shalt  }
0x56: {  	_ =	shalt  }
0x57: {  	_ =	shalt  }
0x58: {  	_ =	shalt  }
0x59: {  	_ =	shalt  }
0x5a: {  	_ =	shalt  }
0x5b: {  	_ =	shalt  }
0x5c: {  	_ =	shalt  }
0x5d: {  	_ =	shalt  }
0x5e: {  	_ =	shalt  }
0x5f: {  	_ =	shalt  }
0x60: {  	_ =	shalt  }
0x61: {  	_ =	shalt  }
0x62: {  	_ =	shalt  }
0x63: {  	_ =	shalt  }
0x64: {  	_ =	shalt  }
0x65: {  	_ =	shalt  }
0x66: {  	_ =	shalt  }
0x67: {  	_ =	shalt  }
0x68: {  	_ =	shalt  }
0x69: {  	_ =	shalt  }
0x6a: {  	_ =	shalt  }
0x6b: {  	_ =	shalt  }
0x6c: {  	_ =	shalt  }
0x6d: {  	_ =	shalt  }
0x6e: {  	_ =	shalt  }
0x6f: {  	_ =	shalt  }
0x70: {  	_ =	shalt  }
0x71: {  	_ =	shalt  }
0x72: {  	_ =	shalt  }
0x73: {  	_ =	shalt  }
0x74: {  	_ =	shalt  }
0x75: {  	_ =	shalt  }
0x76: {  	_ =	shalt  }
0x77: {  	_ =	shalt  }
0x78: {  	_ =	shalt  }
0x79: {  	_ =	shalt  }
0x7a: {  	_ =	shalt  }
0x7b: {  	_ =	shalt  }
0x7c: {  	_ =	shalt  }
0x7d: {  	_ =	shalt  }
0x7e: {  	_ =	shalt  }
0x7f: {  	_ =	shalt  }
0x80: {  	_ =	shalt  }
0x81: {  	_ =	shalt  }
0x82: {  	_ =	shalt  }
0x83: {  	_ =	shalt  }
0x84: {  	_ =	shalt  }
0x85: {  	_ =	shalt  }
0x86: {  	_ =	shalt  }
0x87: {  	_ =	shalt  }
.Lfunc_end0:
.L_simem_size_0:
called_computation.1_lowered:
.L_overlay_start_0:
0x88: {  	s2 =	sld [smem:$0x3FD9]  }
0x89: {  	s3 =	sld [smem:$0x3FFE];
	_ =	sdelay $0x1  }
0x8a: {  	s1 =	srdreg.scid  }
0x8b: {  	s0 =	sand.u32 $0x1, s1  }
0x8c: {  	s17 =	sshll.u32 s0, $0xA;
	s2 =	sadd.s32 s3, s2  }
0x8d: {  	s2 =	sadd.s32 s2, s17  }
0x8e: {  	[smem:$0x3FC4] =	sst s2  }
0x8f: {  	_ = 	snop  }
0x90: {  	s2 =	sld [smem:$0x3FD0];
	(tm) =	ssettm $0x1  }
0x91: {  	s18 =	sld [smem:$0x3FFB];
	_ =	sdelay $0x3  }
0x92: {  	_ =	strace s18  }
0x93: {  	s3 =	sld [smem:$0x3FFC];
	_ =	sdelay $0x3  }
0x94: {  	_ =	strace s3  }
0x95: {  	s3 =	sld [smem:$0x3FFD];
	_ =	sdelay $0x3  }
0x96: {  	_ =	strace s3  }
0x97: {  	_ =	strace $0x8FFFFFFF  }
0x98: {  	s19 =	sld [smem:$0x3FDB];
	_ =	sdelay $0x1  }
0x99: {  	s4 =	simm.s32 $_scs_section_size  }
0x9a: {  	s5 =	simm.s32 $_size__tile_overlayer_lowered;
	s6 =	simm.s32 $_tile_overlayer_lowered  }
0x9b: {  	s22 =	simm.s32 $0x1BFF;
	s21 =	sshll.u32 s6, $0x1;
	s3 =	sadd.s32 s4, s19  }
0x9c: {  	s7 =	simm.s32 $0x0;
	s20 =	sshll.u32 s5, $0x1;
	s5 =	sadd.s32 s21, s3  }
0x9d: {  	[timem:s7], [sflag:s22] =	dma.local [hbm:s5], s20  }
0x9e: {  	_ =	swait.ge [sflag:s22], s20  }
0x9f: {  	s4 =	ssub.s32 $0x0, s20;
	[sflag:s22] =	ssyncset.done $0x0  }
0xa0: {  	[sflag:s22] =	ssyncadd.s32 s4;
	_ =	sdelay $0x1  }
0xa1: {  	s23 =	simm.s32 $0x1B8B  }
0xa2: {  	_ =	swait.ge [sflag:s23], $0x1  }
0xa3: {  	[sflag:s23] =	ssyncset.done $0x0  }
0xa4: {  	s25 =	simm.s32 $0x1B8E;
	s24 =	sld [smem:$0x3FFE];
	[sflag:s23] =	ssyncadd.s32 $0xFFFFFFFF  }
0xa5: {  	s26 =	simm.s32 $execute0_lowered;
	[smem:$0x3FD2] =	sst s25  }
0xa6: {  	s5 =	sshll.u32 s26, $0x1;
	_ =	strace $0x80000049;
	[dreg:$0x1] =	wrdreg $0xFFFFFFFF  }
0xa7: {  	s28 =	simm.s32 $_size_execute0_lowered;
	s3 =	sadd.s32 s3, s5;
	[dreg:$0x0] =	wrdreg $0x0  }
0xa8: {  	s5 =	sshll.u32 s28, $0x1;
	[dreg:$0x2] =	wrdreg s3  }
0xa9: {  	[dreg:$0x3] =	wrdreg s5  }
0xaa: {  	[dreg:$0x4] =	wrdreg $0xC0  }
0xab: {  	_ =	task [dreg:s7], $0x5FFFF  }
0xac: {  	[dreg:$0x1] =	wrdreg $0xFFFFFFFF  }
0xad: {  	[dreg:$0x0] =	wrdreg $0x60  }
0xae: {  	[dreg:$0x2] =	wrdreg s24  }
0xaf: {  	[dreg:$0x3] =	wrdreg s2  }
0xb0: {  	[dreg:$0x4] =	wrdreg $0xA5000  }
0xb1: {  	[dreg:$0x5] =	wrdreg $0x9  }
0xb2: {  	_ =	task.clear_ibuf [dreg:s7], $0x6FFFF;
	_ =	strace $0x90000049  }
0xb3: {  	s29 =	simm.s32 $0x9;
	_ =	strace $0x8000004B  }
0xb4: {  	_ =	swait.ge [sflag:s29], $0x1  }
0xb5: {  	[sflag:s29] =	ssyncadd.s32 $0xFFFFFFFF  }
0xb6: {  	_ =	strace $0x9000004B  }
0xb7: {  	_ =	sfence  }
0xb8: {  	s30 =	sld [smem:$0x0];
	_ =	sdelay $0x2  }
0xb9: {  	s31 =	sshll.u32 s1, $0xD;
	s1 =	sshrl.u32 s1, $0x2  }
0xba: {  	s3 =	sand.u32 $0x4000, s31;
	s1 =	sadd.s32 s1, s30  }
0xbb: {  	s0 =	sor.u32 s3, s0;
	s1 =	sshll.u32 s1, $0x11  }
0xbc: {  	s0 =	sor.u32 s1, s0  }
0xbd: {  	s0 =	sadd.s32 $0x8F2B, s0  }
0xbe: {  	[sflag:s0] =	ssyncadd.remote.s32 $0x1  }
0xbf: {  	_ =	sfence.sel $0xFFFF  }
0xc0: {  	[dreg:$0x0] =	wrdreg $0xFFFFFFFF;
	(pc) =	sbr.abs _section_cstart, $3  }
0xc1: {  	[dreg:$0x1] =	wrdreg $0xFFFFFFFF  }
0xc2: {  	_ =	task.clear_ibuf [dreg:s7], $0x2FFFF;
	_ =	strace $0x9FFFFFFF  }
0xc3: {  	(tm) =	ssettm $0x7FFFFFFF  }
tec
execute0_lowered:
.L_overlay_start_1:
0x0: {  	(tag) =	ssettag $0x1  }
0x1: {  	s1 =	rddreg [dreg:$0x0]  }
0x2: {  	s0 =	rddreg [dreg:$0x1];
	s15 =	stileid.u32  }
0x3: {  	s3 =	srdreg.scid;
	s6 =	smul.u32 $0x280, s15  }
0x4: {  	s2 =	rddreg [dreg:$0x2];
	s29 =	simm.s32 $0x80;
	s7 =	smul.u32 $0x5000, s15  }
0x5: {  	s31 =	simm.s32 $0x8500;
	s5 =	sand.u32 $0x1, s3;
	s8 =	smul.u32 $0x28000, s15  }
0x6: {  	s3 =	simm.s32 $0x0;
	s10 =	sadd.s32 $0x1600, s1;
	s4 =	smul.u32 $0x2800, s5  }
0x7: {  	[smem:$0x7FF] =	sst s3;
	s9 =	smul.u32 $0x50000, s5;
	s5 =	ssub.s32 $0x2, s5  }
0x8: {  	s17 =	smul.u32 $0xA00, s15;
	_ =	strace $0x8000004A;
	s11 =	sshrl.u32 s5, $0x1  }
0x9: {  	s8 =	sshrl.u32 s8, $0x2;
	s22 =	sshrl.u32 s7, $0x3;
	s23 =	sor.u32 $0x80, s7  }
0xa: {  	s13 =	sor.u32 $0x100, s7;
	s30 =	sor.u32 $0x180, s7;
	s6 =	sadd.s32 s6, s4  }
0xb: {  	s4 =	sadd.s32 $0x5B600, s1;
	s12 =	sadd.s32 s7, s9;
	s5 =	ssub.s32 s5, s11  }
0xc: {  	s8 =	sadd.s32 s8, s2;
	s24 =	sadd.s32 s9, s23;
	s11 =	sshrl.u32 s23, $0x3  }
0xd: {  	s14 =	sadd.s32 s9, s13;
	s28 =	sshrl.u32 s13, $0x3;
	s13 =	sadd.s32 s9, s30  }
0xe: {  	s7 =	sor.u32 $0x200, s7;
	s6 =	sshll.u32 s6, $0x3;
	[dreg:$0x4] =	wrdreg s8  }
0xf: {  	s21 =	sshrl.u32 s12, $0x3;
	s25 =	sadd.s32 s10, s11;
	s26 =	sshrl.u32 s14, $0x3  }
0x10: {  	s11 =	sshrl.u32 s30, $0x3;
	s9 =	sadd.s32 s9, s7;
	s7 =	sshrl.u32 s7, $0x3  }
0x11: {  	s18 =	sor.u32 $0x480, s12;
	s19 =	sor.u32 $0x400, s12;
	s23 =	sor.u32 $0x280, s12  }
0x12: {  	s30 =	smax.u32 s5, $0x1;
	s5 =	simm.s32 $0x400;
	s1 =	sadd.s32 s6, s1  }
0x13: {  	s8 =	sadd.s32 s0, s21;
	[dreg:$0x8] =	wrdreg s25;
	s14 =	sadd.s32 s10, s11  }
0x14: {  	s16 =	sshrl.u32 s9, $0x3;
	s7 =	sadd.s32 s10, s7;
	s20 =	sshrl.u32 s19, $0x3  }
0x15: {  	s21 =	sor.u32 $0x380, s12;
	s25 =	sshrl.u32 s23, $0x3;
	[dreg:$0x12] =	wrdreg s30  }
0x16: {  	s6 =	sadd.s32 s4, s6;
	s9 =	simm.s32 $0x2500;
	[dreg:$0x5] =	wrdreg s8  }
0x17: {  	s11 =	simm.s32 $0x4500;
	s8 =	sadd.s32 s10, s22;
	[dreg:$0xc] =	wrdreg s14  }
0x18: {  	[dreg:$0xe] =	wrdreg s7;
	s7 =	sshrl.u32 s18, $0x3;
	s18 =	sadd.s32 s20, s0  }
0x19: {  	s22 =	sor.u32 $0x300, s12;
	[dreg:$0xf] =	wrdreg s6;
	s12 =	simm.s32 $0x200  }
0x1a: {  	s14 =	simm.s32 $0x1;
	[dreg:$0x6] =	wrdreg s8;
	s8 =	sshrl.u32 s24, $0x3  }
0x1b: {  	s24 =	sshrl.u32 s22, $0x3;
	s22 =	simm.s32 $0x6500;
	s8 =	sadd.s32 s0, s8  }
0x1c: {  	s20 =	sadd.s32 s24, s0;
	s24 =	simm.s32 $0x2;
	[dreg:$0x7] =	wrdreg s8  }
0x1d: {  	s8 =	sadd.s32 s0, s26;
	s26 =	sshll.u32 s15, $0x6;
	s15 =	simm.s32 $0x9  }
0x1e: {  	[dreg:$0x9] =	wrdreg s8;
	s8 =	sadd.s32 s10, s28;
	s6 =	sor.u32 $0x1C0B, s26  }
0x1f: {  	s28 =	sadd.s32 $0xB600, s1;
	s26 =	simm.s32 $0xB;
	[dreg:$0xa] =	wrdreg s8  }
0x20: {  	s1 =	simm.s32 $0x180;
	s8 =	sshrl.u32 s13, $0x3;
	[dreg:$0x11] =	wrdreg s28  }
.Ltmp0:
0x21: {  	[dreg:$0x10] =	wrdreg s6;
	s8 =	sadd.s32 s0, s8;
	(pc) =	sbr.rel .LBB2_1-.Ltmp0, $4  }
0x22: {  	s13 =	simm.s32 $0x480;
	[dreg:$0xb] =	wrdreg s8;
	s8 =	sadd.s32 s0, s16  }
0x23: {  	s16 =	sadd.s32 s17, s10;
	s17 =	sadd.s32 s7, s0;
	s7 =	sshrl.u32 s21, $0x3  }
0x24: {  	s21 =	sadd.s32 s25, s0;
	s25 =	simm.s32 $0xA;
	[dreg:$0xd] =	wrdreg s8  }
0x25: {  	s19 =	sadd.s32 s7, s0;
	s7 =	simm.s32 $0x500;
	s8 =	simm.s32 $0x0  }
.LBB2_4:
0x26: {  	[bflag:$0x0] =	sbarrier.arrive $0xFFFF  }
0x27: {  	s6 =	rddreg [dreg:$0x10]  }
0x28: {  	s0 =	rddreg [dreg:$0x11]  }
0x29: {  	s8 =	rddreg [dreg:$0x14]  }
0x2a: {  	[hbm:s0], [sflag:s6] =	dma.local [spmem:s8], $0x1400  }
0x2b: {  	_ =	swait.ge [sflag:s26], $0x1400  }
0x2c: {  	s28 =	rddreg [dreg:$0x13]  }
0x2d: {  	s30 =	rddreg [dreg:$0x12];
	s8 =	sadd.s32 $0x1, s28  }
0x2e: {  	p0 =	sne.s32 s8, s30  }
.Ltmp1:
0x2f: {  	_ = 	snop;
	(pc) =	sbr.rel @!p0 .LBB2_5-.Ltmp1, $3  }
0x30: {  	_ =	sdelay $0x1  }
0x31: {  	[sflag:s26] =	ssyncset.done $0x0  }
0x32: {  	[sflag:s26] =	ssyncadd.s32 $0xFFFFEC00  }
.LBB2_1:
0x33: {  	[dreg:$0x13] =	wrdreg s8  }
0x34: {  	s0 =	rddreg [dreg:$0x4]  }
0x35: {  	s30 =	rddreg [dreg:$0xf];
	s28 =	sshrl.u32 s0, $0x3  }
0x36: {  	[dreg:$0x14] =	wrdreg s28  }
0x37: {  	[spmem:s28], [sflag:s6] =	dma.local [hbm:s30], $0x1400  }
0x38: {  	_ =	swait.ge [sflag:s26], $0x1400  }
0x39: {  	[sflag:s26] =	ssyncset.done $0x0  }
0x3a: {  	[sflag:s26] =	ssyncadd.s32 $0xFFFFEC00  }
0x3b: {  	[bflag:$0x0] =	sbarrier.arrive $0xFFFF  }
0x3c: {  	s6 =	rddreg [dreg:$0x5]  }
0x3d: {  	[tilespmem:s3], [sflag:$0x6] =	stream.linear.gather [hbm4b:s6+s3], $0x80, $0x38;
	[tilespmem:$0x14500] =	vst v63  }
0x3e: {  	s10 =	simm.s32 $0x280;
	s8 =	rddreg [dreg:$0x6]  }
0x3f: {  	[tilespmem:s10], [sflag:$0x6] =	stream.linear.gather [hbm4b:s8+s3], $0x80, $0x38;
	[tilespmem:$0x14500] =	vst v63  }
0x40: {  	s23 =	rddreg [dreg:$0x7]  }
0x41: {  	[tilespmem:s29], [sflag:$0x7] =	stream.linear.gather [hbm4b:s23+s3], $0x80, $0x38;
	[tilespmem:$0x14500] =	vst v63  }
0x42: {  	s30 =	simm.s32 $0x300;
	s28 =	rddreg [dreg:$0x8]  }
0x43: {  	[tilespmem:s30], [sflag:$0x7] =	stream.linear.gather [hbm4b:s28+s3], $0x80, $0x38;
	[tilespmem:$0x14500] =	vst v63  }
0x44: {  	s6 =	simm.s32 $0x100;
	s8 =	rddreg [dreg:$0x9]  }
0x45: {  	[tilespmem:s6], [sflag:$0x8] =	stream.linear.gather [hbm4b:s8+s3], $0x80, $0x38;
	[tilespmem:$0x14500] =	vst v63  }
0x46: {  	s10 =	rddreg [dreg:$0xa];
	s23 =	simm.s32 $0x380  }
0x47: {  	[tilespmem:s23], [sflag:$0x8] =	stream.linear.gather [hbm4b:s10+s3], $0x80, $0x38;
	[tilespmem:$0x14500] =	vst v63  }
0x48: {  	s28 =	rddreg [dreg:$0xb]  }
0x49: {  	[tilespmem:s1], [sflag:$0x9] =	stream.linear.gather [hbm4b:s28+s3], $0x80, $0x38;
	[tilespmem:$0x14500] =	vst v63  }
0x4a: {  	s30 =	rddreg [dreg:$0xc];
	s8 =	simm.s32 $0x6  }
0x4b: {  	[tilespmem:s5], [sflag:$0x9] =	stream.linear.gather [hbm4b:s30+s3], $0x80, $0x38;
	[tilespmem:$0x14500] =	vst v63  }
0x4c: {  	_ =	swait.ge [sflag:s8], $0x80  }
0x4d: {  	[sflag:s8] =	ssyncset.done $0x0  }
0x4e: {  	[sflag:s8] =	ssyncadd.s32 $0xFFFFFF80  }
0x4f: {  	_ =	swait.ge [sflag:s8], $0x80  }
0x50: {  	[sflag:s8] =	ssyncset.done $0x0  }
0x51: {  	s10 =	simm.s32 $0x7;
	[sflag:s8] =	ssyncadd.s32 $0xFFFFFF80  }
0x52: {  	[tilespmem:s7], [sflag:$0x1] =	stream.indirect.gather [hbm4b:s4+s29], $0x40, s3, s29, $0xb8;
	[tilespmem:$0x14500] =	vst v63  }
0x53: {  	_ =	swait.ge [sflag:s10], $0x80  }
0x54: {  	[sflag:s10] =	ssyncset.done $0x0  }
0x55: {  	[sflag:s10] =	ssyncadd.s32 $0xFFFFFF80  }
0x56: {  	_ =	swait.ge [sflag:s10], $0x80  }
0x57: {  	[sflag:s10] =	ssyncset.done $0x0  }
0x58: {  	s23 =	simm.s32 $0x8;
	[sflag:s10] =	ssyncadd.s32 $0xFFFFFF80  }
0x59: {  	[tilespmem:s9], [sflag:$0x2] =	stream.indirect.gather [hbm4b:s4+s29], $0x40, s29, s29, $0xb8;
	[tilespmem:$0x14500] =	vst v63  }
0x5a: {  	_ =	swait.ge [sflag:s23], $0x80  }
0x5b: {  	[sflag:s23] =	ssyncset.done $0x0  }
0x5c: {  	[sflag:s23] =	ssyncadd.s32 $0xFFFFFF80  }
0x5d: {  	_ =	swait.ge [sflag:s23], $0x80  }
0x5e: {  	[sflag:s23] =	ssyncset.done $0x0  }
0x5f: {  	[sflag:s23] =	ssyncadd.s32 $0xFFFFFF80  }
0x60: {  	[tilespmem:s11], [sflag:$0x3] =	stream.indirect.gather [hbm4b:s4+s29], $0x40, s6, s29, $0xb8;
	[tilespmem:$0x14500] =	vst v63  }
0x61: {  	s28 =	rddreg [dreg:$0xd]  }
0x62: {  	[tilespmem:s12], [sflag:$0xA] =	stream.linear.gather [hbm4b:s28+s3], $0x80, $0x38;
	[tilespmem:$0x14500] =	vst v63  }
0x63: {  	s8 =	simm.s32 $0x0;
	s30 =	rddreg [dreg:$0xe]  }
0x64: {  	[tilespmem:s13], [sflag:$0xA] =	stream.linear.gather [hbm4b:s30+s3], $0x80, $0x38;
	[tilespmem:$0x14500] =	vst v63  }
.LBB2_2:
0x65: {  	_ =	swait.ge [sflag:s14], $0x2000  }
0x66: {  	[sflag:s14] =	ssyncset.done $0x0  }
0x67: {  	[sflag:s14] =	ssyncadd.s32 $0xFFFFE000  }
0x68: {  	_ =	swait.ge [sflag:s15], $0x80  }
0x69: {  	[sflag:s15] =	ssyncset.done $0x0  }
0x6a: {  	[sflag:s15] =	ssyncadd.s32 $0xFFFFFF80  }
0x6b: {  	_ =	swait.ge [sflag:s15], $0x80  }
0x6c: {  	[sflag:s15] =	ssyncset.done $0x0  }
0x6d: {  	[sflag:s15] =	ssyncadd.s32 $0xFFFFFF80  }
0x6e: {  	[tilespmem:s22], [sflag:$0x4] =	stream.indirect.gather [hbm4b:s4+s29], $0x40, s1, s29, $0xb8;
	[tilespmem:$0x14500] =	vst v63  }
0x6f: {  	s0 =	simm.s32 $0x280  }
0x70: {  	[spmem:s2] =	stream.indirect.scatter.add.f32 [tilespmem:s7], [sflag:$0xB], $0x40, s0, s29, $0xb8;
	[tilespmem:$0x14500] =	vst v63  }
0x71: {  	_ =	swait.ge [sflag:s26], $0x2000  }
0x72: {  	p0 =	seq.s32 s8, $0x9B0;
	[sflag:s26] =	ssyncset.done $0x0  }
0x73: {  	s10 =	sadd.s32 @!p0 s8, s21;
	s6 =	simm.s32 @!p0 $0x0;
	[sflag:s26] =	ssyncadd.s32 $0xFFFFE000  }
0x74: {  	[tilespmem:s6], [sflag:$0x6] =	stream.linear.gather @!p0 [hbm4b:s10+s6], $0x80, $0x38;
	[tilespmem:$0x14500] =	vst v63  }
0x75: {  	s10 =	sadd.s32 @!p0 s8, s16  }
0x76: {  	s23 =	simm.s32 @!p0 $0x280;
	s10 =	sadd.s32 @!p0 $0x50, s10  }
0x77: {  	[tilespmem:s23], [sflag:$0x6] =	stream.linear.gather @!p0 [hbm4b:s10+s6], $0x80, $0x38;
	[tilespmem:$0x14500] =	vst v63  }
0x78: {  	_ =	swait.ge [sflag:s24], $0x2000  }
0x79: {  	[sflag:s24] =	ssyncset.done $0x0  }
0x7a: {  	[sflag:s24] =	ssyncadd.s32 $0xFFFFE000  }
0x7b: {  	_ =	swait.ge [sflag:s25], $0x80  }
0x7c: {  	[sflag:s25] =	ssyncset.done $0x0  }
0x7d: {  	[sflag:s25] =	ssyncadd.s32 $0xFFFFFF80  }
0x7e: {  	_ =	swait.ge [sflag:s25], $0x80  }
0x7f: {  	[sflag:s25] =	ssyncset.done $0x0  }
0x80: {  	[sflag:s25] =	ssyncadd.s32 $0xFFFFFF80  }
0x81: {  	[tilespmem:s31], [sflag:$0x5] =	stream.indirect.gather [hbm4b:s4+s29], $0x40, s12, s29, $0xb8;
	[tilespmem:$0x14500] =	vst v63  }
0x82: {  	s28 =	simm.s32 $0x300  }
0x83: {  	[spmem:s2] =	stream.indirect.scatter.add.f32 [tilespmem:s9], [sflag:$0xB], $0x40, s28, s29, $0xb8;
	[tilespmem:$0x14500] =	vst v63  }
0x84: {  	p1 =	sne.s32 s8, $0x9B0;
	_ =	swait.ge [sflag:s26], $0x2000  }
0x85: {  	s6 =	sadd.s32 @p1 s8, s20;
	[sflag:s26] =	ssyncset.done $0x0  }
0x86: {  	s23 =	simm.s32 @p1 $0x0;
	s10 =	simm.s32 @p1 $0x80;
	[sflag:s26] =	ssyncadd.s32 $0xFFFFE000  }
0x87: {  	[tilespmem:s10], [sflag:$0x7] =	stream.linear.gather @p1 [hbm4b:s6+s23], $0x80, $0x38;
	[tilespmem:$0x14500] =	vst v63  }
0x88: {  	s6 =	sadd.s32 @p1 s8, s16  }
0x89: {  	s30 =	simm.s32 @p1 $0x300;
	s28 =	sadd.s32 @p1 $0x60, s6  }
0x8a: {  	[tilespmem:s30], [sflag:$0x7] =	stream.linear.gather @p1 [hbm4b:s28+s23], $0x80, $0x38;
	[tilespmem:$0x14500] =	vst v63  }
0x8b: {  	s28 =	simm.s32 @p1 $0x3  }
0x8c: {  	_ =	swait.ge @p1 [sflag:s28], $0x2000  }
0x8d: {  	[sflag:s28] =	ssyncset.done @p1 $0x0  }
0x8e: {  	[sflag:s28] =	ssyncadd.s32 @p1 $0xFFFFE000;
	s28 =	simm.s32 @p1 $0x6  }
0x8f: {  	_ =	swait.ge @p1 [sflag:s28], $0x80  }
0x90: {  	[sflag:s28] =	ssyncset.done @p1 $0x0  }
0x91: {  	[sflag:s28] =	ssyncadd.s32 @p1 $0xFFFFFF80  }
0x92: {  	_ =	swait.ge @p1 [sflag:s28], $0x80  }
0x93: {  	[sflag:s28] =	ssyncset.done @p1 $0x0  }
0x94: {  	[sflag:s28] =	ssyncadd.s32 @p1 $0xFFFFFF80;
	s28 =	simm.s32 @p1 $0x500  }
0x95: {  	[tilespmem:s28], [sflag:$0x1] =	stream.indirect.gather @p1 [hbm4b:s4+s10], $0x40, s23, s10, $0xb8;
	[tilespmem:$0x14500] =	vst v63  }
0x96: {  	s28 =	simm.s32 @!p1 $0x3  }
0x97: {  	_ =	swait.ge @!p1 [sflag:s28], $0x2000  }
0x98: {  	[sflag:s28] =	ssyncset.done @!p1 $0x0  }
0x99: {  	s30 =	simm.s32 $0x380;
	[sflag:s28] =	ssyncadd.s32 @!p1 $0xFFFFE000  }
0x9a: {  	[spmem:s2] =	stream.indirect.scatter.add.f32 [tilespmem:s11], [sflag:$0xB], $0x40, s30, s29, $0xb8;
	[tilespmem:$0x14500] =	vst v63  }
0x9b: {  	_ =	swait.ge [sflag:s26], $0x2000  }
0x9c: {  	[sflag:s26] =	ssyncset.done $0x0  }
0x9d: {  	s28 =	sadd.s32 @p1 s8, s19;
	s30 =	simm.s32 @p1 $0x100;
	[sflag:s26] =	ssyncadd.s32 $0xFFFFE000  }
0x9e: {  	[tilespmem:s30], [sflag:$0x8] =	stream.linear.gather @p1 [hbm4b:s28+s23], $0x80, $0x38;
	[tilespmem:$0x14500] =	vst v63  }
0x9f: {  	s0 =	simm.s32 @p1 $0x380;
	s28 =	sadd.s32 @p1 $0x70, s6  }
0xa0: {  	[tilespmem:s0], [sflag:$0x8] =	stream.linear.gather @p1 [hbm4b:s28+s23], $0x80, $0x38;
	[tilespmem:$0x14500] =	vst v63  }
0xa1: {  	s0 =	simm.s32 @p1 $0x4  }
0xa2: {  	_ =	swait.ge @p1 [sflag:s0], $0x2000  }
0xa3: {  	[sflag:s0] =	ssyncset.done @p1 $0x0  }
0xa4: {  	[sflag:s0] =	ssyncadd.s32 @p1 $0xFFFFE000;
	s0 =	simm.s32 @p1 $0x7  }
0xa5: {  	_ =	swait.ge @p1 [sflag:s0], $0x80  }
0xa6: {  	[sflag:s0] =	ssyncset.done @p1 $0x0  }
0xa7: {  	[sflag:s0] =	ssyncadd.s32 @p1 $0xFFFFFF80  }
0xa8: {  	_ =	swait.ge @p1 [sflag:s0], $0x80  }
0xa9: {  	[sflag:s0] =	ssyncset.done @p1 $0x0  }
0xaa: {  	[sflag:s0] =	ssyncadd.s32 @p1 $0xFFFFFF80;
	s0 =	simm.s32 @p1 $0x2500  }
0xab: {  	[tilespmem:s0], [sflag:$0x2] =	stream.indirect.gather @p1 [hbm4b:s4+s10], $0x40, s10, s10, $0xb8;
	[tilespmem:$0x14500] =	vst v63  }
0xac: {  	s0 =	simm.s32 @!p1 $0x4  }
0xad: {  	_ =	swait.ge @!p1 [sflag:s0], $0x2000  }
0xae: {  	[sflag:s0] =	ssyncset.done @!p1 $0x0  }
0xaf: {  	[sflag:s0] =	ssyncadd.s32 @!p1 $0xFFFFE000  }
0xb0: {  	[spmem:s2] =	stream.indirect.scatter.add.f32 [tilespmem:s22], [sflag:$0xB], $0x40, s5, s29, $0xb8;
	[tilespmem:$0x14500] =	vst v63  }
0xb1: {  	_ =	swait.ge [sflag:s26], $0x2000  }
0xb2: {  	[sflag:s26] =	ssyncset.done $0x0  }
0xb3: {  	s28 =	simm.s32 @p1 $0x180;
	s0 =	sadd.s32 @p1 s8, s18;
	[sflag:s26] =	ssyncadd.s32 $0xFFFFE000  }
0xb4: {  	[tilespmem:s28], [sflag:$0x9] =	stream.linear.gather @p1 [hbm4b:s0+s23], $0x80, $0x38;
	[tilespmem:$0x14500] =	vst v63  }
0xb5: {  	s0 =	sadd.s32 @p1 $0x80, s6;
	s6 =	simm.s32 @p1 $0x400  }
0xb6: {  	[tilespmem:s6], [sflag:$0x9] =	stream.linear.gather @p1 [hbm4b:s0+s23], $0x80, $0x38;
	[tilespmem:$0x14500] =	vst v63  }
0xb7: {  	s0 =	simm.s32 @p1 $0x5  }
0xb8: {  	_ =	swait.ge @p1 [sflag:s0], $0x2000  }
0xb9: {  	[sflag:s0] =	ssyncset.done @p1 $0x0  }
0xba: {  	[sflag:s0] =	ssyncadd.s32 @p1 $0xFFFFE000;
	s0 =	simm.s32 @p1 $0x8  }
0xbb: {  	_ =	swait.ge @p1 [sflag:s0], $0x80  }
0xbc: {  	[sflag:s0] =	ssyncset.done @p1 $0x0  }
0xbd: {  	[sflag:s0] =	ssyncadd.s32 @p1 $0xFFFFFF80  }
0xbe: {  	_ =	swait.ge @p1 [sflag:s0], $0x80  }
0xbf: {  	[sflag:s0] =	ssyncset.done @p1 $0x0  }
0xc0: {  	[sflag:s0] =	ssyncadd.s32 @p1 $0xFFFFFF80;
	s0 =	simm.s32 @p1 $0x4500  }
0xc1: {  	[tilespmem:s0], [sflag:$0x3] =	stream.indirect.gather @p1 [hbm4b:s4+s10], $0x40, s30, s10, $0xb8;
	[tilespmem:$0x14500] =	vst v63  }
0xc2: {  	s0 =	simm.s32 @!p1 $0x5  }
0xc3: {  	_ =	swait.ge @!p1 [sflag:s0], $0x2000  }
0xc4: {  	[sflag:s0] =	ssyncset.done @!p1 $0x0  }
.Ltmp2:
0xc5: {  	[sflag:s0] =	ssyncadd.s32 @!p1 $0xFFFFE000;
	(pc) =	sbr.rel @p0 .LBB2_4-.Ltmp2, $4  }
0xc6: {  	[spmem:s2] =	stream.indirect.scatter.add.f32 [tilespmem:s31], [sflag:$0xB], $0x40, s13, s29, $0xb8;
	[tilespmem:$0x14500] =	vst v63  }
0xc7: {  	_ =	swait.ge [sflag:s26], $0x2000  }
0xc8: {  	[sflag:s26] =	ssyncset.done $0x0  }
0xc9: {  	[sflag:s26] =	ssyncadd.s32 $0xFFFFE000  }
.Ltmp3:
0xca: {  	(pc) =	sbr.rel .LBB2_2-.Ltmp3, $4  }
0xcb: {  	s0 =	sadd.s32 s8, s17;
	s30 =	sadd.s32 s8, s16  }
0xcc: {  	[tilespmem:s12], [sflag:$0xA] =	stream.linear.gather [hbm4b:s0+s3], $0x80, $0x38;
	[tilespmem:$0x14500] =	vst v63  }
0xcd: {  	s8 =	sadd.s32 $0x50, s8;
	s0 =	sadd.s32 $0x90, s30  }
0xce: {  	[tilespmem:s13], [sflag:$0xA] =	stream.linear.gather [hbm4b:s0+s3], $0x80, $0x38;
	[tilespmem:$0x14500] =	vst v63  }
.LBB2_5:
0xcf: {  	_ =	sfence.sel $0x180000  }
0xd0: {  	[bflag:$0x0] =	sbarrier.arrive $0xFFFF  }
0xd1: {  	_ =	strace $0x9000004A  }
0xd2: {  	s0 =	stileid.u32;
	[bflag:$0x2] =	sbarrier.arrive $0xFFFF  }
0xd3: {  	p0 =	sne.s32 s0, $0x0;
	s0 =	rddreg [dreg:$0x3]  }
0xd4: {  	s0 =	sadd.s32 @!p0 $0x100000, s0  }
0xd5: {  	[sflag:s0] =	ssyncadd.tile.s32 @!p0 $0x1;
	_ =	shalt  }
.Lfunc_end2:
_tile_overlayer_lowered:
.L_overlay_start_2:
0xd6: {  	(tag) =	ssettag $0x2  }
0xd7: {  	s0 =	rddreg [dreg:$0x0];
	s2 =	stileid.u32  }
0xd8: {  	s1 =	rddreg [dreg:$0x1];
	p0 =	sne.s32 s2, $0x0  }
0xd9: {  	s3 =	rddreg [dreg:$0x2];
	[bflag:$0x3] =	sbarrier.arrive $0xFFFF;
	s2 =	simm.s32 @!p0 $0x1C0B  }
0xda: {  	[timem:s3], [sflag:s2] =	dma.local @!p0 [hbm:s0], s1  }
0xdb: {  	s0 =	simm.s32 @!p0 $0xB  }
0xdc: {  	_ =	swait.ge @!p0 [sflag:s0], s1  }
0xdd: {  	s1 =	ssub.s32 @!p0 $0x0, s1;
	[sflag:s0] =	ssyncset.done @!p0 $0x0  }
0xde: {  	[sflag:s0] =	ssyncadd.s32 @!p0 s1  }
0xdf: {  	[bflag:$0x3] =	sbarrier.arrive $0xFFFF  }
0xe0: {  	_ =	shalt  }

</sc_bundles>
